<compile_context>
chip_gen: v7x
topology: tpu7x:2x2x1
jax: 0.10.2.dev20260603
libtpu: 0.0.44.dev20260713+nightly
codegen_flags: <defaults>
</compile_context>

<pallas_src>
import functools

import jax
import jax.numpy as jnp
from jax import lax
from jax.experimental import pallas as pl
from jax.experimental.pallas import tpu as pltpu
from jax.experimental.pallas import tpu_sc as plsc

N = 10000
E = 320000
D = 128
NC = 2
NS = 16
NW = NC * NS
EPW = E // NW
GROUPS = EPW // 16
FULL_ROWS = GROUPS // 8
ROWS = FULL_ROWS + 1
TRASH = N + 8
YROWS = 10240
DEGN = 10240


def _sc_spmv(codes_padded, x):
  mesh = plsc.VectorSubcoreMesh(core_axis_name="c", subcore_axis_name="s")

  @functools.partial(
      pl.kernel,
      mesh=mesh,
      out_type=[
          jax.ShapeDtypeStruct((2 * N, D), jnp.float32),
          jax.ShapeDtypeStruct((2 * DEGN,), jnp.float32),
      ],
      scratch_types=[
          pltpu.VMEM((EPW + 16,), jnp.int32),
          pltpu.VMEM((128,), jnp.int32),
          pltpu.VMEM((128,), jnp.int32),
          pltpu.VMEM((128,), jnp.int32),
          pltpu.VMEM((128,), jnp.int32),
          pltpu.VMEM((128, D), jnp.float32),
          pltpu.VMEM((128, D), jnp.float32),
          pltpu.VMEM((128,), jnp.float32),
          pltpu.VMEM((640,), jnp.float32),
          pltpu.VMEM_SHARED((YROWS, D), jnp.float32),
          pltpu.VMEM_SHARED((DEGN,), jnp.float32),
          pltpu.SemaphoreType.DMA,
      ],
  )
  def body(codes_hbm, x_hbm, y_out, deg_out,
           ext, dA, dB, sA, sB, bufA, bufB, ones_v, z640,
           y_sh, deg_sh, sem):
    c = lax.axis_index("c")
    sid = lax.axis_index("s")
    wid = sid * NC + c

    zero16f = jnp.zeros((16,), jnp.float32)
    one16f = jnp.ones((16,), jnp.float32)
    trash16 = jnp.full((16,), TRASH, jnp.int32)
    zero16i = jnp.zeros((16,), jnp.int32)
    n16 = jnp.full((16,), N, jnp.int32)

    for k in range(8):
      ones_v[pl.ds(16 * k, 16)] = one16f
    for k in range(40):
      z640[pl.ds(16 * k, 16)] = zero16f

    def zrow(r, _):
      for s in range(8):
        bufA[r, pl.ds(16 * s, 16)] = zero16f
      return 0
    lax.fori_loop(0, 128, zrow, 0)

    zb = sid * 640
    for k in range(5):
      pltpu.sync_copy(bufA.at[pl.ds(0, 128)],
                      y_sh.at[pl.ds(zb + 128 * k, 128)])
    pltpu.sync_copy(z640, deg_sh.at[pl.ds(sid * 640, 640)])

    pltpu.sync_copy(codes_hbm.at[pl.ds(wid * EPW, EPW + 16)], ext)

    plsc.subcore_barrier()

    def build_group(r, s):
      g = r * 8 + s
      cg = ext[pl.ds(8 + 16 * g, 16)]
      cp = ext[pl.ds(7 + 16 * g, 16)]
      dup = cg == cp
      u = lax.div(cg, n16)
      v = cg - u * n16
      dA[pl.ds(16 * s, 16)] = jnp.where(dup, trash16, u)
      sA[pl.ds(16 * s, 16)] = v
      dB[pl.ds(16 * s, 16)] = jnp.where(dup, trash16, v)
      sB[pl.ds(16 * s, 16)] = u

    def dummy_group(s):
      dA[pl.ds(16 * s, 16)] = trash16
      sA[pl.ds(16 * s, 16)] = zero16i
      dB[pl.ds(16 * s, 16)] = trash16
      sB[pl.ds(16 * s, 16)] = zero16i

    def do_batch():
      pltpu.sync_copy(ones_v, deg_sh.at[dA], add=True)
      pltpu.sync_copy(ones_v, deg_sh.at[dB], add=True)
      pltpu.async_copy(x_hbm.at[sA], bufA, sem).wait()
      pltpu.sync_copy(bufA, y_sh.at[dA], add=True)
      pltpu.async_copy(x_hbm.at[sB], bufB, sem).wait()
      pltpu.sync_copy(bufB, y_sh.at[dB], add=True)

    def batch_row(r, _):
      for s in range(8):
        build_group(r, s)
      do_batch()
      return 0
    lax.fori_loop(0, FULL_ROWS, batch_row, 0)
    build_group(FULL_ROWS, 0)
    for s in range(1, 8):
      dummy_group(s)
    do_batch()

    plsc.subcore_barrier()

    ob = sid * 624
    for k in range(5):
      pltpu.sync_copy(y_sh.at[pl.ds(ob + 128 * k, 128)],
                      bufA.at[pl.ds(0, 128)])
      pltpu.sync_copy(bufA.at[pl.ds(0, 128)],
                      y_out.at[pl.ds(c * N + ob + 128 * k, 128)])
    pltpu.sync_copy(deg_sh.at[pl.ds(sid * 640, 640)], z640)
    pltpu.sync_copy(z640, deg_out.at[pl.ds(c * DEGN + sid * 640, 640)])

  return body(codes_padded, x)


def _tc_normalize(x, y0, y1, d0, d1):
  blk = 400
  grid = N // blk

  def body(x_ref, y0_ref, y1_ref, d0_ref, d1_ref, o_ref):
    d = d0_ref[...] + d1_ref[...]
    y = y0_ref[...] + y1_ref[...]
    pos = d > 0.0
    scale = jnp.where(pos, 1.0 / (4.0 * jnp.where(pos, d, 1.0)), 0.0)
    o_ref[...] = jnp.where(pos, 0.75 * x_ref[...] + y * scale, 0.0)

  fspec = pl.BlockSpec((blk, D), lambda i: (i, 0))
  dspec = pl.BlockSpec((blk, 1), lambda i: (i, 0))
  return pl.pallas_call(
      body,
      grid=(grid,),
      in_specs=[fspec, fspec, fspec, dspec, dspec],
      out_specs=fspec,
      out_shape=jax.ShapeDtypeStruct((N, D), jnp.float32),
  )(x, y0, y1, d0, d1)


def kernel(x, edge_index):
  e = edge_index.astype(jnp.int32)
  u = jnp.minimum(e[0], e[1])
  v = jnp.maximum(e[0], e[1])
  codes = lax.sort(u * N + v, is_stable=False)
  pad_lo = jnp.full((8,), -1, jnp.int32)
  pad_hi = jnp.full((16,), -1, jnp.int32)
  codes_padded = jnp.concatenate([pad_lo, codes, pad_hi])

  y_flat, deg_flat = _sc_spmv(codes_padded, x)

  y0 = y_flat[:N]
  y1 = y_flat[N:]
  d0 = deg_flat[:N, None]
  d1 = deg_flat[DEGN:DEGN + N, None]
  return _tc_normalize(x, y0, y1, d0, d1)

# --- scband reference (transcript-rebuilt; emitter-appended) ---
"""Pipeline reference for scband-uni-gencoder-62715112456288 (READ-ONLY COPY).

The authoritative reference and input builder live on the scoring server;
editing this copy changes nothing except your own understanding.
"""

import jax, jax.numpy as jnp
import numpy as np

N_NODES = 10000
N_EDGES = 320000
D_FEAT = 128
INIT_VAL = 1.0
# INIT_TYPE = 1 (singleton hyperedge value = node_num_egde[v] * init_val)
# NORM_TYPE = 0 (row-normalize Pv by hyperedge degree, row-normalize PvT by vertex degree)


def setup_inputs(seed: int = 0):
    key = jax.random.key(seed)
    k1, k2 = jax.random.split(key)
    x = jax.random.normal(k1, (N_NODES, D_FEAT), dtype=jnp.float32)
    edge_index = jax.random.randint(k2, (2, N_EDGES), 0, N_NODES, dtype=jnp.int32).astype(jnp.int64)
    return {"x": x, "edge_index": edge_index}


def _build_incidence(edge_index):
    # d_expansion: deduplicate undirected edges -> hyperedges of size 2,
    # then add a singleton self-hyperedge for every vertex (self_set is empty
    # since every pair hyperedge has length 2).
    u = jnp.minimum(edge_index[0], edge_index[1]).astype(jnp.int64)
    v = jnp.maximum(edge_index[0], edge_index[1]).astype(jnp.int64)
    code = jnp.sort(u * N_NODES + v)
    is_first = jnp.concatenate(
        [jnp.ones((1,), dtype=jnp.bool_), code[1:] != code[:-1]]
    )
    seg = jnp.cumsum(is_first.astype(jnp.int32)) - 1
    uu = (code // N_NODES).astype(jnp.int32)
    vv = (code % N_NODES).astype(jnp.int32)
    rows_pair = jnp.stack([seg, seg], axis=1).reshape(-1)
    cols_pair = jnp.stack([uu, vv], axis=1).reshape(-1)
    vals_pair = jnp.repeat(is_first.astype(jnp.float32), 2)
    # node_num_egde[v] = (#occurrences of v across all hyperedges) - 1
    #                  = incidence count in pair hyperedges (self-loops counted twice)
    deg = jnp.zeros((N_NODES,), dtype=jnp.float32).at[cols_pair].add(vals_pair)
    rows_self = N_EDGES + jnp.arange(N_NODES, dtype=jnp.int32)
    cols_self = jnp.arange(N_NODES, dtype=jnp.int32)
    vals_self = deg * INIT_VAL  # init_type == 1
    rows = jnp.concatenate([rows_pair, rows_self])
    cols = jnp.concatenate([cols_pair, cols_self])
    vals = jnp.concatenate([vals_pair, vals_self])
    n_count = N_EDGES + N_NODES
    return rows, cols, vals, n_count


def reference(x, edge_index):
    rows, cols, vals, n_count = _build_incidence(edge_index)
    # norm_type == 0: Pv_col_norm = D_e^{-1} Pv ; PvT_row_norm = D_v^{-1} PvT
    e_deg = jax.ops.segment_sum(vals, rows, num_segments=n_count)
    v_deg = jax.ops.segment_sum(vals, cols, num_segments=N_NODES)
    e_deg = jnp.where(e_deg == 0, 1.0, e_deg)
    v_deg = jnp.where(v_deg == 0, 1.0, v_deg)
    w_e = vals / e_deg[rows]
    w_v = vals / v_deg[cols]
    # adj = PvT_row_norm @ Pv_col_norm, applied to node features x:
    h = jax.ops.segment_sum(w_e[:, None] * x[cols], rows, num_segments=n_count)
    out = jax.ops.segment_sum(w_v[:, None] * h[rows], cols, num_segments=N_NODES)
    return out

if __name__ == "__main__":
    import jax
    _d = setup_inputs()
    print(jax.jit(kernel)(*tuple(_d.values())))

</pallas_src>

<mosaic_0001>
#map = affine_map<(d0, d1) -> (0)>
#map1 = affine_map<(d0, d1) -> (0, 0)>
module attributes {stable_mosaic.version = 14 : i64} {
  func.func @body(%arg0: i32, %arg1: i32, %arg2: memref<320024xi32, #tpu.memory_space<hbm>>, %arg3: memref<10000x128xf32, #tpu.memory_space<hbm>>, %arg4: memref<20000x128xf32, #tpu.memory_space<hbm>>, %arg5: memref<20480xf32, #tpu.memory_space<hbm>>, %arg6: memref<10016xi32, #tpu.memory_space<vmem>>, %arg7: memref<128xi32, #tpu.memory_space<vmem>>, %arg8: memref<128xi32, #tpu.memory_space<vmem>>, %arg9: memref<128xi32, #tpu.memory_space<vmem>>, %arg10: memref<128xi32, #tpu.memory_space<vmem>>, %arg11: memref<128x128xf32, #tpu.memory_space<vmem>>, %arg12: memref<128x128xf32, #tpu.memory_space<vmem>>, %arg13: memref<128xf32, #tpu.memory_space<vmem>>, %arg14: memref<640xf32, #tpu.memory_space<vmem>>, %arg15: memref<10240x128xf32, #tpu.memory_space<vmem_shared>>, %arg16: memref<10240xf32, #tpu.memory_space<vmem_shared>>, %arg17: memref<!tpu.dma_semaphore, #tpu.memory_space<semaphore_mem>>) attributes {dimension_semantics = [#tpu.dimension_semantics<core_parallel>, #tpu.dimension_semantics<subcore_parallel>], iteration_bounds = array<i64: 2, 16>, scalar_prefetch = 0 : i64, scratch_operands = 12 : i64, tpu.core_type = #tpu.core_type<sc_vector_subcore>, window_params = [{transform_indices = #map}, {transform_indices = #map1}, {transform_indices = #map1}, {transform_indices = #map}]} {
    %mul3A = arith.constant 2 : i32
    %mul3A_0 = arith.muli %arg1, %mul3A : i32
    %add3A = arith.addi %mul3A_0, %arg0 : i32
    %broadcast_in_dim3A = arith.constant 0.000000e+00 : f32
    %broadcast_in_dim3A_1 = vector.broadcast %broadcast_in_dim3A : f32 to vector<16xf32>
    %broadcast_in_dim3A_2 = arith.constant 1.000000e+00 : f32
    %broadcast_in_dim3A_3 = vector.broadcast %broadcast_in_dim3A_2 : f32 to vector<16xf32>
    %broadcast_in_dim3A_4 = arith.constant 10008 : i32
    %broadcast_in_dim3A_5 = vector.broadcast %broadcast_in_dim3A_4 : i32 to vector<16xi32>
    %broadcast_in_dim3A_6 = arith.constant 0 : i32
    %broadcast_in_dim3A_7 = vector.broadcast %broadcast_in_dim3A_6 : i32 to vector<16xi32>
    %broadcast_in_dim3A_8 = arith.constant 10000 : i32
    %broadcast_in_dim3A_9 = vector.broadcast %broadcast_in_dim3A_8 : i32 to vector<16xi32>
    %swap3A = arith.constant 0 : index
    %swap3A_10 = tpu.vector_load %arg13[%swap3A] {strides = array<i32>} : memref<128xf32, #tpu.memory_space<vmem>>, vector<16xf32>,
    %swap3A_11 = vector.shape_cast %swap3A_10 : vector<16xf32> to vector<16xf32>
    %swap3A_12 = vector.shape_cast %broadcast_in_dim3A_3 : vector<16xf32> to vector<16xf32>
    tpu.vector_store %arg13[%swap3A], %swap3A_12 {strides = array<i32>} : memref<128xf32, #tpu.memory_space<vmem>>, vector<16xf32>,
    %swap3A_13 = arith.constant 16 : index
    %swap3A_14 = tpu.vector_load %arg13[%swap3A_13] {strides = array<i32>} : memref<128xf32, #tpu.memory_space<vmem>>, vector<16xf32>,
    %swap3A_15 = vector.shape_cast %swap3A_14 : vector<16xf32> to vector<16xf32>
    %swap3A_16 = vector.shape_cast %broadcast_in_dim3A_3 : vector<16xf32> to vector<16xf32>
    tpu.vector_store %arg13[%swap3A_13], %swap3A_16 {strides = array<i32>} : memref<128xf32, #tpu.memory_space<vmem>>, vector<16xf32>,
    %swap3A_17 = arith.constant 32 : index
    %swap3A_18 = tpu.vector_load %arg13[%swap3A_17] {strides = array<i32>} : memref<128xf32, #tpu.memory_space<vmem>>, vector<16xf32>,
    %swap3A_19 = vector.shape_cast %swap3A_18 : vector<16xf32> to vector<16xf32>
    %swap3A_20 = vector.shape_cast %broadcast_in_dim3A_3 : vector<16xf32> to vector<16xf32>
    tpu.vector_store %arg13[%swap3A_17], %swap3A_20 {strides = array<i32>} : memref<128xf32, #tpu.memory_space<vmem>>, vector<16xf32>,
    %swap3A_21 = arith.constant 48 : index
    %swap3A_22 = tpu.vector_load %arg13[%swap3A_21] {strides = array<i32>} : memref<128xf32, #tpu.memory_space<vmem>>, vector<16xf32>,
    %swap3A_23 = vector.shape_cast %swap3A_22 : vector<16xf32> to vector<16xf32>
    %swap3A_24 = vector.shape_cast %broadcast_in_dim3A_3 : vector<16xf32> to vector<16xf32>
    tpu.vector_store %arg13[%swap3A_21], %swap3A_24 {strides = array<i32>} : memref<128xf32, #tpu.memory_space<vmem>>, vector<16xf32>,
    %swap3A_25 = arith.constant 64 : index
    %swap3A_26 = tpu.vector_load %arg13[%swap3A_25] {strides = array<i32>} : memref<128xf32, #tpu.memory_space<vmem>>, vector<16xf32>,
    %swap3A_27 = vector.shape_cast %swap3A_26 : vector<16xf32> to vector<16xf32>
    %swap3A_28 = vector.shape_cast %broadcast_in_dim3A_3 : vector<16xf32> to vector<16xf32>
    tpu.vector_store %arg13[%swap3A_25], %swap3A_28 {strides = array<i32>} : memref<128xf32, #tpu.memory_space<vmem>>, vector<16xf32>,
    %swap3A_29 = arith.constant 80 : index
    %swap3A_30 = tpu.vector_load %arg13[%swap3A_29] {strides = array<i32>} : memref<128xf32, #tpu.memory_space<vmem>>, vector<16xf32>,
    %swap3A_31 = vector.shape_cast %swap3A_30 : vector<16xf32> to vector<16xf32>
    %swap3A_32 = vector.shape_cast %broadcast_in_dim3A_3 : vector<16xf32> to vector<16xf32>
    tpu.vector_store %arg13[%swap3A_29], %swap3A_32 {strides = array<i32>} : memref<128xf32, #tpu.memory_space<vmem>>, vector<16xf32>,
    %swap3A_33 = arith.constant 96 : index
    %swap3A_34 = tpu.vector_load %arg13[%swap3A_33] {strides = array<i32>} : memref<128xf32, #tpu.memory_space<vmem>>, vector<16xf32>,
    %swap3A_35 = vector.shape_cast %swap3A_34 : vector<16xf32> to vector<16xf32>
    %swap3A_36 = vector.shape_cast %broadcast_in_dim3A_3 : vector<16xf32> to vector<16xf32>
    tpu.vector_store %arg13[%swap3A_33], %swap3A_36 {strides = array<i32>} : memref<128xf32, #tpu.memory_space<vmem>>, vector<16xf32>,
    %swap3A_37 = arith.constant 112 : index
    %swap3A_38 = tpu.vector_load %arg13[%swap3A_37] {strides = array<i32>} : memref<128xf32, #tpu.memory_space<vmem>>, vector<16xf32>,
    %swap3A_39 = vector.shape_cast %swap3A_38 : vector<16xf32> to vector<16xf32>
    %swap3A_40 = vector.shape_cast %broadcast_in_dim3A_3 : vector<16xf32> to vector<16xf32>
    tpu.vector_store %arg13[%swap3A_37], %swap3A_40 {strides = array<i32>} : memref<128xf32, #tpu.memory_space<vmem>>, vector<16xf32>,
    %swap3A_41 = arith.constant 0 : index
    %swap3A_42 = tpu.vector_load %arg14[%swap3A_41] {strides = array<i32>} : memref<640xf32, #tpu.memory_space<vmem>>, vector<16xf32>,
    %swap3A_43 = vector.shape_cast %swap3A_42 : vector<16xf32> to vector<16xf32>
    %swap3A_44 = vector.shape_cast %broadcast_in_dim3A_1 : vector<16xf32> to vector<16xf32>
    tpu.vector_store %arg14[%swap3A_41], %swap3A_44 {strides = array<i32>} : memref<640xf32, #tpu.memory_space<vmem>>, vector<16xf32>,
    %swap3A_45 = arith.constant 16 : index
    %swap3A_46 = tpu.vector_load %arg14[%swap3A_45] {strides = array<i32>} : memref<640xf32, #tpu.memory_space<vmem>>, vector<16xf32>,
    %swap3A_47 = vector.shape_cast %swap3A_46 : vector<16xf32> to vector<16xf32>
    %swap3A_48 = vector.shape_cast %broadcast_in_dim3A_1 : vector<16xf32> to vector<16xf32>
    tpu.vector_store %arg14[%swap3A_45], %swap3A_48 {strides = array<i32>} : memref<640xf32, #tpu.memory_space<vmem>>, vector<16xf32>,
    %swap3A_49 = arith.constant 32 : index
    %swap3A_50 = tpu.vector_load %arg14[%swap3A_49] {strides = array<i32>} : memref<640xf32, #tpu.memory_space<vmem>>, vector<16xf32>,
    %swap3A_51 = vector.shape_cast %swap3A_50 : vector<16xf32> to vector<16xf32>
    %swap3A_52 = vector.shape_cast %broadcast_in_dim3A_1 : vector<16xf32> to vector<16xf32>
    tpu.vector_store %arg14[%swap3A_49], %swap3A_52 {strides = array<i32>} : memref<640xf32, #tpu.memory_space<vmem>>, vector<16xf32>,
    %swap3A_53 = arith.constant 48 : index
    %swap3A_54 = tpu.vector_load %arg14[%swap3A_53] {strides = array<i32>} : memref<640xf32, #tpu.memory_space<vmem>>, vector<16xf32>,
    %swap3A_55 = vector.shape_cast %swap3A_54 : vector<16xf32> to vector<16xf32>
    %swap3A_56 = vector.shape_cast %broadcast_in_dim3A_1 : vector<16xf32> to vector<16xf32>
    tpu.vector_store %arg14[%swap3A_53], %swap3A_56 {strides = array<i32>} : memref<640xf32, #tpu.memory_space<vmem>>, vector<16xf32>,
    %swap3A_57 = arith.constant 64 : index
    %swap3A_58 = tpu.vector_load %arg14[%swap3A_57] {strides = array<i32>} : memref<640xf32, #tpu.memory_space<vmem>>, vector<16xf32>,
    %swap3A_59 = vector.shape_cast %swap3A_58 : vector<16xf32> to vector<16xf32>
    %swap3A_60 = vector.shape_cast %broadcast_in_dim3A_1 : vector<16xf32> to vector<16xf32>
    tpu.vector_store %arg14[%swap3A_57], %swap3A_60 {strides = array<i32>} : memref<640xf32, #tpu.memory_space<vmem>>, vector<16xf32>,
    %swap3A_61 = arith.constant 80 : index
    %swap3A_62 = tpu.vector_load %arg14[%swap3A_61] {strides = array<i32>} : memref<640xf32, #tpu.memory_space<vmem>>, vector<16xf32>,
    %swap3A_63 = vector.shape_cast %swap3A_62 : vector<16xf32> to vector<16xf32>
    %swap3A_64 = vector.shape_cast %broadcast_in_dim3A_1 : vector<16xf32> to vector<16xf32>
    tpu.vector_store %arg14[%swap3A_61], %swap3A_64 {strides = array<i32>} : memref<640xf32, #tpu.memory_space<vmem>>, vector<16xf32>,
    %swap3A_65 = arith.constant 96 : index
    %swap3A_66 = tpu.vector_load %arg14[%swap3A_65] {strides = array<i32>} : memref<640xf32, #tpu.memory_space<vmem>>, vector<16xf32>,
    %swap3A_67 = vector.shape_cast %swap3A_66 : vector<16xf32> to vector<16xf32>
    %swap3A_68 = vector.shape_cast %broadcast_in_dim3A_1 : vector<16xf32> to vector<16xf32>
    tpu.vector_store %arg14[%swap3A_65], %swap3A_68 {strides = array<i32>} : memref<640xf32, #tpu.memory_space<vmem>>, vector<16xf32>,
    %swap3A_69 = arith.constant 112 : index
    %swap3A_70 = tpu.vector_load %arg14[%swap3A_69] {strides = array<i32>} : memref<640xf32, #tpu.memory_space<vmem>>, vector<16xf32>,
    %swap3A_71 = vector.shape_cast %swap3A_70 : vector<16xf32> to vector<16xf32>
    %swap3A_72 = vector.shape_cast %broadcast_in_dim3A_1 : vector<16xf32> to vector<16xf32>
    tpu.vector_store %arg14[%swap3A_69], %swap3A_72 {strides = array<i32>} : memref<640xf32, #tpu.memory_space<vmem>>, vector<16xf32>,
    %swap3A_73 = arith.constant 128 : index
    %swap3A_74 = tpu.vector_load %arg14[%swap3A_73] {strides = array<i32>} : memref<640xf32, #tpu.memory_space<vmem>>, vector<16xf32>,
    %swap3A_75 = vector.shape_cast %swap3A_74 : vector<16xf32> to vector<16xf32>
    %swap3A_76 = vector.shape_cast %broadcast_in_dim3A_1 : vector<16xf32> to vector<16xf32>
    tpu.vector_store %arg14[%swap3A_73], %swap3A_76 {strides = array<i32>} : memref<640xf32, #tpu.memory_space<vmem>>, vector<16xf32>,
    %swap3A_77 = arith.constant 144 : index
    %swap3A_78 = tpu.vector_load %arg14[%swap3A_77] {strides = array<i32>} : memref<640xf32, #tpu.memory_space<vmem>>, vector<16xf32>,
    %swap3A_79 = vector.shape_cast %swap3A_78 : vector<16xf32> to vector<16xf32>
    %swap3A_80 = vector.shape_cast %broadcast_in_dim3A_1 : vector<16xf32> to vector<16xf32>
    tpu.vector_store %arg14[%swap3A_77], %swap3A_80 {strides = array<i32>} : memref<640xf32, #tpu.memory_space<vmem>>, vector<16xf32>,
    %swap3A_81 = arith.constant 160 : index
    %swap3A_82 = tpu.vector_load %arg14[%swap3A_81] {strides = array<i32>} : memref<640xf32, #tpu.memory_space<vmem>>, vector<16xf32>,
    %swap3A_83 = vector.shape_cast %swap3A_82 : vector<16xf32> to vector<16xf32>
    %swap3A_84 = vector.shape_cast %broadcast_in_dim3A_1 : vector<16xf32> to vector<16xf32>
    tpu.vector_store %arg14[%swap3A_81], %swap3A_84 {strides = array<i32>} : memref<640xf32, #tpu.memory_space<vmem>>, vector<16xf32>,
    %swap3A_85 = arith.constant 176 : index
    %swap3A_86 = tpu.vector_load %arg14[%swap3A_85] {strides = array<i32>} : memref<640xf32, #tpu.memory_space<vmem>>, vector<16xf32>,
    %swap3A_87 = vector.shape_cast %swap3A_86 : vector<16xf32> to vector<16xf32>
    %swap3A_88 = vector.shape_cast %broadcast_in_dim3A_1 : vector<16xf32> to vector<16xf32>
    tpu.vector_store %arg14[%swap3A_85], %swap3A_88 {strides = array<i32>} : memref<640xf32, #tpu.memory_space<vmem>>, vector<16xf32>,
    %swap3A_89 = arith.constant 192 : index
    %swap3A_90 = tpu.vector_load %arg14[%swap3A_89] {strides = array<i32>} : memref<640xf32, #tpu.memory_space<vmem>>, vector<16xf32>,
    %swap3A_91 = vector.shape_cast %swap3A_90 : vector<16xf32> to vector<16xf32>
    %swap3A_92 = vector.shape_cast %broadcast_in_dim3A_1 : vector<16xf32> to vector<16xf32>
    tpu.vector_store %arg14[%swap3A_89], %swap3A_92 {strides = array<i32>} : memref<640xf32, #tpu.memory_space<vmem>>, vector<16xf32>,
    %swap3A_93 = arith.constant 208 : index
    %swap3A_94 = tpu.vector_load %arg14[%swap3A_93] {strides = array<i32>} : memref<640xf32, #tpu.memory_space<vmem>>, vector<16xf32>,
    %swap3A_95 = vector.shape_cast %swap3A_94 : vector<16xf32> to vector<16xf32>
    %swap3A_96 = vector.shape_cast %broadcast_in_dim3A_1 : vector<16xf32> to vector<16xf32>
    tpu.vector_store %arg14[%swap3A_93], %swap3A_96 {strides = array<i32>} : memref<640xf32, #tpu.memory_space<vmem>>, vector<16xf32>,
    %swap3A_97 = arith.constant 224 : index
    %swap3A_98 = tpu.vector_load %arg14[%swap3A_97] {strides = array<i32>} : memref<640xf32, #tpu.memory_space<vmem>>, vector<16xf32>,
    %swap3A_99 = vector.shape_cast %swap3A_98 : vector<16xf32> to vector<16xf32>
    %swap3A_100 = vector.shape_cast %broadcast_in_dim3A_1 : vector<16xf32> to vector<16xf32>
    tpu.vector_store %arg14[%swap3A_97], %swap3A_100 {strides = array<i32>} : memref<640xf32, #tpu.memory_space<vmem>>, vector<16xf32>,
    %swap3A_101 = arith.constant 240 : index
    %swap3A_102 = tpu.vector_load %arg14[%swap3A_101] {strides = array<i32>} : memref<640xf32, #tpu.memory_space<vmem>>, vector<16xf32>,
    %swap3A_103 = vector.shape_cast %swap3A_102 : vector<16xf32> to vector<16xf32>
    %swap3A_104 = vector.shape_cast %broadcast_in_dim3A_1 : vector<16xf32> to vector<16xf32>
    tpu.vector_store %arg14[%swap3A_101], %swap3A_104 {strides = array<i32>} : memref<640xf32, #tpu.memory_space<vmem>>, vector<16xf32>,
    %swap3A_105 = arith.constant 256 : index
    %swap3A_106 = tpu.vector_load %arg14[%swap3A_105] {strides = array<i32>} : memref<640xf32, #tpu.memory_space<vmem>>, vector<16xf32>,
    %swap3A_107 = vector.shape_cast %swap3A_106 : vector<16xf32> to vector<16xf32>
    %swap3A_108 = vector.shape_cast %broadcast_in_dim3A_1 : vector<16xf32> to vector<16xf32>
    tpu.vector_store %arg14[%swap3A_105], %swap3A_108 {strides = array<i32>} : memref<640xf32, #tpu.memory_space<vmem>>, vector<16xf32>,
    %swap3A_109 = arith.constant 272 : index
    %swap3A_110 = tpu.vector_load %arg14[%swap3A_109] {strides = array<i32>} : memref<640xf32, #tpu.memory_space<vmem>>, vector<16xf32>,
    %swap3A_111 = vector.shape_cast %swap3A_110 : vector<16xf32> to vector<16xf32>
    %swap3A_112 = vector.shape_cast %broadcast_in_dim3A_1 : vector<16xf32> to vector<16xf32>
    tpu.vector_store %arg14[%swap3A_109], %swap3A_112 {strides = array<i32>} : memref<640xf32, #tpu.memory_space<vmem>>, vector<16xf32>,
    %swap3A_113 = arith.constant 288 : index
    %swap3A_114 = tpu.vector_load %arg14[%swap3A_113] {strides = array<i32>} : memref<640xf32, #tpu.memory_space<vmem>>, vector<16xf32>,
    %swap3A_115 = vector.shape_cast %swap3A_114 : vector<16xf32> to vector<16xf32>
    %swap3A_116 = vector.shape_cast %broadcast_in_dim3A_1 : vector<16xf32> to vector<16xf32>
    tpu.vector_store %arg14[%swap3A_113], %swap3A_116 {strides = array<i32>} : memref<640xf32, #tpu.memory_space<vmem>>, vector<16xf32>,
    %swap3A_117 = arith.constant 304 : index
    %swap3A_118 = tpu.vector_load %arg14[%swap3A_117] {strides = array<i32>} : memref<640xf32, #tpu.memory_space<vmem>>, vector<16xf32>,
    %swap3A_119 = vector.shape_cast %swap3A_118 : vector<16xf32> to vector<16xf32>
    %swap3A_120 = vector.shape_cast %broadcast_in_dim3A_1 : vector<16xf32> to vector<16xf32>
    tpu.vector_store %arg14[%swap3A_117], %swap3A_120 {strides = array<i32>} : memref<640xf32, #tpu.memory_space<vmem>>, vector<16xf32>,
    %swap3A_121 = arith.constant 320 : index
    %swap3A_122 = tpu.vector_load %arg14[%swap3A_121] {strides = array<i32>} : memref<640xf32, #tpu.memory_space<vmem>>, vector<16xf32>,
    %swap3A_123 = vector.shape_cast %swap3A_122 : vector<16xf32> to vector<16xf32>
    %swap3A_124 = vector.shape_cast %broadcast_in_dim3A_1 : vector<16xf32> to vector<16xf32>
    tpu.vector_store %arg14[%swap3A_121], %swap3A_124 {strides = array<i32>} : memref<640xf32, #tpu.memory_space<vmem>>, vector<16xf32>,
    %swap3A_125 = arith.constant 336 : index
    %swap3A_126 = tpu.vector_load %arg14[%swap3A_125] {strides = array<i32>} : memref<640xf32, #tpu.memory_space<vmem>>, vector<16xf32>,
    %swap3A_127 = vector.shape_cast %swap3A_126 : vector<16xf32> to vector<16xf32>
    %swap3A_128 = vector.shape_cast %broadcast_in_dim3A_1 : vector<16xf32> to vector<16xf32>
    tpu.vector_store %arg14[%swap3A_125], %swap3A_128 {strides = array<i32>} : memref<640xf32, #tpu.memory_space<vmem>>, vector<16xf32>,
    %swap3A_129 = arith.constant 352 : index
    %swap3A_130 = tpu.vector_load %arg14[%swap3A_129] {strides = array<i32>} : memref<640xf32, #tpu.memory_space<vmem>>, vector<16xf32>,
    %swap3A_131 = vector.shape_cast %swap3A_130 : vector<16xf32> to vector<16xf32>
    %swap3A_132 = vector.shape_cast %broadcast_in_dim3A_1 : vector<16xf32> to vector<16xf32>
    tpu.vector_store %arg14[%swap3A_129], %swap3A_132 {strides = array<i32>} : memref<640xf32, #tpu.memory_space<vmem>>, vector<16xf32>,
    %swap3A_133 = arith.constant 368 : index
    %swap3A_134 = tpu.vector_load %arg14[%swap3A_133] {strides = array<i32>} : memref<640xf32, #tpu.memory_space<vmem>>, vector<16xf32>,
    %swap3A_135 = vector.shape_cast %swap3A_134 : vector<16xf32> to vector<16xf32>
    %swap3A_136 = vector.shape_cast %broadcast_in_dim3A_1 : vector<16xf32> to vector<16xf32>
    tpu.vector_store %arg14[%swap3A_133], %swap3A_136 {strides = array<i32>} : memref<640xf32, #tpu.memory_space<vmem>>, vector<16xf32>,
    %swap3A_137 = arith.constant 384 : index
    %swap3A_138 = tpu.vector_load %arg14[%swap3A_137] {strides = array<i32>} : memref<640xf32, #tpu.memory_space<vmem>>, vector<16xf32>,
    %swap3A_139 = vector.shape_cast %swap3A_138 : vector<16xf32> to vector<16xf32>
    %swap3A_140 = vector.shape_cast %broadcast_in_dim3A_1 : vector<16xf32> to vector<16xf32>
    tpu.vector_store %arg14[%swap3A_137], %swap3A_140 {strides = array<i32>} : memref<640xf32, #tpu.memory_space<vmem>>, vector<16xf32>,
    %swap3A_141 = arith.constant 400 : index
    %swap3A_142 = tpu.vector_load %arg14[%swap3A_141] {strides = array<i32>} : memref<640xf32, #tpu.memory_space<vmem>>, vector<16xf32>,
    %swap3A_143 = vector.shape_cast %swap3A_142 : vector<16xf32> to vector<16xf32>
    %swap3A_144 = vector.shape_cast %broadcast_in_dim3A_1 : vector<16xf32> to vector<16xf32>
    tpu.vector_store %arg14[%swap3A_141], %swap3A_144 {strides = array<i32>} : memref<640xf32, #tpu.memory_space<vmem>>, vector<16xf32>,
    %swap3A_145 = arith.constant 416 : index
    %swap3A_146 = tpu.vector_load %arg14[%swap3A_145] {strides = array<i32>} : memref<640xf32, #tpu.memory_space<vmem>>, vector<16xf32>,
    %swap3A_147 = vector.shape_cast %swap3A_146 : vector<16xf32> to vector<16xf32>
    %swap3A_148 = vector.shape_cast %broadcast_in_dim3A_1 : vector<16xf32> to vector<16xf32>
    tpu.vector_store %arg14[%swap3A_145], %swap3A_148 {strides = array<i32>} : memref<640xf32, #tpu.memory_space<vmem>>, vector<16xf32>,
    %swap3A_149 = arith.constant 432 : index
    %swap3A_150 = tpu.vector_load %arg14[%swap3A_149] {strides = array<i32>} : memref<640xf32, #tpu.memory_space<vmem>>, vector<16xf32>,
    %swap3A_151 = vector.shape_cast %swap3A_150 : vector<16xf32> to vector<16xf32>
    %swap3A_152 = vector.shape_cast %broadcast_in_dim3A_1 : vector<16xf32> to vector<16xf32>
    tpu.vector_store %arg14[%swap3A_149], %swap3A_152 {strides = array<i32>} : memref<640xf32, #tpu.memory_space<vmem>>, vector<16xf32>,
    %swap3A_153 = arith.constant 448 : index
    %swap3A_154 = tpu.vector_load %arg14[%swap3A_153] {strides = array<i32>} : memref<640xf32, #tpu.memory_space<vmem>>, vector<16xf32>,
    %swap3A_155 = vector.shape_cast %swap3A_154 : vector<16xf32> to vector<16xf32>
    %swap3A_156 = vector.shape_cast %broadcast_in_dim3A_1 : vector<16xf32> to vector<16xf32>
    tpu.vector_store %arg14[%swap3A_153], %swap3A_156 {strides = array<i32>} : memref<640xf32, #tpu.memory_space<vmem>>, vector<16xf32>,
    %swap3A_157 = arith.constant 464 : index
    %swap3A_158 = tpu.vector_load %arg14[%swap3A_157] {strides = array<i32>} : memref<640xf32, #tpu.memory_space<vmem>>, vector<16xf32>,
    %swap3A_159 = vector.shape_cast %swap3A_158 : vector<16xf32> to vector<16xf32>
    %swap3A_160 = vector.shape_cast %broadcast_in_dim3A_1 : vector<16xf32> to vector<16xf32>
    tpu.vector_store %arg14[%swap3A_157], %swap3A_160 {strides = array<i32>} : memref<640xf32, #tpu.memory_space<vmem>>, vector<16xf32>,
    %swap3A_161 = arith.constant 480 : index
    %swap3A_162 = tpu.vector_load %arg14[%swap3A_161] {strides = array<i32>} : memref<640xf32, #tpu.memory_space<vmem>>, vector<16xf32>,
    %swap3A_163 = vector.shape_cast %swap3A_162 : vector<16xf32> to vector<16xf32>
    %swap3A_164 = vector.shape_cast %broadcast_in_dim3A_1 : vector<16xf32> to vector<16xf32>
    tpu.vector_store %arg14[%swap3A_161], %swap3A_164 {strides = array<i32>} : memref<640xf32, #tpu.memory_space<vmem>>, vector<16xf32>,
    %swap3A_165 = arith.constant 496 : index
    %swap3A_166 = tpu.vector_load %arg14[%swap3A_165] {strides = array<i32>} : memref<640xf32, #tpu.memory_space<vmem>>, vector<16xf32>,
    %swap3A_167 = vector.shape_cast %swap3A_166 : vector<16xf32> to vector<16xf32>
    %swap3A_168 = vector.shape_cast %broadcast_in_dim3A_1 : vector<16xf32> to vector<16xf32>
    tpu.vector_store %arg14[%swap3A_165], %swap3A_168 {strides = array<i32>} : memref<640xf32, #tpu.memory_space<vmem>>, vector<16xf32>,
    %swap3A_169 = arith.constant 512 : index
    %swap3A_170 = tpu.vector_load %arg14[%swap3A_169] {strides = array<i32>} : memref<640xf32, #tpu.memory_space<vmem>>, vector<16xf32>,
    %swap3A_171 = vector.shape_cast %swap3A_170 : vector<16xf32> to vector<16xf32>
    %swap3A_172 = vector.shape_cast %broadcast_in_dim3A_1 : vector<16xf32> to vector<16xf32>
    tpu.vector_store %arg14[%swap3A_169], %swap3A_172 {strides = array<i32>} : memref<640xf32, #tpu.memory_space<vmem>>, vector<16xf32>,
    %swap3A_173 = arith.constant 528 : index
    %swap3A_174 = tpu.vector_load %arg14[%swap3A_173] {strides = array<i32>} : memref<640xf32, #tpu.memory_space<vmem>>, vector<16xf32>,
    %swap3A_175 = vector.shape_cast %swap3A_174 : vector<16xf32> to vector<16xf32>
    %swap3A_176 = vector.shape_cast %broadcast_in_dim3A_1 : vector<16xf32> to vector<16xf32>
    tpu.vector_store %arg14[%swap3A_173], %swap3A_176 {strides = array<i32>} : memref<640xf32, #tpu.memory_space<vmem>>, vector<16xf32>,
    %swap3A_177 = arith.constant 544 : index
    %swap3A_178 = tpu.vector_load %arg14[%swap3A_177] {strides = array<i32>} : memref<640xf32, #tpu.memory_space<vmem>>, vector<16xf32>,
    %swap3A_179 = vector.shape_cast %swap3A_178 : vector<16xf32> to vector<16xf32>
    %swap3A_180 = vector.shape_cast %broadcast_in_dim3A_1 : vector<16xf32> to vector<16xf32>
    tpu.vector_store %arg14[%swap3A_177], %swap3A_180 {strides = array<i32>} : memref<640xf32, #tpu.memory_space<vmem>>, vector<16xf32>,
    %swap3A_181 = arith.constant 560 : index
    %swap3A_182 = tpu.vector_load %arg14[%swap3A_181] {strides = array<i32>} : memref<640xf32, #tpu.memory_space<vmem>>, vector<16xf32>,
    %swap3A_183 = vector.shape_cast %swap3A_182 : vector<16xf32> to vector<16xf32>
    %swap3A_184 = vector.shape_cast %broadcast_in_dim3A_1 : vector<16xf32> to vector<16xf32>
    tpu.vector_store %arg14[%swap3A_181], %swap3A_184 {strides = array<i32>} : memref<640xf32, #tpu.memory_space<vmem>>, vector<16xf32>,
    %swap3A_185 = arith.constant 576 : index
    %swap3A_186 = tpu.vector_load %arg14[%swap3A_185] {strides = array<i32>} : memref<640xf32, #tpu.memory_space<vmem>>, vector<16xf32>,
    %swap3A_187 = vector.shape_cast %swap3A_186 : vector<16xf32> to vector<16xf32>
    %swap3A_188 = vector.shape_cast %broadcast_in_dim3A_1 : vector<16xf32> to vector<16xf32>
    tpu.vector_store %arg14[%swap3A_185], %swap3A_188 {strides = array<i32>} : memref<640xf32, #tpu.memory_space<vmem>>, vector<16xf32>,
    %swap3A_189 = arith.constant 592 : index
    %swap3A_190 = tpu.vector_load %arg14[%swap3A_189] {strides = array<i32>} : memref<640xf32, #tpu.memory_space<vmem>>, vector<16xf32>,
    %swap3A_191 = vector.shape_cast %swap3A_190 : vector<16xf32> to vector<16xf32>
    %swap3A_192 = vector.shape_cast %broadcast_in_dim3A_1 : vector<16xf32> to vector<16xf32>
    tpu.vector_store %arg14[%swap3A_189], %swap3A_192 {strides = array<i32>} : memref<640xf32, #tpu.memory_space<vmem>>, vector<16xf32>,
    %swap3A_193 = arith.constant 608 : index
    %swap3A_194 = tpu.vector_load %arg14[%swap3A_193] {strides = array<i32>} : memref<640xf32, #tpu.memory_space<vmem>>, vector<16xf32>,
    %swap3A_195 = vector.shape_cast %swap3A_194 : vector<16xf32> to vector<16xf32>
    %swap3A_196 = vector.shape_cast %broadcast_in_dim3A_1 : vector<16xf32> to vector<16xf32>
    tpu.vector_store %arg14[%swap3A_193], %swap3A_196 {strides = array<i32>} : memref<640xf32, #tpu.memory_space<vmem>>, vector<16xf32>,
    %swap3A_197 = arith.constant 624 : index
    %swap3A_198 = tpu.vector_load %arg14[%swap3A_197] {strides = array<i32>} : memref<640xf32, #tpu.memory_space<vmem>>, vector<16xf32>,
    %swap3A_199 = vector.shape_cast %swap3A_198 : vector<16xf32> to vector<16xf32>
    %swap3A_200 = vector.shape_cast %broadcast_in_dim3A_1 : vector<16xf32> to vector<16xf32>
    tpu.vector_store %arg14[%swap3A_197], %swap3A_200 {strides = array<i32>} : memref<640xf32, #tpu.memory_space<vmem>>, vector<16xf32>,
    %scan3A = arith.constant 0 : i32
    %scan3A_201 = arith.constant 0 : i32
    %scan3A_202 = arith.constant 128 : i32
    %scan3A_203 = arith.addi %scan3A_201, %scan3A_202 : i32
    %scan3A_204 = arith.constant 1 : i32
    %scan3A_205 = scf.for %scan3A_420 = %scan3A_201 to %scan3A_203 step %scan3A_204 iter_args(%scan3A_421 = %scan3A) -> (i32)  : i32 {
      %swap3A_422 = arith.index_cast %scan3A_420 : i32 to index
      %swap3A_423 = arith.constant 0 : index
      %swap3A_424 = tpu.vector_load %arg11[%swap3A_422, %swap3A_423] {strides = array<i32>} : memref<128x128xf32, #tpu.memory_space<vmem>>, vector<1x16xf32>,
      %swap3A_425 = vector.shape_cast %swap3A_424 : vector<1x16xf32> to vector<16xf32>
      %swap3A_426 = vector.shape_cast %broadcast_in_dim3A_1 : vector<16xf32> to vector<1x16xf32>
      tpu.vector_store %arg11[%swap3A_422, %swap3A_423], %swap3A_426 {strides = array<i32>} : memref<128x128xf32, #tpu.memory_space<vmem>>, vector<1x16xf32>,
      %swap3A_427 = arith.index_cast %scan3A_420 : i32 to index
      %swap3A_428 = arith.constant 16 : index
      %swap3A_429 = tpu.vector_load %arg11[%swap3A_427, %swap3A_428] {strides = array<i32>} : memref<128x128xf32, #tpu.memory_space<vmem>>, vector<1x16xf32>,
      %swap3A_430 = vector.shape_cast %swap3A_429 : vector<1x16xf32> to vector<16xf32>
      %swap3A_431 = vector.shape_cast %broadcast_in_dim3A_1 : vector<16xf32> to vector<1x16xf32>
      tpu.vector_store %arg11[%swap3A_427, %swap3A_428], %swap3A_431 {strides = array<i32>} : memref<128x128xf32, #tpu.memory_space<vmem>>, vector<1x16xf32>,
      %swap3A_432 = arith.index_cast %scan3A_420 : i32 to index
      %swap3A_433 = arith.constant 32 : index
      %swap3A_434 = tpu.vector_load %arg11[%swap3A_432, %swap3A_433] {strides = array<i32>} : memref<128x128xf32, #tpu.memory_space<vmem>>, vector<1x16xf32>,
      %swap3A_435 = vector.shape_cast %swap3A_434 : vector<1x16xf32> to vector<16xf32>
      %swap3A_436 = vector.shape_cast %broadcast_in_dim3A_1 : vector<16xf32> to vector<1x16xf32>
      tpu.vector_store %arg11[%swap3A_432, %swap3A_433], %swap3A_436 {strides = array<i32>} : memref<128x128xf32, #tpu.memory_space<vmem>>, vector<1x16xf32>,
      %swap3A_437 = arith.index_cast %scan3A_420 : i32 to index
      %swap3A_438 = arith.constant 48 : index
      %swap3A_439 = tpu.vector_load %arg11[%swap3A_437, %swap3A_438] {strides = array<i32>} : memref<128x128xf32, #tpu.memory_space<vmem>>, vector<1x16xf32>,
      %swap3A_440 = vector.shape_cast %swap3A_439 : vector<1x16xf32> to vector<16xf32>
      %swap3A_441 = vector.shape_cast %broadcast_in_dim3A_1 : vector<16xf32> to vector<1x16xf32>
      tpu.vector_store %arg11[%swap3A_437, %swap3A_438], %swap3A_441 {strides = array<i32>} : memref<128x128xf32, #tpu.memory_space<vmem>>, vector<1x16xf32>,
      %swap3A_442 = arith.index_cast %scan3A_420 : i32 to index
      %swap3A_443 = arith.constant 64 : index
      %swap3A_444 = tpu.vector_load %arg11[%swap3A_442, %swap3A_443] {strides = array<i32>} : memref<128x128xf32, #tpu.memory_space<vmem>>, vector<1x16xf32>,
      %swap3A_445 = vector.shape_cast %swap3A_444 : vector<1x16xf32> to vector<16xf32>
      %swap3A_446 = vector.shape_cast %broadcast_in_dim3A_1 : vector<16xf32> to vector<1x16xf32>
      tpu.vector_store %arg11[%swap3A_442, %swap3A_443], %swap3A_446 {strides = array<i32>} : memref<128x128xf32, #tpu.memory_space<vmem>>, vector<1x16xf32>,
      %swap3A_447 = arith.index_cast %scan3A_420 : i32 to index
      %swap3A_448 = arith.constant 80 : index
      %swap3A_449 = tpu.vector_load %arg11[%swap3A_447, %swap3A_448] {strides = array<i32>} : memref<128x128xf32, #tpu.memory_space<vmem>>, vector<1x16xf32>,
      %swap3A_450 = vector.shape_cast %swap3A_449 : vector<1x16xf32> to vector<16xf32>
      %swap3A_451 = vector.shape_cast %broadcast_in_dim3A_1 : vector<16xf32> to vector<1x16xf32>
      tpu.vector_store %arg11[%swap3A_447, %swap3A_448], %swap3A_451 {strides = array<i32>} : memref<128x128xf32, #tpu.memory_space<vmem>>, vector<1x16xf32>,
      %swap3A_452 = arith.index_cast %scan3A_420 : i32 to index
      %swap3A_453 = arith.constant 96 : index
      %swap3A_454 = tpu.vector_load %arg11[%swap3A_452, %swap3A_453] {strides = array<i32>} : memref<128x128xf32, #tpu.memory_space<vmem>>, vector<1x16xf32>,
      %swap3A_455 = vector.shape_cast %swap3A_454 : vector<1x16xf32> to vector<16xf32>
      %swap3A_456 = vector.shape_cast %broadcast_in_dim3A_1 : vector<16xf32> to vector<1x16xf32>
      tpu.vector_store %arg11[%swap3A_452, %swap3A_453], %swap3A_456 {strides = array<i32>} : memref<128x128xf32, #tpu.memory_space<vmem>>, vector<1x16xf32>,
      %swap3A_457 = arith.index_cast %scan3A_420 : i32 to index
      %swap3A_458 = arith.constant 112 : index
      %swap3A_459 = tpu.vector_load %arg11[%swap3A_457, %swap3A_458] {strides = array<i32>} : memref<128x128xf32, #tpu.memory_space<vmem>>, vector<1x16xf32>,
      %swap3A_460 = vector.shape_cast %swap3A_459 : vector<1x16xf32> to vector<16xf32>
      %swap3A_461 = vector.shape_cast %broadcast_in_dim3A_1 : vector<16xf32> to vector<1x16xf32>
      tpu.vector_store %arg11[%swap3A_457, %swap3A_458], %swap3A_461 {strides = array<i32>} : memref<128x128xf32, #tpu.memory_space<vmem>>, vector<1x16xf32>,
      %scan3A_462 = arith.constant 0 : i32
      scf.yield %scan3A_462 : i32
    }
    %scan3A_206 = arith.constant 128 : i32
    %mul3A_207 = arith.constant 640 : i32
    %mul3A_208 = arith.muli %arg1, %mul3A_207 : i32
    %add3A_209 = arith.constant 0 : i32
    %add3A_210 = arith.addi %mul3A_208, %add3A_209 : i32
    "tpu.region"() ({
      %run_scoped3A = tpu.sem_alloc : memref<!tpu.dma_semaphore, #tpu.memory_space<semaphore_mem>>
      %dma_start3A_420 = arith.constant 0 : i32
      %dma_start3A_421 = arith.constant 0 : i32
      %dma_start3A_422 = tpu.memref_slice %arg11[%dma_start3A_420, %dma_start3A_421] : memref<128x128xf32, #tpu.memory_space<vmem>> -> memref<128x128xf32, #tpu.memory_space<vmem>>
      %dma_start3A_423 = arith.constant 0 : i32
      %dma_start3A_424 = tpu.memref_slice %arg15[%add3A_210, %dma_start3A_423] : memref<10240x128xf32, #tpu.memory_space<vmem_shared>> -> memref<128x128xf32, #tpu.memory_space<vmem_shared>>
      %dma_start3A_425 = arith.constant 0 : i32
      %dma_start3A_426 = tpu.memref_slice %arg15[%add3A_210, %dma_start3A_425] : memref<10240x128xf32, #tpu.memory_space<vmem_shared>> -> memref<128x128xf32, #tpu.memory_space<vmem_shared>>
      %dma_start3A_427 = arith.constant 0 : i32
      %dma_start3A_428 = arith.constant 0 : i32
      %dma_start3A_429 = tpu.memref_slice %arg11[%dma_start3A_427, %dma_start3A_428] : memref<128x128xf32, #tpu.memory_space<vmem>> -> memref<128x128xf32, #tpu.memory_space<vmem>>
      tpu.enqueue_dma source(%dma_start3A_429 : memref<128x128xf32, #tpu.memory_space<vmem>>) target(%dma_start3A_426 : memref<128x128xf32, #tpu.memory_space<vmem_shared>>) target_semaphore(%run_scoped3A : memref<!tpu.dma_semaphore, #tpu.memory_space<semaphore_mem>>)
      %dma_wait3A_430 = arith.constant 0 : i32
      %dma_wait3A_431 = arith.constant 0 : i32
      %dma_wait3A_432 = tpu.memref_slice %arg11[%dma_wait3A_430, %dma_wait3A_431] : memref<128x128xf32, #tpu.memory_space<vmem>> -> memref<128x128xf32, #tpu.memory_space<vmem>>
      %dma_wait3A_433 = arith.constant 0 : i32
      %dma_wait3A_434 = tpu.memref_slice %arg15[%add3A_210, %dma_wait3A_433] : memref<10240x128xf32, #tpu.memory_space<vmem_shared>> -> memref<128x128xf32, #tpu.memory_space<vmem_shared>>
      %dma_wait3A_435 = arith.constant 0 : i32
      %dma_wait3A_436 = tpu.memref_slice %arg15[%add3A_210, %dma_wait3A_435] : memref<10240x128xf32, #tpu.memory_space<vmem_shared>> -> memref<128x128xf32, #tpu.memory_space<vmem_shared>>
      %dma_wait3A_437 = arith.constant 0 : i32
      %dma_wait3A_438 = arith.constant 0 : i32
      %dma_wait3A_439 = tpu.memref_slice %arg11[%dma_wait3A_437, %dma_wait3A_438] : memref<128x128xf32, #tpu.memory_space<vmem>> -> memref<128x128xf32, #tpu.memory_space<vmem>>
      tpu.wait_dma2 semaphore(%run_scoped3A : memref<!tpu.dma_semaphore, #tpu.memory_space<semaphore_mem>>) src(%dma_wait3A_439 : memref<128x128xf32, #tpu.memory_space<vmem>>) dst(%dma_wait3A_436 : memref<128x128xf32, #tpu.memory_space<vmem_shared>>)
      tpu.yield
    }) : () -> ()
    %add3A_211 = arith.constant 128 : i32
    %add3A_212 = arith.addi %mul3A_208, %add3A_211 : i32
    "tpu.region"() ({
      %run_scoped3A = tpu.sem_alloc : memref<!tpu.dma_semaphore, #tpu.memory_space<semaphore_mem>>
      %dma_start3A_420 = arith.constant 0 : i32
      %dma_start3A_421 = arith.constant 0 : i32
      %dma_start3A_422 = tpu.memref_slice %arg11[%dma_start3A_420, %dma_start3A_421] : memref<128x128xf32, #tpu.memory_space<vmem>> -> memref<128x128xf32, #tpu.memory_space<vmem>>
      %dma_start3A_423 = arith.constant 0 : i32
      %dma_start3A_424 = tpu.memref_slice %arg15[%add3A_212, %dma_start3A_423] : memref<10240x128xf32, #tpu.memory_space<vmem_shared>> -> memref<128x128xf32, #tpu.memory_space<vmem_shared>>
      %dma_start3A_425 = arith.constant 0 : i32
      %dma_start3A_426 = tpu.memref_slice %arg15[%add3A_212, %dma_start3A_425] : memref<10240x128xf32, #tpu.memory_space<vmem_shared>> -> memref<128x128xf32, #tpu.memory_space<vmem_shared>>
      %dma_start3A_427 = arith.constant 0 : i32
      %dma_start3A_428 = arith.constant 0 : i32
      %dma_start3A_429 = tpu.memref_slice %arg11[%dma_start3A_427, %dma_start3A_428] : memref<128x128xf32, #tpu.memory_space<vmem>> -> memref<128x128xf32, #tpu.memory_space<vmem>>
      tpu.enqueue_dma source(%dma_start3A_429 : memref<128x128xf32, #tpu.memory_space<vmem>>) target(%dma_start3A_426 : memref<128x128xf32, #tpu.memory_space<vmem_shared>>) target_semaphore(%run_scoped3A : memref<!tpu.dma_semaphore, #tpu.memory_space<semaphore_mem>>)
      %dma_wait3A_430 = arith.constant 0 : i32
      %dma_wait3A_431 = arith.constant 0 : i32
      %dma_wait3A_432 = tpu.memref_slice %arg11[%dma_wait3A_430, %dma_wait3A_431] : memref<128x128xf32, #tpu.memory_space<vmem>> -> memref<128x128xf32, #tpu.memory_space<vmem>>
      %dma_wait3A_433 = arith.constant 0 : i32
      %dma_wait3A_434 = tpu.memref_slice %arg15[%add3A_212, %dma_wait3A_433] : memref<10240x128xf32, #tpu.memory_space<vmem_shared>> -> memref<128x128xf32, #tpu.memory_space<vmem_shared>>
      %dma_wait3A_435 = arith.constant 0 : i32
      %dma_wait3A_436 = tpu.memref_slice %arg15[%add3A_212, %dma_wait3A_435] : memref<10240x128xf32, #tpu.memory_space<vmem_shared>> -> memref<128x128xf32, #tpu.memory_space<vmem_shared>>
      %dma_wait3A_437 = arith.constant 0 : i32
      %dma_wait3A_438 = arith.constant 0 : i32
      %dma_wait3A_439 = tpu.memref_slice %arg11[%dma_wait3A_437, %dma_wait3A_438] : memref<128x128xf32, #tpu.memory_space<vmem>> -> memref<128x128xf32, #tpu.memory_space<vmem>>
      tpu.wait_dma2 semaphore(%run_scoped3A : memref<!tpu.dma_semaphore, #tpu.memory_space<semaphore_mem>>) src(%dma_wait3A_439 : memref<128x128xf32, #tpu.memory_space<vmem>>) dst(%dma_wait3A_436 : memref<128x128xf32, #tpu.memory_space<vmem_shared>>)
      tpu.yield
    }) : () -> ()
    %add3A_213 = arith.constant 256 : i32
    %add3A_214 = arith.addi %mul3A_208, %add3A_213 : i32
    "tpu.region"() ({
      %run_scoped3A = tpu.sem_alloc : memref<!tpu.dma_semaphore, #tpu.memory_space<semaphore_mem>>
      %dma_start3A_420 = arith.constant 0 : i32
      %dma_start3A_421 = arith.constant 0 : i32
      %dma_start3A_422 = tpu.memref_slice %arg11[%dma_start3A_420, %dma_start3A_421] : memref<128x128xf32, #tpu.memory_space<vmem>> -> memref<128x128xf32, #tpu.memory_space<vmem>>
      %dma_start3A_423 = arith.constant 0 : i32
      %dma_start3A_424 = tpu.memref_slice %arg15[%add3A_214, %dma_start3A_423] : memref<10240x128xf32, #tpu.memory_space<vmem_shared>> -> memref<128x128xf32, #tpu.memory_space<vmem_shared>>
      %dma_start3A_425 = arith.constant 0 : i32
      %dma_start3A_426 = tpu.memref_slice %arg15[%add3A_214, %dma_start3A_425] : memref<10240x128xf32, #tpu.memory_space<vmem_shared>> -> memref<128x128xf32, #tpu.memory_space<vmem_shared>>
      %dma_start3A_427 = arith.constant 0 : i32
      %dma_start3A_428 = arith.constant 0 : i32
      %dma_start3A_429 = tpu.memref_slice %arg11[%dma_start3A_427, %dma_start3A_428] : memref<128x128xf32, #tpu.memory_space<vmem>> -> memref<128x128xf32, #tpu.memory_space<vmem>>
      tpu.enqueue_dma source(%dma_start3A_429 : memref<128x128xf32, #tpu.memory_space<vmem>>) target(%dma_start3A_426 : memref<128x128xf32, #tpu.memory_space<vmem_shared>>) target_semaphore(%run_scoped3A : memref<!tpu.dma_semaphore, #tpu.memory_space<semaphore_mem>>)
      %dma_wait3A_430 = arith.constant 0 : i32
      %dma_wait3A_431 = arith.constant 0 : i32
      %dma_wait3A_432 = tpu.memref_slice %arg11[%dma_wait3A_430, %dma_wait3A_431] : memref<128x128xf32, #tpu.memory_space<vmem>> -> memref<128x128xf32, #tpu.memory_space<vmem>>
      %dma_wait3A_433 = arith.constant 0 : i32
      %dma_wait3A_434 = tpu.memref_slice %arg15[%add3A_214, %dma_wait3A_433] : memref<10240x128xf32, #tpu.memory_space<vmem_shared>> -> memref<128x128xf32, #tpu.memory_space<vmem_shared>>
      %dma_wait3A_435 = arith.constant 0 : i32
      %dma_wait3A_436 = tpu.memref_slice %arg15[%add3A_214, %dma_wait3A_435] : memref<10240x128xf32, #tpu.memory_space<vmem_shared>> -> memref<128x128xf32, #tpu.memory_space<vmem_shared>>
      %dma_wait3A_437 = arith.constant 0 : i32
      %dma_wait3A_438 = arith.constant 0 : i32
      %dma_wait3A_439 = tpu.memref_slice %arg11[%dma_wait3A_437, %dma_wait3A_438] : memref<128x128xf32, #tpu.memory_space<vmem>> -> memref<128x128xf32, #tpu.memory_space<vmem>>
      tpu.wait_dma2 semaphore(%run_scoped3A : memref<!tpu.dma_semaphore, #tpu.memory_space<semaphore_mem>>) src(%dma_wait3A_439 : memref<128x128xf32, #tpu.memory_space<vmem>>) dst(%dma_wait3A_436 : memref<128x128xf32, #tpu.memory_space<vmem_shared>>)
      tpu.yield
    }) : () -> ()
    %add3A_215 = arith.constant 384 : i32
    %add3A_216 = arith.addi %mul3A_208, %add3A_215 : i32
    "tpu.region"() ({
      %run_scoped3A = tpu.sem_alloc : memref<!tpu.dma_semaphore, #tpu.memory_space<semaphore_mem>>
      %dma_start3A_420 = arith.constant 0 : i32
      %dma_start3A_421 = arith.constant 0 : i32
      %dma_start3A_422 = tpu.memref_slice %arg11[%dma_start3A_420, %dma_start3A_421] : memref<128x128xf32, #tpu.memory_space<vmem>> -> memref<128x128xf32, #tpu.memory_space<vmem>>
      %dma_start3A_423 = arith.constant 0 : i32
      %dma_start3A_424 = tpu.memref_slice %arg15[%add3A_216, %dma_start3A_423] : memref<10240x128xf32, #tpu.memory_space<vmem_shared>> -> memref<128x128xf32, #tpu.memory_space<vmem_shared>>
      %dma_start3A_425 = arith.constant 0 : i32
      %dma_start3A_426 = tpu.memref_slice %arg15[%add3A_216, %dma_start3A_425] : memref<10240x128xf32, #tpu.memory_space<vmem_shared>> -> memref<128x128xf32, #tpu.memory_space<vmem_shared>>
      %dma_start3A_427 = arith.constant 0 : i32
      %dma_start3A_428 = arith.constant 0 : i32
      %dma_start3A_429 = tpu.memref_slice %arg11[%dma_start3A_427, %dma_start3A_428] : memref<128x128xf32, #tpu.memory_space<vmem>> -> memref<128x128xf32, #tpu.memory_space<vmem>>
      tpu.enqueue_dma source(%dma_start3A_429 : memref<128x128xf32, #tpu.memory_space<vmem>>) target(%dma_start3A_426 : memref<128x128xf32, #tpu.memory_space<vmem_shared>>) target_semaphore(%run_scoped3A : memref<!tpu.dma_semaphore, #tpu.memory_space<semaphore_mem>>)
      %dma_wait3A_430 = arith.constant 0 : i32
      %dma_wait3A_431 = arith.constant 0 : i32
      %dma_wait3A_432 = tpu.memref_slice %arg11[%dma_wait3A_430, %dma_wait3A_431] : memref<128x128xf32, #tpu.memory_space<vmem>> -> memref<128x128xf32, #tpu.memory_space<vmem>>
      %dma_wait3A_433 = arith.constant 0 : i32
      %dma_wait3A_434 = tpu.memref_slice %arg15[%add3A_216, %dma_wait3A_433] : memref<10240x128xf32, #tpu.memory_space<vmem_shared>> -> memref<128x128xf32, #tpu.memory_space<vmem_shared>>
      %dma_wait3A_435 = arith.constant 0 : i32
      %dma_wait3A_436 = tpu.memref_slice %arg15[%add3A_216, %dma_wait3A_435] : memref<10240x128xf32, #tpu.memory_space<vmem_shared>> -> memref<128x128xf32, #tpu.memory_space<vmem_shared>>
      %dma_wait3A_437 = arith.constant 0 : i32
      %dma_wait3A_438 = arith.constant 0 : i32
      %dma_wait3A_439 = tpu.memref_slice %arg11[%dma_wait3A_437, %dma_wait3A_438] : memref<128x128xf32, #tpu.memory_space<vmem>> -> memref<128x128xf32, #tpu.memory_space<vmem>>
      tpu.wait_dma2 semaphore(%run_scoped3A : memref<!tpu.dma_semaphore, #tpu.memory_space<semaphore_mem>>) src(%dma_wait3A_439 : memref<128x128xf32, #tpu.memory_space<vmem>>) dst(%dma_wait3A_436 : memref<128x128xf32, #tpu.memory_space<vmem_shared>>)
      tpu.yield
    }) : () -> ()
    %add3A_217 = arith.constant 512 : i32
    %add3A_218 = arith.addi %mul3A_208, %add3A_217 : i32
    "tpu.region"() ({
      %run_scoped3A = tpu.sem_alloc : memref<!tpu.dma_semaphore, #tpu.memory_space<semaphore_mem>>
      %dma_start3A_420 = arith.constant 0 : i32
      %dma_start3A_421 = arith.constant 0 : i32
      %dma_start3A_422 = tpu.memref_slice %arg11[%dma_start3A_420, %dma_start3A_421] : memref<128x128xf32, #tpu.memory_space<vmem>> -> memref<128x128xf32, #tpu.memory_space<vmem>>
      %dma_start3A_423 = arith.constant 0 : i32
      %dma_start3A_424 = tpu.memref_slice %arg15[%add3A_218, %dma_start3A_423] : memref<10240x128xf32, #tpu.memory_space<vmem_shared>> -> memref<128x128xf32, #tpu.memory_space<vmem_shared>>
      %dma_start3A_425 = arith.constant 0 : i32
      %dma_start3A_426 = tpu.memref_slice %arg15[%add3A_218, %dma_start3A_425] : memref<10240x128xf32, #tpu.memory_space<vmem_shared>> -> memref<128x128xf32, #tpu.memory_space<vmem_shared>>
      %dma_start3A_427 = arith.constant 0 : i32
      %dma_start3A_428 = arith.constant 0 : i32
      %dma_start3A_429 = tpu.memref_slice %arg11[%dma_start3A_427, %dma_start3A_428] : memref<128x128xf32, #tpu.memory_space<vmem>> -> memref<128x128xf32, #tpu.memory_space<vmem>>
      tpu.enqueue_dma source(%dma_start3A_429 : memref<128x128xf32, #tpu.memory_space<vmem>>) target(%dma_start3A_426 : memref<128x128xf32, #tpu.memory_space<vmem_shared>>) target_semaphore(%run_scoped3A : memref<!tpu.dma_semaphore, #tpu.memory_space<semaphore_mem>>)
      %dma_wait3A_430 = arith.constant 0 : i32
      %dma_wait3A_431 = arith.constant 0 : i32
      %dma_wait3A_432 = tpu.memref_slice %arg11[%dma_wait3A_430, %dma_wait3A_431] : memref<128x128xf32, #tpu.memory_space<vmem>> -> memref<128x128xf32, #tpu.memory_space<vmem>>
      %dma_wait3A_433 = arith.constant 0 : i32
      %dma_wait3A_434 = tpu.memref_slice %arg15[%add3A_218, %dma_wait3A_433] : memref<10240x128xf32, #tpu.memory_space<vmem_shared>> -> memref<128x128xf32, #tpu.memory_space<vmem_shared>>
      %dma_wait3A_435 = arith.constant 0 : i32
      %dma_wait3A_436 = tpu.memref_slice %arg15[%add3A_218, %dma_wait3A_435] : memref<10240x128xf32, #tpu.memory_space<vmem_shared>> -> memref<128x128xf32, #tpu.memory_space<vmem_shared>>
      %dma_wait3A_437 = arith.constant 0 : i32
      %dma_wait3A_438 = arith.constant 0 : i32
      %dma_wait3A_439 = tpu.memref_slice %arg11[%dma_wait3A_437, %dma_wait3A_438] : memref<128x128xf32, #tpu.memory_space<vmem>> -> memref<128x128xf32, #tpu.memory_space<vmem>>
      tpu.wait_dma2 semaphore(%run_scoped3A : memref<!tpu.dma_semaphore, #tpu.memory_space<semaphore_mem>>) src(%dma_wait3A_439 : memref<128x128xf32, #tpu.memory_space<vmem>>) dst(%dma_wait3A_436 : memref<128x128xf32, #tpu.memory_space<vmem_shared>>)
      tpu.yield
    }) : () -> ()
    %mul3A_219 = arith.constant 640 : i32
    %mul3A_220 = arith.muli %arg1, %mul3A_219 : i32
    "tpu.region"() ({
      %run_scoped3A = tpu.sem_alloc : memref<!tpu.dma_semaphore, #tpu.memory_space<semaphore_mem>>
      %dma_start3A_420 = tpu.memref_slice %arg16[%mul3A_220] : memref<10240xf32, #tpu.memory_space<vmem_shared>> -> memref<640xf32, #tpu.memory_space<vmem_shared>>
      %dma_start3A_421 = tpu.memref_slice %arg16[%mul3A_220] : memref<10240xf32, #tpu.memory_space<vmem_shared>> -> memref<640xf32, #tpu.memory_space<vmem_shared>>
      tpu.enqueue_dma source(%arg14 : memref<640xf32, #tpu.memory_space<vmem>>) target(%dma_start3A_421 : memref<640xf32, #tpu.memory_space<vmem_shared>>) target_semaphore(%run_scoped3A : memref<!tpu.dma_semaphore, #tpu.memory_space<semaphore_mem>>)
      %dma_wait3A_422 = tpu.memref_slice %arg16[%mul3A_220] : memref<10240xf32, #tpu.memory_space<vmem_shared>> -> memref<640xf32, #tpu.memory_space<vmem_shared>>
      %dma_wait3A_423 = tpu.memref_slice %arg16[%mul3A_220] : memref<10240xf32, #tpu.memory_space<vmem_shared>> -> memref<640xf32, #tpu.memory_space<vmem_shared>>
      tpu.wait_dma2 semaphore(%run_scoped3A : memref<!tpu.dma_semaphore, #tpu.memory_space<semaphore_mem>>) src(%arg14 : memref<640xf32, #tpu.memory_space<vmem>>) dst(%dma_wait3A_423 : memref<640xf32, #tpu.memory_space<vmem_shared>>)
      tpu.yield
    }) : () -> ()
    %mul3A_221 = arith.constant 10000 : i32
    %mul3A_222 = arith.muli %add3A, %mul3A_221 : i32
    "tpu.region"() ({
      %run_scoped3A = tpu.sem_alloc : memref<!tpu.dma_semaphore, #tpu.memory_space<semaphore_mem>>
      %dma_start3A_420 = tpu.memref_slice %arg2[%mul3A_222] : memref<320024xi32, #tpu.memory_space<hbm>> -> memref<10016xi32, #tpu.memory_space<hbm>>
      %dma_start3A_421 = tpu.memref_slice %arg2[%mul3A_222] : memref<320024xi32, #tpu.memory_space<hbm>> -> memref<10016xi32, #tpu.memory_space<hbm>>
      tpu.enqueue_dma source(%dma_start3A_421 : memref<10016xi32, #tpu.memory_space<hbm>>) target(%arg6 : memref<10016xi32, #tpu.memory_space<vmem>>) target_semaphore(%run_scoped3A : memref<!tpu.dma_semaphore, #tpu.memory_space<semaphore_mem>>)
      %dma_wait3A_422 = tpu.memref_slice %arg2[%mul3A_222] : memref<320024xi32, #tpu.memory_space<hbm>> -> memref<10016xi32, #tpu.memory_space<hbm>>
      %dma_wait3A_423 = tpu.memref_slice %arg2[%mul3A_222] : memref<320024xi32, #tpu.memory_space<hbm>> -> memref<10016xi32, #tpu.memory_space<hbm>>
      tpu.wait_dma2 semaphore(%run_scoped3A : memref<!tpu.dma_semaphore, #tpu.memory_space<semaphore_mem>>) src(%dma_wait3A_423 : memref<10016xi32, #tpu.memory_space<hbm>>) dst(%arg6 : memref<10016xi32, #tpu.memory_space<vmem>>)
      tpu.yield
    }) : () -> ()
    %barrier3A = arith.constant 0 : index
    tpu.barrier barrier_id(%barrier3A)
    %scan3A_223 = arith.constant 0 : i32
    %scan3A_224 = arith.constant 0 : i32
    %scan3A_225 = arith.constant 78 : i32
    %scan3A_226 = arith.addi %scan3A_224, %scan3A_225 : i32
    %scan3A_227 = arith.constant 1 : i32
    %scan3A_228 = scf.for %scan3A_420 = %scan3A_224 to %scan3A_226 step %scan3A_227 iter_args(%scan3A_421 = %scan3A_223) -> (i32)  : i32 {
      %mul3A_422 = arith.constant 8 : i32
      %mul3A_423 = arith.muli %scan3A_420, %mul3A_422 : i32
      %add3A_424 = arith.constant 0 : i32
      %add3A_425 = arith.addi %mul3A_423, %add3A_424 : i32
      %mul3A_426 = arith.constant 16 : i32
      %mul3A_427 = arith.muli %mul3A_426, %add3A_425 : i32
      %add3A_428 = arith.constant 8 : i32
      %add3A_429 = arith.addi %add3A_428, %mul3A_427 : i32
      %get3A_430 = arith.index_cast %add3A_429 : i32 to index
      %get3A_431 = tpu.vector_load %arg6[%get3A_430] {strides = array<i32>} : memref<10016xi32, #tpu.memory_space<vmem>>, vector<16xi32>,
      %get3A_432 = vector.shape_cast %get3A_431 : vector<16xi32> to vector<16xi32>
      %mul3A_433 = arith.constant 16 : i32
      %mul3A_434 = arith.muli %mul3A_433, %add3A_425 : i32
      %add3A_435 = arith.constant 7 : i32
      %add3A_436 = arith.addi %add3A_435, %mul3A_434 : i32
      %get3A_437 = arith.index_cast %add3A_436 : i32 to index
      %get3A_438 = tpu.vector_load %arg6[%get3A_437] {strides = array<i32>} : memref<10016xi32, #tpu.memory_space<vmem>>, vector<16xi32>,
      %get3A_439 = vector.shape_cast %get3A_438 : vector<16xi32> to vector<16xi32>
      %eq3A_440 = arith.cmpi eq, %get3A_432, %get3A_439 : vector<16xi32>
      %div3A_441 = arith.divsi %get3A_432, %broadcast_in_dim3A_9 : vector<16xi32>
      %mul3A_442 = arith.muli %div3A_441, %broadcast_in_dim3A_9 : vector<16xi32>
      %sub3A_443 = arith.subi %get3A_432, %mul3A_442 : vector<16xi32>
      %select_n3A_444 = arith.select %eq3A_440, %broadcast_in_dim3A_5, %div3A_441 : vector<16xi1>, vector<16xi32>
      %swap3A_445 = arith.constant 0 : index
      %swap3A_446 = tpu.vector_load %arg7[%swap3A_445] {strides = array<i32>} : memref<128xi32, #tpu.memory_space<vmem>>, vector<16xi32>,
      %swap3A_447 = vector.shape_cast %swap3A_446 : vector<16xi32> to vector<16xi32>
      %swap3A_448 = vector.shape_cast %select_n3A_444 : vector<16xi32> to vector<16xi32>
      tpu.vector_store %arg7[%swap3A_445], %swap3A_448 {strides = array<i32>} : memref<128xi32, #tpu.memory_space<vmem>>, vector<16xi32>,
      %swap3A_449 = arith.constant 0 : index
      %swap3A_450 = tpu.vector_load %arg9[%swap3A_449] {strides = array<i32>} : memref<128xi32, #tpu.memory_space<vmem>>, vector<16xi32>,
      %swap3A_451 = vector.shape_cast %swap3A_450 : vector<16xi32> to vector<16xi32>
      %swap3A_452 = vector.shape_cast %sub3A_443 : vector<16xi32> to vector<16xi32>
      tpu.vector_store %arg9[%swap3A_449], %swap3A_452 {strides = array<i32>} : memref<128xi32, #tpu.memory_space<vmem>>, vector<16xi32>,
      %select_n3A_453 = arith.select %eq3A_440, %broadcast_in_dim3A_5, %sub3A_443 : vector<16xi1>, vector<16xi32>
      %swap3A_454 = arith.constant 0 : index
      %swap3A_455 = tpu.vector_load %arg8[%swap3A_454] {strides = array<i32>} : memref<128xi32, #tpu.memory_space<vmem>>, vector<16xi32>,
      %swap3A_456 = vector.shape_cast %swap3A_455 : vector<16xi32> to vector<16xi32>
      %swap3A_457 = vector.shape_cast %select_n3A_453 : vector<16xi32> to vector<16xi32>
      tpu.vector_store %arg8[%swap3A_454], %swap3A_457 {strides = array<i32>} : memref<128xi32, #tpu.memory_space<vmem>>, vector<16xi32>,
      %swap3A_458 = arith.constant 0 : index
      %swap3A_459 = tpu.vector_load %arg10[%swap3A_458] {strides = array<i32>} : memref<128xi32, #tpu.memory_space<vmem>>, vector<16xi32>,
      %swap3A_460 = vector.shape_cast %swap3A_459 : vector<16xi32> to vector<16xi32>
      %swap3A_461 = vector.shape_cast %div3A_441 : vector<16xi32> to vector<16xi32>
      tpu.vector_store %arg10[%swap3A_458], %swap3A_461 {strides = array<i32>} : memref<128xi32, #tpu.memory_space<vmem>>, vector<16xi32>,
      %mul3A_462 = arith.constant 8 : i32
      %mul3A_463 = arith.muli %scan3A_420, %mul3A_462 : i32
      %add3A_464 = arith.constant 1 : i32
      %add3A_465 = arith.addi %mul3A_463, %add3A_464 : i32
      %mul3A_466 = arith.constant 16 : i32
      %mul3A_467 = arith.muli %mul3A_466, %add3A_465 : i32
      %add3A_468 = arith.constant 8 : i32
      %add3A_469 = arith.addi %add3A_468, %mul3A_467 : i32
      %get3A_470 = arith.index_cast %add3A_469 : i32 to index
      %get3A_471 = tpu.vector_load %arg6[%get3A_470] {strides = array<i32>} : memref<10016xi32, #tpu.memory_space<vmem>>, vector<16xi32>,
      %get3A_472 = vector.shape_cast %get3A_471 : vector<16xi32> to vector<16xi32>
      %mul3A_473 = arith.constant 16 : i32
      %mul3A_474 = arith.muli %mul3A_473, %add3A_465 : i32
      %add3A_475 = arith.constant 7 : i32
      %add3A_476 = arith.addi %add3A_475, %mul3A_474 : i32
      %get3A_477 = arith.index_cast %add3A_476 : i32 to index
      %get3A_478 = tpu.vector_load %arg6[%get3A_477] {strides = array<i32>} : memref<10016xi32, #tpu.memory_space<vmem>>, vector<16xi32>,
      %get3A_479 = vector.shape_cast %get3A_478 : vector<16xi32> to vector<16xi32>
      %eq3A_480 = arith.cmpi eq, %get3A_472, %get3A_479 : vector<16xi32>
      %div3A_481 = arith.divsi %get3A_472, %broadcast_in_dim3A_9 : vector<16xi32>
      %mul3A_482 = arith.muli %div3A_481, %broadcast_in_dim3A_9 : vector<16xi32>
      %sub3A_483 = arith.subi %get3A_472, %mul3A_482 : vector<16xi32>
      %select_n3A_484 = arith.select %eq3A_480, %broadcast_in_dim3A_5, %div3A_481 : vector<16xi1>, vector<16xi32>
      %swap3A_485 = arith.constant 16 : index
      %swap3A_486 = tpu.vector_load %arg7[%swap3A_485] {strides = array<i32>} : memref<128xi32, #tpu.memory_space<vmem>>, vector<16xi32>,
      %swap3A_487 = vector.shape_cast %swap3A_486 : vector<16xi32> to vector<16xi32>
      %swap3A_488 = vector.shape_cast %select_n3A_484 : vector<16xi32> to vector<16xi32>
      tpu.vector_store %arg7[%swap3A_485], %swap3A_488 {strides = array<i32>} : memref<128xi32, #tpu.memory_space<vmem>>, vector<16xi32>,
      %swap3A_489 = arith.constant 16 : index
      %swap3A_490 = tpu.vector_load %arg9[%swap3A_489] {strides = array<i32>} : memref<128xi32, #tpu.memory_space<vmem>>, vector<16xi32>,
      %swap3A_491 = vector.shape_cast %swap3A_490 : vector<16xi32> to vector<16xi32>
      %swap3A_492 = vector.shape_cast %sub3A_483 : vector<16xi32> to vector<16xi32>
      tpu.vector_store %arg9[%swap3A_489], %swap3A_492 {strides = array<i32>} : memref<128xi32, #tpu.memory_space<vmem>>, vector<16xi32>,
      %select_n3A_493 = arith.select %eq3A_480, %broadcast_in_dim3A_5, %sub3A_483 : vector<16xi1>, vector<16xi32>
      %swap3A_494 = arith.constant 16 : index
      %swap3A_495 = tpu.vector_load %arg8[%swap3A_494] {strides = array<i32>} : memref<128xi32, #tpu.memory_space<vmem>>, vector<16xi32>,
      %swap3A_496 = vector.shape_cast %swap3A_495 : vector<16xi32> to vector<16xi32>
      %swap3A_497 = vector.shape_cast %select_n3A_493 : vector<16xi32> to vector<16xi32>
      tpu.vector_store %arg8[%swap3A_494], %swap3A_497 {strides = array<i32>} : memref<128xi32, #tpu.memory_space<vmem>>, vector<16xi32>,
      %swap3A_498 = arith.constant 16 : index
      %swap3A_499 = tpu.vector_load %arg10[%swap3A_498] {strides = array<i32>} : memref<128xi32, #tpu.memory_space<vmem>>, vector<16xi32>,
      %swap3A_500 = vector.shape_cast %swap3A_499 : vector<16xi32> to vector<16xi32>
      %swap3A_501 = vector.shape_cast %div3A_481 : vector<16xi32> to vector<16xi32>
      tpu.vector_store %arg10[%swap3A_498], %swap3A_501 {strides = array<i32>} : memref<128xi32, #tpu.memory_space<vmem>>, vector<16xi32>,
      %mul3A_502 = arith.constant 8 : i32
      %mul3A_503 = arith.muli %scan3A_420, %mul3A_502 : i32
      %add3A_504 = arith.constant 2 : i32
      %add3A_505 = arith.addi %mul3A_503, %add3A_504 : i32
      %mul3A_506 = arith.constant 16 : i32
      %mul3A_507 = arith.muli %mul3A_506, %add3A_505 : i32
      %add3A_508 = arith.constant 8 : i32
      %add3A_509 = arith.addi %add3A_508, %mul3A_507 : i32
      %get3A_510 = arith.index_cast %add3A_509 : i32 to index
      %get3A_511 = tpu.vector_load %arg6[%get3A_510] {strides = array<i32>} : memref<10016xi32, #tpu.memory_space<vmem>>, vector<16xi32>,
      %get3A_512 = vector.shape_cast %get3A_511 : vector<16xi32> to vector<16xi32>
      %mul3A_513 = arith.constant 16 : i32
      %mul3A_514 = arith.muli %mul3A_513, %add3A_505 : i32
      %add3A_515 = arith.constant 7 : i32
      %add3A_516 = arith.addi %add3A_515, %mul3A_514 : i32
      %get3A_517 = arith.index_cast %add3A_516 : i32 to index
      %get3A_518 = tpu.vector_load %arg6[%get3A_517] {strides = array<i32>} : memref<10016xi32, #tpu.memory_space<vmem>>, vector<16xi32>,
      %get3A_519 = vector.shape_cast %get3A_518 : vector<16xi32> to vector<16xi32>
      %eq3A_520 = arith.cmpi eq, %get3A_512, %get3A_519 : vector<16xi32>
      %div3A_521 = arith.divsi %get3A_512, %broadcast_in_dim3A_9 : vector<16xi32>
      %mul3A_522 = arith.muli %div3A_521, %broadcast_in_dim3A_9 : vector<16xi32>
      %sub3A_523 = arith.subi %get3A_512, %mul3A_522 : vector<16xi32>
      %select_n3A_524 = arith.select %eq3A_520, %broadcast_in_dim3A_5, %div3A_521 : vector<16xi1>, vector<16xi32>
      %swap3A_525 = arith.constant 32 : index
      %swap3A_526 = tpu.vector_load %arg7[%swap3A_525] {strides = array<i32>} : memref<128xi32, #tpu.memory_space<vmem>>, vector<16xi32>,
      %swap3A_527 = vector.shape_cast %swap3A_526 : vector<16xi32> to vector<16xi32>
      %swap3A_528 = vector.shape_cast %select_n3A_524 : vector<16xi32> to vector<16xi32>
      tpu.vector_store %arg7[%swap3A_525], %swap3A_528 {strides = array<i32>} : memref<128xi32, #tpu.memory_space<vmem>>, vector<16xi32>,
      %swap3A_529 = arith.constant 32 : index
      %swap3A_530 = tpu.vector_load %arg9[%swap3A_529] {strides = array<i32>} : memref<128xi32, #tpu.memory_space<vmem>>, vector<16xi32>,
      %swap3A_531 = vector.shape_cast %swap3A_530 : vector<16xi32> to vector<16xi32>
      %swap3A_532 = vector.shape_cast %sub3A_523 : vector<16xi32> to vector<16xi32>
      tpu.vector_store %arg9[%swap3A_529], %swap3A_532 {strides = array<i32>} : memref<128xi32, #tpu.memory_space<vmem>>, vector<16xi32>,
      %select_n3A_533 = arith.select %eq3A_520, %broadcast_in_dim3A_5, %sub3A_523 : vector<16xi1>, vector<16xi32>
      %swap3A_534 = arith.constant 32 : index
      %swap3A_535 = tpu.vector_load %arg8[%swap3A_534] {strides = array<i32>} : memref<128xi32, #tpu.memory_space<vmem>>, vector<16xi32>,
      %swap3A_536 = vector.shape_cast %swap3A_535 : vector<16xi32> to vector<16xi32>
      %swap3A_537 = vector.shape_cast %select_n3A_533 : vector<16xi32> to vector<16xi32>
      tpu.vector_store %arg8[%swap3A_534], %swap3A_537 {strides = array<i32>} : memref<128xi32, #tpu.memory_space<vmem>>, vector<16xi32>,
      %swap3A_538 = arith.constant 32 : index
      %swap3A_539 = tpu.vector_load %arg10[%swap3A_538] {strides = array<i32>} : memref<128xi32, #tpu.memory_space<vmem>>, vector<16xi32>,
      %swap3A_540 = vector.shape_cast %swap3A_539 : vector<16xi32> to vector<16xi32>
      %swap3A_541 = vector.shape_cast %div3A_521 : vector<16xi32> to vector<16xi32>
      tpu.vector_store %arg10[%swap3A_538], %swap3A_541 {strides = array<i32>} : memref<128xi32, #tpu.memory_space<vmem>>, vector<16xi32>,
      %mul3A_542 = arith.constant 8 : i32
      %mul3A_543 = arith.muli %scan3A_420, %mul3A_542 : i32
      %add3A_544 = arith.constant 3 : i32
      %add3A_545 = arith.addi %mul3A_543, %add3A_544 : i32
      %mul3A_546 = arith.constant 16 : i32
      %mul3A_547 = arith.muli %mul3A_546, %add3A_545 : i32
      %add3A_548 = arith.constant 8 : i32
      %add3A_549 = arith.addi %add3A_548, %mul3A_547 : i32
      %get3A_550 = arith.index_cast %add3A_549 : i32 to index
      %get3A_551 = tpu.vector_load %arg6[%get3A_550] {strides = array<i32>} : memref<10016xi32, #tpu.memory_space<vmem>>, vector<16xi32>,
      %get3A_552 = vector.shape_cast %get3A_551 : vector<16xi32> to vector<16xi32>
      %mul3A_553 = arith.constant 16 : i32
      %mul3A_554 = arith.muli %mul3A_553, %add3A_545 : i32
      %add3A_555 = arith.constant 7 : i32
      %add3A_556 = arith.addi %add3A_555, %mul3A_554 : i32
      %get3A_557 = arith.index_cast %add3A_556 : i32 to index
      %get3A_558 = tpu.vector_load %arg6[%get3A_557] {strides = array<i32>} : memref<10016xi32, #tpu.memory_space<vmem>>, vector<16xi32>,
      %get3A_559 = vector.shape_cast %get3A_558 : vector<16xi32> to vector<16xi32>
      %eq3A_560 = arith.cmpi eq, %get3A_552, %get3A_559 : vector<16xi32>
      %div3A_561 = arith.divsi %get3A_552, %broadcast_in_dim3A_9 : vector<16xi32>
      %mul3A_562 = arith.muli %div3A_561, %broadcast_in_dim3A_9 : vector<16xi32>
      %sub3A_563 = arith.subi %get3A_552, %mul3A_562 : vector<16xi32>
      %select_n3A_564 = arith.select %eq3A_560, %broadcast_in_dim3A_5, %div3A_561 : vector<16xi1>, vector<16xi32>
      %swap3A_565 = arith.constant 48 : index
      %swap3A_566 = tpu.vector_load %arg7[%swap3A_565] {strides = array<i32>} : memref<128xi32, #tpu.memory_space<vmem>>, vector<16xi32>,
      %swap3A_567 = vector.shape_cast %swap3A_566 : vector<16xi32> to vector<16xi32>
      %swap3A_568 = vector.shape_cast %select_n3A_564 : vector<16xi32> to vector<16xi32>
      tpu.vector_store %arg7[%swap3A_565], %swap3A_568 {strides = array<i32>} : memref<128xi32, #tpu.memory_space<vmem>>, vector<16xi32>,
      %swap3A_569 = arith.constant 48 : index
      %swap3A_570 = tpu.vector_load %arg9[%swap3A_569] {strides = array<i32>} : memref<128xi32, #tpu.memory_space<vmem>>, vector<16xi32>,
      %swap3A_571 = vector.shape_cast %swap3A_570 : vector<16xi32> to vector<16xi32>
      %swap3A_572 = vector.shape_cast %sub3A_563 : vector<16xi32> to vector<16xi32>
      tpu.vector_store %arg9[%swap3A_569], %swap3A_572 {strides = array<i32>} : memref<128xi32, #tpu.memory_space<vmem>>, vector<16xi32>,
      %select_n3A_573 = arith.select %eq3A_560, %broadcast_in_dim3A_5, %sub3A_563 : vector<16xi1>, vector<16xi32>
      %swap3A_574 = arith.constant 48 : index
      %swap3A_575 = tpu.vector_load %arg8[%swap3A_574] {strides = array<i32>} : memref<128xi32, #tpu.memory_space<vmem>>, vector<16xi32>,
      %swap3A_576 = vector.shape_cast %swap3A_575 : vector<16xi32> to vector<16xi32>
      %swap3A_577 = vector.shape_cast %select_n3A_573 : vector<16xi32> to vector<16xi32>
      tpu.vector_store %arg8[%swap3A_574], %swap3A_577 {strides = array<i32>} : memref<128xi32, #tpu.memory_space<vmem>>, vector<16xi32>,
      %swap3A_578 = arith.constant 48 : index
      %swap3A_579 = tpu.vector_load %arg10[%swap3A_578] {strides = array<i32>} : memref<128xi32, #tpu.memory_space<vmem>>, vector<16xi32>,
      %swap3A_580 = vector.shape_cast %swap3A_579 : vector<16xi32> to vector<16xi32>
      %swap3A_581 = vector.shape_cast %div3A_561 : vector<16xi32> to vector<16xi32>
      tpu.vector_store %arg10[%swap3A_578], %swap3A_581 {strides = array<i32>} : memref<128xi32, #tpu.memory_space<vmem>>, vector<16xi32>,
      %mul3A_582 = arith.constant 8 : i32
      %mul3A_583 = arith.muli %scan3A_420, %mul3A_582 : i32
      %add3A_584 = arith.constant 4 : i32
      %add3A_585 = arith.addi %mul3A_583, %add3A_584 : i32
      %mul3A_586 = arith.constant 16 : i32
      %mul3A_587 = arith.muli %mul3A_586, %add3A_585 : i32
      %add3A_588 = arith.constant 8 : i32
      %add3A_589 = arith.addi %add3A_588, %mul3A_587 : i32
      %get3A_590 = arith.index_cast %add3A_589 : i32 to index
      %get3A_591 = tpu.vector_load %arg6[%get3A_590] {strides = array<i32>} : memref<10016xi32, #tpu.memory_space<vmem>>, vector<16xi32>,
      %get3A_592 = vector.shape_cast %get3A_591 : vector<16xi32> to vector<16xi32>
      %mul3A_593 = arith.constant 16 : i32
      %mul3A_594 = arith.muli %mul3A_593, %add3A_585 : i32
      %add3A_595 = arith.constant 7 : i32
      %add3A_596 = arith.addi %add3A_595, %mul3A_594 : i32
      %get3A_597 = arith.index_cast %add3A_596 : i32 to index
      %get3A_598 = tpu.vector_load %arg6[%get3A_597] {strides = array<i32>} : memref<10016xi32, #tpu.memory_space<vmem>>, vector<16xi32>,
      %get3A_599 = vector.shape_cast %get3A_598 : vector<16xi32> to vector<16xi32>
      %eq3A_600 = arith.cmpi eq, %get3A_592, %get3A_599 : vector<16xi32>
      %div3A_601 = arith.divsi %get3A_592, %broadcast_in_dim3A_9 : vector<16xi32>
      %mul3A_602 = arith.muli %div3A_601, %broadcast_in_dim3A_9 : vector<16xi32>
      %sub3A_603 = arith.subi %get3A_592, %mul3A_602 : vector<16xi32>
      %select_n3A_604 = arith.select %eq3A_600, %broadcast_in_dim3A_5, %div3A_601 : vector<16xi1>, vector<16xi32>
      %swap3A_605 = arith.constant 64 : index
      %swap3A_606 = tpu.vector_load %arg7[%swap3A_605] {strides = array<i32>} : memref<128xi32, #tpu.memory_space<vmem>>, vector<16xi32>,
      %swap3A_607 = vector.shape_cast %swap3A_606 : vector<16xi32> to vector<16xi32>
      %swap3A_608 = vector.shape_cast %select_n3A_604 : vector<16xi32> to vector<16xi32>
      tpu.vector_store %arg7[%swap3A_605], %swap3A_608 {strides = array<i32>} : memref<128xi32, #tpu.memory_space<vmem>>, vector<16xi32>,
      %swap3A_609 = arith.constant 64 : index
      %swap3A_610 = tpu.vector_load %arg9[%swap3A_609] {strides = array<i32>} : memref<128xi32, #tpu.memory_space<vmem>>, vector<16xi32>,
      %swap3A_611 = vector.shape_cast %swap3A_610 : vector<16xi32> to vector<16xi32>
      %swap3A_612 = vector.shape_cast %sub3A_603 : vector<16xi32> to vector<16xi32>
      tpu.vector_store %arg9[%swap3A_609], %swap3A_612 {strides = array<i32>} : memref<128xi32, #tpu.memory_space<vmem>>, vector<16xi32>,
      %select_n3A_613 = arith.select %eq3A_600, %broadcast_in_dim3A_5, %sub3A_603 : vector<16xi1>, vector<16xi32>
      %swap3A_614 = arith.constant 64 : index
      %swap3A_615 = tpu.vector_load %arg8[%swap3A_614] {strides = array<i32>} : memref<128xi32, #tpu.memory_space<vmem>>, vector<16xi32>,
      %swap3A_616 = vector.shape_cast %swap3A_615 : vector<16xi32> to vector<16xi32>
      %swap3A_617 = vector.shape_cast %select_n3A_613 : vector<16xi32> to vector<16xi32>
      tpu.vector_store %arg8[%swap3A_614], %swap3A_617 {strides = array<i32>} : memref<128xi32, #tpu.memory_space<vmem>>, vector<16xi32>,
      %swap3A_618 = arith.constant 64 : index
      %swap3A_619 = tpu.vector_load %arg10[%swap3A_618] {strides = array<i32>} : memref<128xi32, #tpu.memory_space<vmem>>, vector<16xi32>,
      %swap3A_620 = vector.shape_cast %swap3A_619 : vector<16xi32> to vector<16xi32>
      %swap3A_621 = vector.shape_cast %div3A_601 : vector<16xi32> to vector<16xi32>
      tpu.vector_store %arg10[%swap3A_618], %swap3A_621 {strides = array<i32>} : memref<128xi32, #tpu.memory_space<vmem>>, vector<16xi32>,
      %mul3A_622 = arith.constant 8 : i32
      %mul3A_623 = arith.muli %scan3A_420, %mul3A_622 : i32
      %add3A_624 = arith.constant 5 : i32
      %add3A_625 = arith.addi %mul3A_623, %add3A_624 : i32
      %mul3A_626 = arith.constant 16 : i32
      %mul3A_627 = arith.muli %mul3A_626, %add3A_625 : i32
      %add3A_628 = arith.constant 8 : i32
      %add3A_629 = arith.addi %add3A_628, %mul3A_627 : i32
      %get3A_630 = arith.index_cast %add3A_629 : i32 to index
      %get3A_631 = tpu.vector_load %arg6[%get3A_630] {strides = array<i32>} : memref<10016xi32, #tpu.memory_space<vmem>>, vector<16xi32>,
      %get3A_632 = vector.shape_cast %get3A_631 : vector<16xi32> to vector<16xi32>
      %mul3A_633 = arith.constant 16 : i32
      %mul3A_634 = arith.muli %mul3A_633, %add3A_625 : i32
      %add3A_635 = arith.constant 7 : i32
      %add3A_636 = arith.addi %add3A_635, %mul3A_634 : i32
      %get3A_637 = arith.index_cast %add3A_636 : i32 to index
      %get3A_638 = tpu.vector_load %arg6[%get3A_637] {strides = array<i32>} : memref<10016xi32, #tpu.memory_space<vmem>>, vector<16xi32>,
      %get3A_639 = vector.shape_cast %get3A_638 : vector<16xi32> to vector<16xi32>
      %eq3A_640 = arith.cmpi eq, %get3A_632, %get3A_639 : vector<16xi32>
      %div3A_641 = arith.divsi %get3A_632, %broadcast_in_dim3A_9 : vector<16xi32>
      %mul3A_642 = arith.muli %div3A_641, %broadcast_in_dim3A_9 : vector<16xi32>
      %sub3A_643 = arith.subi %get3A_632, %mul3A_642 : vector<16xi32>
      %select_n3A_644 = arith.select %eq3A_640, %broadcast_in_dim3A_5, %div3A_641 : vector<16xi1>, vector<16xi32>
      %swap3A_645 = arith.constant 80 : index
      %swap3A_646 = tpu.vector_load %arg7[%swap3A_645] {strides = array<i32>} : memref<128xi32, #tpu.memory_space<vmem>>, vector<16xi32>,
      %swap3A_647 = vector.shape_cast %swap3A_646 : vector<16xi32> to vector<16xi32>
      %swap3A_648 = vector.shape_cast %select_n3A_644 : vector<16xi32> to vector<16xi32>
      tpu.vector_store %arg7[%swap3A_645], %swap3A_648 {strides = array<i32>} : memref<128xi32, #tpu.memory_space<vmem>>, vector<16xi32>,
      %swap3A_649 = arith.constant 80 : index
      %swap3A_650 = tpu.vector_load %arg9[%swap3A_649] {strides = array<i32>} : memref<128xi32, #tpu.memory_space<vmem>>, vector<16xi32>,
      %swap3A_651 = vector.shape_cast %swap3A_650 : vector<16xi32> to vector<16xi32>
      %swap3A_652 = vector.shape_cast %sub3A_643 : vector<16xi32> to vector<16xi32>
      tpu.vector_store %arg9[%swap3A_649], %swap3A_652 {strides = array<i32>} : memref<128xi32, #tpu.memory_space<vmem>>, vector<16xi32>,
      %select_n3A_653 = arith.select %eq3A_640, %broadcast_in_dim3A_5, %sub3A_643 : vector<16xi1>, vector<16xi32>
      %swap3A_654 = arith.constant 80 : index
      %swap3A_655 = tpu.vector_load %arg8[%swap3A_654] {strides = array<i32>} : memref<128xi32, #tpu.memory_space<vmem>>, vector<16xi32>,
      %swap3A_656 = vector.shape_cast %swap3A_655 : vector<16xi32> to vector<16xi32>
      %swap3A_657 = vector.shape_cast %select_n3A_653 : vector<16xi32> to vector<16xi32>
      tpu.vector_store %arg8[%swap3A_654], %swap3A_657 {strides = array<i32>} : memref<128xi32, #tpu.memory_space<vmem>>, vector<16xi32>,
      %swap3A_658 = arith.constant 80 : index
      %swap3A_659 = tpu.vector_load %arg10[%swap3A_658] {strides = array<i32>} : memref<128xi32, #tpu.memory_space<vmem>>, vector<16xi32>,
      %swap3A_660 = vector.shape_cast %swap3A_659 : vector<16xi32> to vector<16xi32>
      %swap3A_661 = vector.shape_cast %div3A_641 : vector<16xi32> to vector<16xi32>
      tpu.vector_store %arg10[%swap3A_658], %swap3A_661 {strides = array<i32>} : memref<128xi32, #tpu.memory_space<vmem>>, vector<16xi32>,
      %mul3A_662 = arith.constant 8 : i32
      %mul3A_663 = arith.muli %scan3A_420, %mul3A_662 : i32
      %add3A_664 = arith.constant 6 : i32
      %add3A_665 = arith.addi %mul3A_663, %add3A_664 : i32
      %mul3A_666 = arith.constant 16 : i32
      %mul3A_667 = arith.muli %mul3A_666, %add3A_665 : i32
      %add3A_668 = arith.constant 8 : i32
      %add3A_669 = arith.addi %add3A_668, %mul3A_667 : i32
      %get3A_670 = arith.index_cast %add3A_669 : i32 to index
      %get3A_671 = tpu.vector_load %arg6[%get3A_670] {strides = array<i32>} : memref<10016xi32, #tpu.memory_space<vmem>>, vector<16xi32>,
      %get3A_672 = vector.shape_cast %get3A_671 : vector<16xi32> to vector<16xi32>
      %mul3A_673 = arith.constant 16 : i32
      %mul3A_674 = arith.muli %mul3A_673, %add3A_665 : i32
      %add3A_675 = arith.constant 7 : i32
      %add3A_676 = arith.addi %add3A_675, %mul3A_674 : i32
      %get3A_677 = arith.index_cast %add3A_676 : i32 to index
      %get3A_678 = tpu.vector_load %arg6[%get3A_677] {strides = array<i32>} : memref<10016xi32, #tpu.memory_space<vmem>>, vector<16xi32>,
      %get3A_679 = vector.shape_cast %get3A_678 : vector<16xi32> to vector<16xi32>
      %eq3A_680 = arith.cmpi eq, %get3A_672, %get3A_679 : vector<16xi32>
      %div3A_681 = arith.divsi %get3A_672, %broadcast_in_dim3A_9 : vector<16xi32>
      %mul3A_682 = arith.muli %div3A_681, %broadcast_in_dim3A_9 : vector<16xi32>
      %sub3A_683 = arith.subi %get3A_672, %mul3A_682 : vector<16xi32>
      %select_n3A_684 = arith.select %eq3A_680, %broadcast_in_dim3A_5, %div3A_681 : vector<16xi1>, vector<16xi32>
      %swap3A_685 = arith.constant 96 : index
      %swap3A_686 = tpu.vector_load %arg7[%swap3A_685] {strides = array<i32>} : memref<128xi32, #tpu.memory_space<vmem>>, vector<16xi32>,
      %swap3A_687 = vector.shape_cast %swap3A_686 : vector<16xi32> to vector<16xi32>
      %swap3A_688 = vector.shape_cast %select_n3A_684 : vector<16xi32> to vector<16xi32>
      tpu.vector_store %arg7[%swap3A_685], %swap3A_688 {strides = array<i32>} : memref<128xi32, #tpu.memory_space<vmem>>, vector<16xi32>,
      %swap3A_689 = arith.constant 96 : index
      %swap3A_690 = tpu.vector_load %arg9[%swap3A_689] {strides = array<i32>} : memref<128xi32, #tpu.memory_space<vmem>>, vector<16xi32>,
      %swap3A_691 = vector.shape_cast %swap3A_690 : vector<16xi32> to vector<16xi32>
      %swap3A_692 = vector.shape_cast %sub3A_683 : vector<16xi32> to vector<16xi32>
      tpu.vector_store %arg9[%swap3A_689], %swap3A_692 {strides = array<i32>} : memref<128xi32, #tpu.memory_space<vmem>>, vector<16xi32>,
      %select_n3A_693 = arith.select %eq3A_680, %broadcast_in_dim3A_5, %sub3A_683 : vector<16xi1>, vector<16xi32>
      %swap3A_694 = arith.constant 96 : index
      %swap3A_695 = tpu.vector_load %arg8[%swap3A_694] {strides = array<i32>} : memref<128xi32, #tpu.memory_space<vmem>>, vector<16xi32>,
      %swap3A_696 = vector.shape_cast %swap3A_695 : vector<16xi32> to vector<16xi32>
      %swap3A_697 = vector.shape_cast %select_n3A_693 : vector<16xi32> to vector<16xi32>
      tpu.vector_store %arg8[%swap3A_694], %swap3A_697 {strides = array<i32>} : memref<128xi32, #tpu.memory_space<vmem>>, vector<16xi32>,
      %swap3A_698 = arith.constant 96 : index
      %swap3A_699 = tpu.vector_load %arg10[%swap3A_698] {strides = array<i32>} : memref<128xi32, #tpu.memory_space<vmem>>, vector<16xi32>,
      %swap3A_700 = vector.shape_cast %swap3A_699 : vector<16xi32> to vector<16xi32>
      %swap3A_701 = vector.shape_cast %div3A_681 : vector<16xi32> to vector<16xi32>
      tpu.vector_store %arg10[%swap3A_698], %swap3A_701 {strides = array<i32>} : memref<128xi32, #tpu.memory_space<vmem>>, vector<16xi32>,
      %mul3A_702 = arith.constant 8 : i32
      %mul3A_703 = arith.muli %scan3A_420, %mul3A_702 : i32
      %add3A_704 = arith.constant 7 : i32
      %add3A_705 = arith.addi %mul3A_703, %add3A_704 : i32
      %mul3A_706 = arith.constant 16 : i32
      %mul3A_707 = arith.muli %mul3A_706, %add3A_705 : i32
      %add3A_708 = arith.constant 8 : i32
      %add3A_709 = arith.addi %add3A_708, %mul3A_707 : i32
      %get3A_710 = arith.index_cast %add3A_709 : i32 to index
      %get3A_711 = tpu.vector_load %arg6[%get3A_710] {strides = array<i32>} : memref<10016xi32, #tpu.memory_space<vmem>>, vector<16xi32>,
      %get3A_712 = vector.shape_cast %get3A_711 : vector<16xi32> to vector<16xi32>
      %mul3A_713 = arith.constant 16 : i32
      %mul3A_714 = arith.muli %mul3A_713, %add3A_705 : i32
      %add3A_715 = arith.constant 7 : i32
      %add3A_716 = arith.addi %add3A_715, %mul3A_714 : i32
      %get3A_717 = arith.index_cast %add3A_716 : i32 to index
      %get3A_718 = tpu.vector_load %arg6[%get3A_717] {strides = array<i32>} : memref<10016xi32, #tpu.memory_space<vmem>>, vector<16xi32>,
      %get3A_719 = vector.shape_cast %get3A_718 : vector<16xi32> to vector<16xi32>
      %eq3A_720 = arith.cmpi eq, %get3A_712, %get3A_719 : vector<16xi32>
      %div3A_721 = arith.divsi %get3A_712, %broadcast_in_dim3A_9 : vector<16xi32>
      %mul3A_722 = arith.muli %div3A_721, %broadcast_in_dim3A_9 : vector<16xi32>
      %sub3A_723 = arith.subi %get3A_712, %mul3A_722 : vector<16xi32>
      %select_n3A_724 = arith.select %eq3A_720, %broadcast_in_dim3A_5, %div3A_721 : vector<16xi1>, vector<16xi32>
      %swap3A_725 = arith.constant 112 : index
      %swap3A_726 = tpu.vector_load %arg7[%swap3A_725] {strides = array<i32>} : memref<128xi32, #tpu.memory_space<vmem>>, vector<16xi32>,
      %swap3A_727 = vector.shape_cast %swap3A_726 : vector<16xi32> to vector<16xi32>
      %swap3A_728 = vector.shape_cast %select_n3A_724 : vector<16xi32> to vector<16xi32>
      tpu.vector_store %arg7[%swap3A_725], %swap3A_728 {strides = array<i32>} : memref<128xi32, #tpu.memory_space<vmem>>, vector<16xi32>,
      %swap3A_729 = arith.constant 112 : index
      %swap3A_730 = tpu.vector_load %arg9[%swap3A_729] {strides = array<i32>} : memref<128xi32, #tpu.memory_space<vmem>>, vector<16xi32>,
      %swap3A_731 = vector.shape_cast %swap3A_730 : vector<16xi32> to vector<16xi32>
      %swap3A_732 = vector.shape_cast %sub3A_723 : vector<16xi32> to vector<16xi32>
      tpu.vector_store %arg9[%swap3A_729], %swap3A_732 {strides = array<i32>} : memref<128xi32, #tpu.memory_space<vmem>>, vector<16xi32>,
      %select_n3A_733 = arith.select %eq3A_720, %broadcast_in_dim3A_5, %sub3A_723 : vector<16xi1>, vector<16xi32>
      %swap3A_734 = arith.constant 112 : index
      %swap3A_735 = tpu.vector_load %arg8[%swap3A_734] {strides = array<i32>} : memref<128xi32, #tpu.memory_space<vmem>>, vector<16xi32>,
      %swap3A_736 = vector.shape_cast %swap3A_735 : vector<16xi32> to vector<16xi32>
      %swap3A_737 = vector.shape_cast %select_n3A_733 : vector<16xi32> to vector<16xi32>
      tpu.vector_store %arg8[%swap3A_734], %swap3A_737 {strides = array<i32>} : memref<128xi32, #tpu.memory_space<vmem>>, vector<16xi32>,
      %swap3A_738 = arith.constant 112 : index
      %swap3A_739 = tpu.vector_load %arg10[%swap3A_738] {strides = array<i32>} : memref<128xi32, #tpu.memory_space<vmem>>, vector<16xi32>,
      %swap3A_740 = vector.shape_cast %swap3A_739 : vector<16xi32> to vector<16xi32>
      %swap3A_741 = vector.shape_cast %div3A_721 : vector<16xi32> to vector<16xi32>
      tpu.vector_store %arg10[%swap3A_738], %swap3A_741 {strides = array<i32>} : memref<128xi32, #tpu.memory_space<vmem>>, vector<16xi32>,
      "tpu.region"() ({
        %run_scoped3A = tpu.sem_alloc : memref<!tpu.dma_semaphore, #tpu.memory_space<semaphore_mem>>
        %dma_start3A_755 = arith.constant 0 : i32
        %dma_start3A_756 = tpu.memref_slice %arg16[%dma_start3A_755] : memref<10240xf32, #tpu.memory_space<vmem_shared>> -> memref<10240xf32, #tpu.memory_space<vmem_shared>>
        tpu.enqueue_indirect_dma source(%arg13 : memref<128xf32, #tpu.memory_space<vmem>>) target(%dma_start3A_756 : memref<10240xf32, #tpu.memory_space<vmem_shared>>) offsets(%arg7 : memref<128xi32, #tpu.memory_space<vmem>>) semaphore(%run_scoped3A : memref<!tpu.dma_semaphore, #tpu.memory_space<semaphore_mem>>) {add = true}
        %dma_wait3A_757 = arith.constant 0 : i32
        %dma_wait3A_758 = tpu.memref_slice %arg16[%dma_wait3A_757] : memref<10240xf32, #tpu.memory_space<vmem_shared>> -> memref<10240xf32, #tpu.memory_space<vmem_shared>>
        tpu.wait_indirect_dma semaphore(%run_scoped3A : memref<!tpu.dma_semaphore, #tpu.memory_space<semaphore_mem>>) src(%arg13 : memref<128xf32, #tpu.memory_space<vmem>>) dst(%dma_wait3A_758 : memref<10240xf32, #tpu.memory_space<vmem_shared>>)
        tpu.yield
      }) : () -> ()
      "tpu.region"() ({
        %run_scoped3A = tpu.sem_alloc : memref<!tpu.dma_semaphore, #tpu.memory_space<semaphore_mem>>
        %dma_start3A_755 = arith.constant 0 : i32
        %dma_start3A_756 = tpu.memref_slice %arg16[%dma_start3A_755] : memref<10240xf32, #tpu.memory_space<vmem_shared>> -> memref<10240xf32, #tpu.memory_space<vmem_shared>>
        tpu.enqueue_indirect_dma source(%arg13 : memref<128xf32, #tpu.memory_space<vmem>>) target(%dma_start3A_756 : memref<10240xf32, #tpu.memory_space<vmem_shared>>) offsets(%arg8 : memref<128xi32, #tpu.memory_space<vmem>>) semaphore(%run_scoped3A : memref<!tpu.dma_semaphore, #tpu.memory_space<semaphore_mem>>) {add = true}
        %dma_wait3A_757 = arith.constant 0 : i32
        %dma_wait3A_758 = tpu.memref_slice %arg16[%dma_wait3A_757] : memref<10240xf32, #tpu.memory_space<vmem_shared>> -> memref<10240xf32, #tpu.memory_space<vmem_shared>>
        tpu.wait_indirect_dma semaphore(%run_scoped3A : memref<!tpu.dma_semaphore, #tpu.memory_space<semaphore_mem>>) src(%arg13 : memref<128xf32, #tpu.memory_space<vmem>>) dst(%dma_wait3A_758 : memref<10240xf32, #tpu.memory_space<vmem_shared>>)
        tpu.yield
      }) : () -> ()
      %dma_start3A_742 = arith.constant 0 : i32
      %dma_start3A_743 = arith.constant 0 : i32
      %dma_start3A_744 = tpu.memref_slice %arg3[%dma_start3A_742, %dma_start3A_743] : memref<10000x128xf32, #tpu.memory_space<hbm>> -> memref<10000x128xf32, #tpu.memory_space<hbm>>
      tpu.enqueue_indirect_dma source(%dma_start3A_744 : memref<10000x128xf32, #tpu.memory_space<hbm>>) target(%arg11 : memref<128x128xf32, #tpu.memory_space<vmem>>) offsets(%arg9 : memref<128xi32, #tpu.memory_space<vmem>>) semaphore(%arg17 : memref<!tpu.dma_semaphore, #tpu.memory_space<semaphore_mem>>)
      %dma_wait3A_745 = arith.constant 0 : i32
      %dma_wait3A_746 = arith.constant 0 : i32
      %dma_wait3A_747 = tpu.memref_slice %arg3[%dma_wait3A_745, %dma_wait3A_746] : memref<10000x128xf32, #tpu.memory_space<hbm>> -> memref<10000x128xf32, #tpu.memory_space<hbm>>
      tpu.wait_indirect_dma semaphore(%arg17 : memref<!tpu.dma_semaphore, #tpu.memory_space<semaphore_mem>>) src(%dma_wait3A_747 : memref<10000x128xf32, #tpu.memory_space<hbm>>) dst(%arg11 : memref<128x128xf32, #tpu.memory_space<vmem>>)
      "tpu.region"() ({
        %run_scoped3A = tpu.sem_alloc : memref<!tpu.dma_semaphore, #tpu.memory_space<semaphore_mem>>
        %dma_start3A_755 = arith.constant 0 : i32
        %dma_start3A_756 = arith.constant 0 : i32
        %dma_start3A_757 = tpu.memref_slice %arg15[%dma_start3A_755, %dma_start3A_756] : memref<10240x128xf32, #tpu.memory_space<vmem_shared>> -> memref<10240x128xf32, #tpu.memory_space<vmem_shared>>
        tpu.enqueue_indirect_dma source(%arg11 : memref<128x128xf32, #tpu.memory_space<vmem>>) target(%dma_start3A_757 : memref<10240x128xf32, #tpu.memory_space<vmem_shared>>) offsets(%arg7 : memref<128xi32, #tpu.memory_space<vmem>>) semaphore(%run_scoped3A : memref<!tpu.dma_semaphore, #tpu.memory_space<semaphore_mem>>) {add = true}
        %dma_wait3A_758 = arith.constant 0 : i32
        %dma_wait3A_759 = arith.constant 0 : i32
        %dma_wait3A_760 = tpu.memref_slice %arg15[%dma_wait3A_758, %dma_wait3A_759] : memref<10240x128xf32, #tpu.memory_space<vmem_shared>> -> memref<10240x128xf32, #tpu.memory_space<vmem_shared>>
        tpu.wait_indirect_dma semaphore(%run_scoped3A : memref<!tpu.dma_semaphore, #tpu.memory_space<semaphore_mem>>) src(%arg11 : memref<128x128xf32, #tpu.memory_space<vmem>>) dst(%dma_wait3A_760 : memref<10240x128xf32, #tpu.memory_space<vmem_shared>>)
        tpu.yield
      }) : () -> ()
      %dma_start3A_748 = arith.constant 0 : i32
      %dma_start3A_749 = arith.constant 0 : i32
      %dma_start3A_750 = tpu.memref_slice %arg3[%dma_start3A_748, %dma_start3A_749] : memref<10000x128xf32, #tpu.memory_space<hbm>> -> memref<10000x128xf32, #tpu.memory_space<hbm>>
      tpu.enqueue_indirect_dma source(%dma_start3A_750 : memref<10000x128xf32, #tpu.memory_space<hbm>>) target(%arg12 : memref<128x128xf32, #tpu.memory_space<vmem>>) offsets(%arg10 : memref<128xi32, #tpu.memory_space<vmem>>) semaphore(%arg17 : memref<!tpu.dma_semaphore, #tpu.memory_space<semaphore_mem>>)
      %dma_wait3A_751 = arith.constant 0 : i32
      %dma_wait3A_752 = arith.constant 0 : i32
      %dma_wait3A_753 = tpu.memref_slice %arg3[%dma_wait3A_751, %dma_wait3A_752] : memref<10000x128xf32, #tpu.memory_space<hbm>> -> memref<10000x128xf32, #tpu.memory_space<hbm>>
      tpu.wait_indirect_dma semaphore(%arg17 : memref<!tpu.dma_semaphore, #tpu.memory_space<semaphore_mem>>) src(%dma_wait3A_753 : memref<10000x128xf32, #tpu.memory_space<hbm>>) dst(%arg12 : memref<128x128xf32, #tpu.memory_space<vmem>>)
      "tpu.region"() ({
        %run_scoped3A = tpu.sem_alloc : memref<!tpu.dma_semaphore, #tpu.memory_space<semaphore_mem>>
        %dma_start3A_755 = arith.constant 0 : i32
        %dma_start3A_756 = arith.constant 0 : i32
        %dma_start3A_757 = tpu.memref_slice %arg15[%dma_start3A_755, %dma_start3A_756] : memref<10240x128xf32, #tpu.memory_space<vmem_shared>> -> memref<10240x128xf32, #tpu.memory_space<vmem_shared>>
        tpu.enqueue_indirect_dma source(%arg12 : memref<128x128xf32, #tpu.memory_space<vmem>>) target(%dma_start3A_757 : memref<10240x128xf32, #tpu.memory_space<vmem_shared>>) offsets(%arg8 : memref<128xi32, #tpu.memory_space<vmem>>) semaphore(%run_scoped3A : memref<!tpu.dma_semaphore, #tpu.memory_space<semaphore_mem>>) {add = true}
        %dma_wait3A_758 = arith.constant 0 : i32
        %dma_wait3A_759 = arith.constant 0 : i32
        %dma_wait3A_760 = tpu.memref_slice %arg15[%dma_wait3A_758, %dma_wait3A_759] : memref<10240x128xf32, #tpu.memory_space<vmem_shared>> -> memref<10240x128xf32, #tpu.memory_space<vmem_shared>>
        tpu.wait_indirect_dma semaphore(%run_scoped3A : memref<!tpu.dma_semaphore, #tpu.memory_space<semaphore_mem>>) src(%arg12 : memref<128x128xf32, #tpu.memory_space<vmem>>) dst(%dma_wait3A_760 : memref<10240x128xf32, #tpu.memory_space<vmem_shared>>)
        tpu.yield
      }) : () -> ()
      %scan3A_754 = arith.constant 0 : i32
      scf.yield %scan3A_754 : i32
    }
    %scan3A_229 = arith.constant 78 : i32
    %get3A = arith.constant 9992 : index
    %get3A_230 = tpu.vector_load %arg6[%get3A] {strides = array<i32>} : memref<10016xi32, #tpu.memory_space<vmem>>, vector<16xi32>,
    %get3A_231 = vector.shape_cast %get3A_230 : vector<16xi32> to vector<16xi32>
    %get3A_232 = arith.constant 9991 : index
    %get3A_233 = tpu.vector_load %arg6[%get3A_232] {strides = array<i32>} : memref<10016xi32, #tpu.memory_space<vmem>>, vector<16xi32>,
    %get3A_234 = vector.shape_cast %get3A_233 : vector<16xi32> to vector<16xi32>
    %eq3A = arith.cmpi eq, %get3A_231, %get3A_234 : vector<16xi32>
    %div3A = arith.divsi %get3A_231, %broadcast_in_dim3A_9 : vector<16xi32>
    %mul3A_235 = arith.muli %div3A, %broadcast_in_dim3A_9 : vector<16xi32>
    %sub3A = arith.subi %get3A_231, %mul3A_235 : vector<16xi32>
    %select_n3A = arith.select %eq3A, %broadcast_in_dim3A_5, %div3A : vector<16xi1>, vector<16xi32>
    %swap3A_236 = arith.constant 0 : index
    %swap3A_237 = tpu.vector_load %arg7[%swap3A_236] {strides = array<i32>} : memref<128xi32, #tpu.memory_space<vmem>>, vector<16xi32>,
    %swap3A_238 = vector.shape_cast %swap3A_237 : vector<16xi32> to vector<16xi32>
    %swap3A_239 = vector.shape_cast %select_n3A : vector<16xi32> to vector<16xi32>
    tpu.vector_store %arg7[%swap3A_236], %swap3A_239 {strides = array<i32>} : memref<128xi32, #tpu.memory_space<vmem>>, vector<16xi32>,
    %swap3A_240 = arith.constant 0 : index
    %swap3A_241 = tpu.vector_load %arg9[%swap3A_240] {strides = array<i32>} : memref<128xi32, #tpu.memory_space<vmem>>, vector<16xi32>,
    %swap3A_242 = vector.shape_cast %swap3A_241 : vector<16xi32> to vector<16xi32>
    %swap3A_243 = vector.shape_cast %sub3A : vector<16xi32> to vector<16xi32>
    tpu.vector_store %arg9[%swap3A_240], %swap3A_243 {strides = array<i32>} : memref<128xi32, #tpu.memory_space<vmem>>, vector<16xi32>,
    %select_n3A_244 = arith.select %eq3A, %broadcast_in_dim3A_5, %sub3A : vector<16xi1>, vector<16xi32>
    %swap3A_245 = arith.constant 0 : index
    %swap3A_246 = tpu.vector_load %arg8[%swap3A_245] {strides = array<i32>} : memref<128xi32, #tpu.memory_space<vmem>>, vector<16xi32>,
    %swap3A_247 = vector.shape_cast %swap3A_246 : vector<16xi32> to vector<16xi32>
    %swap3A_248 = vector.shape_cast %select_n3A_244 : vector<16xi32> to vector<16xi32>
    tpu.vector_store %arg8[%swap3A_245], %swap3A_248 {strides = array<i32>} : memref<128xi32, #tpu.memory_space<vmem>>, vector<16xi32>,
    %swap3A_249 = arith.constant 0 : index
    %swap3A_250 = tpu.vector_load %arg10[%swap3A_249] {strides = array<i32>} : memref<128xi32, #tpu.memory_space<vmem>>, vector<16xi32>,
    %swap3A_251 = vector.shape_cast %swap3A_250 : vector<16xi32> to vector<16xi32>
    %swap3A_252 = vector.shape_cast %div3A : vector<16xi32> to vector<16xi32>
    tpu.vector_store %arg10[%swap3A_249], %swap3A_252 {strides = array<i32>} : memref<128xi32, #tpu.memory_space<vmem>>, vector<16xi32>,
    %swap3A_253 = arith.constant 16 : index
    %swap3A_254 = tpu.vector_load %arg7[%swap3A_253] {strides = array<i32>} : memref<128xi32, #tpu.memory_space<vmem>>, vector<16xi32>,
    %swap3A_255 = vector.shape_cast %swap3A_254 : vector<16xi32> to vector<16xi32>
    %swap3A_256 = vector.shape_cast %broadcast_in_dim3A_5 : vector<16xi32> to vector<16xi32>
    tpu.vector_store %arg7[%swap3A_253], %swap3A_256 {strides = array<i32>} : memref<128xi32, #tpu.memory_space<vmem>>, vector<16xi32>,
    %swap3A_257 = arith.constant 16 : index
    %swap3A_258 = tpu.vector_load %arg9[%swap3A_257] {strides = array<i32>} : memref<128xi32, #tpu.memory_space<vmem>>, vector<16xi32>,
    %swap3A_259 = vector.shape_cast %swap3A_258 : vector<16xi32> to vector<16xi32>
    %swap3A_260 = vector.shape_cast %broadcast_in_dim3A_7 : vector<16xi32> to vector<16xi32>
    tpu.vector_store %arg9[%swap3A_257], %swap3A_260 {strides = array<i32>} : memref<128xi32, #tpu.memory_space<vmem>>, vector<16xi32>,
    %swap3A_261 = arith.constant 16 : index
    %swap3A_262 = tpu.vector_load %arg8[%swap3A_261] {strides = array<i32>} : memref<128xi32, #tpu.memory_space<vmem>>, vector<16xi32>,
    %swap3A_263 = vector.shape_cast %swap3A_262 : vector<16xi32> to vector<16xi32>
    %swap3A_264 = vector.shape_cast %broadcast_in_dim3A_5 : vector<16xi32> to vector<16xi32>
    tpu.vector_store %arg8[%swap3A_261], %swap3A_264 {strides = array<i32>} : memref<128xi32, #tpu.memory_space<vmem>>, vector<16xi32>,
    %swap3A_265 = arith.constant 16 : index
    %swap3A_266 = tpu.vector_load %arg10[%swap3A_265] {strides = array<i32>} : memref<128xi32, #tpu.memory_space<vmem>>, vector<16xi32>,
    %swap3A_267 = vector.shape_cast %swap3A_266 : vector<16xi32> to vector<16xi32>
    %swap3A_268 = vector.shape_cast %broadcast_in_dim3A_7 : vector<16xi32> to vector<16xi32>
    tpu.vector_store %arg10[%swap3A_265], %swap3A_268 {strides = array<i32>} : memref<128xi32, #tpu.memory_space<vmem>>, vector<16xi32>,
    %swap3A_269 = arith.constant 32 : index
    %swap3A_270 = tpu.vector_load %arg7[%swap3A_269] {strides = array<i32>} : memref<128xi32, #tpu.memory_space<vmem>>, vector<16xi32>,
    %swap3A_271 = vector.shape_cast %swap3A_270 : vector<16xi32> to vector<16xi32>
    %swap3A_272 = vector.shape_cast %broadcast_in_dim3A_5 : vector<16xi32> to vector<16xi32>
    tpu.vector_store %arg7[%swap3A_269], %swap3A_272 {strides = array<i32>} : memref<128xi32, #tpu.memory_space<vmem>>, vector<16xi32>,
    %swap3A_273 = arith.constant 32 : index
    %swap3A_274 = tpu.vector_load %arg9[%swap3A_273] {strides = array<i32>} : memref<128xi32, #tpu.memory_space<vmem>>, vector<16xi32>,
    %swap3A_275 = vector.shape_cast %swap3A_274 : vector<16xi32> to vector<16xi32>
    %swap3A_276 = vector.shape_cast %broadcast_in_dim3A_7 : vector<16xi32> to vector<16xi32>
    tpu.vector_store %arg9[%swap3A_273], %swap3A_276 {strides = array<i32>} : memref<128xi32, #tpu.memory_space<vmem>>, vector<16xi32>,
    %swap3A_277 = arith.constant 32 : index
    %swap3A_278 = tpu.vector_load %arg8[%swap3A_277] {strides = array<i32>} : memref<128xi32, #tpu.memory_space<vmem>>, vector<16xi32>,
    %swap3A_279 = vector.shape_cast %swap3A_278 : vector<16xi32> to vector<16xi32>
    %swap3A_280 = vector.shape_cast %broadcast_in_dim3A_5 : vector<16xi32> to vector<16xi32>
    tpu.vector_store %arg8[%swap3A_277], %swap3A_280 {strides = array<i32>} : memref<128xi32, #tpu.memory_space<vmem>>, vector<16xi32>,
    %swap3A_281 = arith.constant 32 : index
    %swap3A_282 = tpu.vector_load %arg10[%swap3A_281] {strides = array<i32>} : memref<128xi32, #tpu.memory_space<vmem>>, vector<16xi32>,
    %swap3A_283 = vector.shape_cast %swap3A_282 : vector<16xi32> to vector<16xi32>
    %swap3A_284 = vector.shape_cast %broadcast_in_dim3A_7 : vector<16xi32> to vector<16xi32>
    tpu.vector_store %arg10[%swap3A_281], %swap3A_284 {strides = array<i32>} : memref<128xi32, #tpu.memory_space<vmem>>, vector<16xi32>,
    %swap3A_285 = arith.constant 48 : index
    %swap3A_286 = tpu.vector_load %arg7[%swap3A_285] {strides = array<i32>} : memref<128xi32, #tpu.memory_space<vmem>>, vector<16xi32>,
    %swap3A_287 = vector.shape_cast %swap3A_286 : vector<16xi32> to vector<16xi32>
    %swap3A_288 = vector.shape_cast %broadcast_in_dim3A_5 : vector<16xi32> to vector<16xi32>
    tpu.vector_store %arg7[%swap3A_285], %swap3A_288 {strides = array<i32>} : memref<128xi32, #tpu.memory_space<vmem>>, vector<16xi32>,
    %swap3A_289 = arith.constant 48 : index
    %swap3A_290 = tpu.vector_load %arg9[%swap3A_289] {strides = array<i32>} : memref<128xi32, #tpu.memory_space<vmem>>, vector<16xi32>,
    %swap3A_291 = vector.shape_cast %swap3A_290 : vector<16xi32> to vector<16xi32>
    %swap3A_292 = vector.shape_cast %broadcast_in_dim3A_7 : vector<16xi32> to vector<16xi32>
    tpu.vector_store %arg9[%swap3A_289], %swap3A_292 {strides = array<i32>} : memref<128xi32, #tpu.memory_space<vmem>>, vector<16xi32>,
    %swap3A_293 = arith.constant 48 : index
    %swap3A_294 = tpu.vector_load %arg8[%swap3A_293] {strides = array<i32>} : memref<128xi32, #tpu.memory_space<vmem>>, vector<16xi32>,
    %swap3A_295 = vector.shape_cast %swap3A_294 : vector<16xi32> to vector<16xi32>
    %swap3A_296 = vector.shape_cast %broadcast_in_dim3A_5 : vector<16xi32> to vector<16xi32>
    tpu.vector_store %arg8[%swap3A_293], %swap3A_296 {strides = array<i32>} : memref<128xi32, #tpu.memory_space<vmem>>, vector<16xi32>,
    %swap3A_297 = arith.constant 48 : index
    %swap3A_298 = tpu.vector_load %arg10[%swap3A_297] {strides = array<i32>} : memref<128xi32, #tpu.memory_space<vmem>>, vector<16xi32>,
    %swap3A_299 = vector.shape_cast %swap3A_298 : vector<16xi32> to vector<16xi32>
    %swap3A_300 = vector.shape_cast %broadcast_in_dim3A_7 : vector<16xi32> to vector<16xi32>
    tpu.vector_store %arg10[%swap3A_297], %swap3A_300 {strides = array<i32>} : memref<128xi32, #tpu.memory_space<vmem>>, vector<16xi32>,
    %swap3A_301 = arith.constant 64 : index
    %swap3A_302 = tpu.vector_load %arg7[%swap3A_301] {strides = array<i32>} : memref<128xi32, #tpu.memory_space<vmem>>, vector<16xi32>,
    %swap3A_303 = vector.shape_cast %swap3A_302 : vector<16xi32> to vector<16xi32>
    %swap3A_304 = vector.shape_cast %broadcast_in_dim3A_5 : vector<16xi32> to vector<16xi32>
    tpu.vector_store %arg7[%swap3A_301], %swap3A_304 {strides = array<i32>} : memref<128xi32, #tpu.memory_space<vmem>>, vector<16xi32>,
    %swap3A_305 = arith.constant 64 : index
    %swap3A_306 = tpu.vector_load %arg9[%swap3A_305] {strides = array<i32>} : memref<128xi32, #tpu.memory_space<vmem>>, vector<16xi32>,
    %swap3A_307 = vector.shape_cast %swap3A_306 : vector<16xi32> to vector<16xi32>
    %swap3A_308 = vector.shape_cast %broadcast_in_dim3A_7 : vector<16xi32> to vector<16xi32>
    tpu.vector_store %arg9[%swap3A_305], %swap3A_308 {strides = array<i32>} : memref<128xi32, #tpu.memory_space<vmem>>, vector<16xi32>,
    %swap3A_309 = arith.constant 64 : index
    %swap3A_310 = tpu.vector_load %arg8[%swap3A_309] {strides = array<i32>} : memref<128xi32, #tpu.memory_space<vmem>>, vector<16xi32>,
    %swap3A_311 = vector.shape_cast %swap3A_310 : vector<16xi32> to vector<16xi32>
    %swap3A_312 = vector.shape_cast %broadcast_in_dim3A_5 : vector<16xi32> to vector<16xi32>
    tpu.vector_store %arg8[%swap3A_309], %swap3A_312 {strides = array<i32>} : memref<128xi32, #tpu.memory_space<vmem>>, vector<16xi32>,
    %swap3A_313 = arith.constant 64 : index
    %swap3A_314 = tpu.vector_load %arg10[%swap3A_313] {strides = array<i32>} : memref<128xi32, #tpu.memory_space<vmem>>, vector<16xi32>,
    %swap3A_315 = vector.shape_cast %swap3A_314 : vector<16xi32> to vector<16xi32>
    %swap3A_316 = vector.shape_cast %broadcast_in_dim3A_7 : vector<16xi32> to vector<16xi32>
    tpu.vector_store %arg10[%swap3A_313], %swap3A_316 {strides = array<i32>} : memref<128xi32, #tpu.memory_space<vmem>>, vector<16xi32>,
    %swap3A_317 = arith.constant 80 : index
    %swap3A_318 = tpu.vector_load %arg7[%swap3A_317] {strides = array<i32>} : memref<128xi32, #tpu.memory_space<vmem>>, vector<16xi32>,
    %swap3A_319 = vector.shape_cast %swap3A_318 : vector<16xi32> to vector<16xi32>
    %swap3A_320 = vector.shape_cast %broadcast_in_dim3A_5 : vector<16xi32> to vector<16xi32>
    tpu.vector_store %arg7[%swap3A_317], %swap3A_320 {strides = array<i32>} : memref<128xi32, #tpu.memory_space<vmem>>, vector<16xi32>,
    %swap3A_321 = arith.constant 80 : index
    %swap3A_322 = tpu.vector_load %arg9[%swap3A_321] {strides = array<i32>} : memref<128xi32, #tpu.memory_space<vmem>>, vector<16xi32>,
    %swap3A_323 = vector.shape_cast %swap3A_322 : vector<16xi32> to vector<16xi32>
    %swap3A_324 = vector.shape_cast %broadcast_in_dim3A_7 : vector<16xi32> to vector<16xi32>
    tpu.vector_store %arg9[%swap3A_321], %swap3A_324 {strides = array<i32>} : memref<128xi32, #tpu.memory_space<vmem>>, vector<16xi32>,
    %swap3A_325 = arith.constant 80 : index
    %swap3A_326 = tpu.vector_load %arg8[%swap3A_325] {strides = array<i32>} : memref<128xi32, #tpu.memory_space<vmem>>, vector<16xi32>,
    %swap3A_327 = vector.shape_cast %swap3A_326 : vector<16xi32> to vector<16xi32>
    %swap3A_328 = vector.shape_cast %broadcast_in_dim3A_5 : vector<16xi32> to vector<16xi32>
    tpu.vector_store %arg8[%swap3A_325], %swap3A_328 {strides = array<i32>} : memref<128xi32, #tpu.memory_space<vmem>>, vector<16xi32>,
    %swap3A_329 = arith.constant 80 : index
    %swap3A_330 = tpu.vector_load %arg10[%swap3A_329] {strides = array<i32>} : memref<128xi32, #tpu.memory_space<vmem>>, vector<16xi32>,
    %swap3A_331 = vector.shape_cast %swap3A_330 : vector<16xi32> to vector<16xi32>
    %swap3A_332 = vector.shape_cast %broadcast_in_dim3A_7 : vector<16xi32> to vector<16xi32>
    tpu.vector_store %arg10[%swap3A_329], %swap3A_332 {strides = array<i32>} : memref<128xi32, #tpu.memory_space<vmem>>, vector<16xi32>,
    %swap3A_333 = arith.constant 96 : index
    %swap3A_334 = tpu.vector_load %arg7[%swap3A_333] {strides = array<i32>} : memref<128xi32, #tpu.memory_space<vmem>>, vector<16xi32>,
    %swap3A_335 = vector.shape_cast %swap3A_334 : vector<16xi32> to vector<16xi32>
    %swap3A_336 = vector.shape_cast %broadcast_in_dim3A_5 : vector<16xi32> to vector<16xi32>
    tpu.vector_store %arg7[%swap3A_333], %swap3A_336 {strides = array<i32>} : memref<128xi32, #tpu.memory_space<vmem>>, vector<16xi32>,
    %swap3A_337 = arith.constant 96 : index
    %swap3A_338 = tpu.vector_load %arg9[%swap3A_337] {strides = array<i32>} : memref<128xi32, #tpu.memory_space<vmem>>, vector<16xi32>,
    %swap3A_339 = vector.shape_cast %swap3A_338 : vector<16xi32> to vector<16xi32>
    %swap3A_340 = vector.shape_cast %broadcast_in_dim3A_7 : vector<16xi32> to vector<16xi32>
    tpu.vector_store %arg9[%swap3A_337], %swap3A_340 {strides = array<i32>} : memref<128xi32, #tpu.memory_space<vmem>>, vector<16xi32>,
    %swap3A_341 = arith.constant 96 : index
    %swap3A_342 = tpu.vector_load %arg8[%swap3A_341] {strides = array<i32>} : memref<128xi32, #tpu.memory_space<vmem>>, vector<16xi32>,
    %swap3A_343 = vector.shape_cast %swap3A_342 : vector<16xi32> to vector<16xi32>
    %swap3A_344 = vector.shape_cast %broadcast_in_dim3A_5 : vector<16xi32> to vector<16xi32>
    tpu.vector_store %arg8[%swap3A_341], %swap3A_344 {strides = array<i32>} : memref<128xi32, #tpu.memory_space<vmem>>, vector<16xi32>,
    %swap3A_345 = arith.constant 96 : index
    %swap3A_346 = tpu.vector_load %arg10[%swap3A_345] {strides = array<i32>} : memref<128xi32, #tpu.memory_space<vmem>>, vector<16xi32>,
    %swap3A_347 = vector.shape_cast %swap3A_346 : vector<16xi32> to vector<16xi32>
    %swap3A_348 = vector.shape_cast %broadcast_in_dim3A_7 : vector<16xi32> to vector<16xi32>
    tpu.vector_store %arg10[%swap3A_345], %swap3A_348 {strides = array<i32>} : memref<128xi32, #tpu.memory_space<vmem>>, vector<16xi32>,
    %swap3A_349 = arith.constant 112 : index
    %swap3A_350 = tpu.vector_load %arg7[%swap3A_349] {strides = array<i32>} : memref<128xi32, #tpu.memory_space<vmem>>, vector<16xi32>,
    %swap3A_351 = vector.shape_cast %swap3A_350 : vector<16xi32> to vector<16xi32>
    %swap3A_352 = vector.shape_cast %broadcast_in_dim3A_5 : vector<16xi32> to vector<16xi32>
    tpu.vector_store %arg7[%swap3A_349], %swap3A_352 {strides = array<i32>} : memref<128xi32, #tpu.memory_space<vmem>>, vector<16xi32>,
    %swap3A_353 = arith.constant 112 : index
    %swap3A_354 = tpu.vector_load %arg9[%swap3A_353] {strides = array<i32>} : memref<128xi32, #tpu.memory_space<vmem>>, vector<16xi32>,
    %swap3A_355 = vector.shape_cast %swap3A_354 : vector<16xi32> to vector<16xi32>
    %swap3A_356 = vector.shape_cast %broadcast_in_dim3A_7 : vector<16xi32> to vector<16xi32>
    tpu.vector_store %arg9[%swap3A_353], %swap3A_356 {strides = array<i32>} : memref<128xi32, #tpu.memory_space<vmem>>, vector<16xi32>,
    %swap3A_357 = arith.constant 112 : index
    %swap3A_358 = tpu.vector_load %arg8[%swap3A_357] {strides = array<i32>} : memref<128xi32, #tpu.memory_space<vmem>>, vector<16xi32>,
    %swap3A_359 = vector.shape_cast %swap3A_358 : vector<16xi32> to vector<16xi32>
    %swap3A_360 = vector.shape_cast %broadcast_in_dim3A_5 : vector<16xi32> to vector<16xi32>
    tpu.vector_store %arg8[%swap3A_357], %swap3A_360 {strides = array<i32>} : memref<128xi32, #tpu.memory_space<vmem>>, vector<16xi32>,
    %swap3A_361 = arith.constant 112 : index
    %swap3A_362 = tpu.vector_load %arg10[%swap3A_361] {strides = array<i32>} : memref<128xi32, #tpu.memory_space<vmem>>, vector<16xi32>,
    %swap3A_363 = vector.shape_cast %swap3A_362 : vector<16xi32> to vector<16xi32>
    %swap3A_364 = vector.shape_cast %broadcast_in_dim3A_7 : vector<16xi32> to vector<16xi32>
    tpu.vector_store %arg10[%swap3A_361], %swap3A_364 {strides = array<i32>} : memref<128xi32, #tpu.memory_space<vmem>>, vector<16xi32>,
    "tpu.region"() ({
      %run_scoped3A = tpu.sem_alloc : memref<!tpu.dma_semaphore, #tpu.memory_space<semaphore_mem>>
      %dma_start3A_420 = arith.constant 0 : i32
      %dma_start3A_421 = tpu.memref_slice %arg16[%dma_start3A_420] : memref<10240xf32, #tpu.memory_space<vmem_shared>> -> memref<10240xf32, #tpu.memory_space<vmem_shared>>
      tpu.enqueue_indirect_dma source(%arg13 : memref<128xf32, #tpu.memory_space<vmem>>) target(%dma_start3A_421 : memref<10240xf32, #tpu.memory_space<vmem_shared>>) offsets(%arg7 : memref<128xi32, #tpu.memory_space<vmem>>) semaphore(%run_scoped3A : memref<!tpu.dma_semaphore, #tpu.memory_space<semaphore_mem>>) {add = true}
      %dma_wait3A_422 = arith.constant 0 : i32
      %dma_wait3A_423 = tpu.memref_slice %arg16[%dma_wait3A_422] : memref<10240xf32, #tpu.memory_space<vmem_shared>> -> memref<10240xf32, #tpu.memory_space<vmem_shared>>
      tpu.wait_indirect_dma semaphore(%run_scoped3A : memref<!tpu.dma_semaphore, #tpu.memory_space<semaphore_mem>>) src(%arg13 : memref<128xf32, #tpu.memory_space<vmem>>) dst(%dma_wait3A_423 : memref<10240xf32, #tpu.memory_space<vmem_shared>>)
      tpu.yield
    }) : () -> ()
    "tpu.region"() ({
      %run_scoped3A = tpu.sem_alloc : memref<!tpu.dma_semaphore, #tpu.memory_space<semaphore_mem>>
      %dma_start3A_420 = arith.constant 0 : i32
      %dma_start3A_421 = tpu.memref_slice %arg16[%dma_start3A_420] : memref<10240xf32, #tpu.memory_space<vmem_shared>> -> memref<10240xf32, #tpu.memory_space<vmem_shared>>
      tpu.enqueue_indirect_dma source(%arg13 : memref<128xf32, #tpu.memory_space<vmem>>) target(%dma_start3A_421 : memref<10240xf32, #tpu.memory_space<vmem_shared>>) offsets(%arg8 : memref<128xi32, #tpu.memory_space<vmem>>) semaphore(%run_scoped3A : memref<!tpu.dma_semaphore, #tpu.memory_space<semaphore_mem>>) {add = true}
      %dma_wait3A_422 = arith.constant 0 : i32
      %dma_wait3A_423 = tpu.memref_slice %arg16[%dma_wait3A_422] : memref<10240xf32, #tpu.memory_space<vmem_shared>> -> memref<10240xf32, #tpu.memory_space<vmem_shared>>
      tpu.wait_indirect_dma semaphore(%run_scoped3A : memref<!tpu.dma_semaphore, #tpu.memory_space<semaphore_mem>>) src(%arg13 : memref<128xf32, #tpu.memory_space<vmem>>) dst(%dma_wait3A_423 : memref<10240xf32, #tpu.memory_space<vmem_shared>>)
      tpu.yield
    }) : () -> ()
    %dma_start3A = arith.constant 0 : i32
    %dma_start3A_365 = arith.constant 0 : i32
    %dma_start3A_366 = tpu.memref_slice %arg3[%dma_start3A, %dma_start3A_365] : memref<10000x128xf32, #tpu.memory_space<hbm>> -> memref<10000x128xf32, #tpu.memory_space<hbm>>
    tpu.enqueue_indirect_dma source(%dma_start3A_366 : memref<10000x128xf32, #tpu.memory_space<hbm>>) target(%arg11 : memref<128x128xf32, #tpu.memory_space<vmem>>) offsets(%arg9 : memref<128xi32, #tpu.memory_space<vmem>>) semaphore(%arg17 : memref<!tpu.dma_semaphore, #tpu.memory_space<semaphore_mem>>)
    %dma_wait3A = arith.constant 0 : i32
    %dma_wait3A_367 = arith.constant 0 : i32
    %dma_wait3A_368 = tpu.memref_slice %arg3[%dma_wait3A, %dma_wait3A_367] : memref<10000x128xf32, #tpu.memory_space<hbm>> -> memref<10000x128xf32, #tpu.memory_space<hbm>>
    tpu.wait_indirect_dma semaphore(%arg17 : memref<!tpu.dma_semaphore, #tpu.memory_space<semaphore_mem>>) src(%dma_wait3A_368 : memref<10000x128xf32, #tpu.memory_space<hbm>>) dst(%arg11 : memref<128x128xf32, #tpu.memory_space<vmem>>)
    "tpu.region"() ({
      %run_scoped3A = tpu.sem_alloc : memref<!tpu.dma_semaphore, #tpu.memory_space<semaphore_mem>>
      %dma_start3A_420 = arith.constant 0 : i32
      %dma_start3A_421 = arith.constant 0 : i32
      %dma_start3A_422 = tpu.memref_slice %arg15[%dma_start3A_420, %dma_start3A_421] : memref<10240x128xf32, #tpu.memory_space<vmem_shared>> -> memref<10240x128xf32, #tpu.memory_space<vmem_shared>>
      tpu.enqueue_indirect_dma source(%arg11 : memref<128x128xf32, #tpu.memory_space<vmem>>) target(%dma_start3A_422 : memref<10240x128xf32, #tpu.memory_space<vmem_shared>>) offsets(%arg7 : memref<128xi32, #tpu.memory_space<vmem>>) semaphore(%run_scoped3A : memref<!tpu.dma_semaphore, #tpu.memory_space<semaphore_mem>>) {add = true}
      %dma_wait3A_423 = arith.constant 0 : i32
      %dma_wait3A_424 = arith.constant 0 : i32
      %dma_wait3A_425 = tpu.memref_slice %arg15[%dma_wait3A_423, %dma_wait3A_424] : memref<10240x128xf32, #tpu.memory_space<vmem_shared>> -> memref<10240x128xf32, #tpu.memory_space<vmem_shared>>
      tpu.wait_indirect_dma semaphore(%run_scoped3A : memref<!tpu.dma_semaphore, #tpu.memory_space<semaphore_mem>>) src(%arg11 : memref<128x128xf32, #tpu.memory_space<vmem>>) dst(%dma_wait3A_425 : memref<10240x128xf32, #tpu.memory_space<vmem_shared>>)
      tpu.yield
    }) : () -> ()
    %dma_start3A_369 = arith.constant 0 : i32
    %dma_start3A_370 = arith.constant 0 : i32
    %dma_start3A_371 = tpu.memref_slice %arg3[%dma_start3A_369, %dma_start3A_370] : memref<10000x128xf32, #tpu.memory_space<hbm>> -> memref<10000x128xf32, #tpu.memory_space<hbm>>
    tpu.enqueue_indirect_dma source(%dma_start3A_371 : memref<10000x128xf32, #tpu.memory_space<hbm>>) target(%arg12 : memref<128x128xf32, #tpu.memory_space<vmem>>) offsets(%arg10 : memref<128xi32, #tpu.memory_space<vmem>>) semaphore(%arg17 : memref<!tpu.dma_semaphore, #tpu.memory_space<semaphore_mem>>)
    %dma_wait3A_372 = arith.constant 0 : i32
    %dma_wait3A_373 = arith.constant 0 : i32
    %dma_wait3A_374 = tpu.memref_slice %arg3[%dma_wait3A_372, %dma_wait3A_373] : memref<10000x128xf32, #tpu.memory_space<hbm>> -> memref<10000x128xf32, #tpu.memory_space<hbm>>
    tpu.wait_indirect_dma semaphore(%arg17 : memref<!tpu.dma_semaphore, #tpu.memory_space<semaphore_mem>>) src(%dma_wait3A_374 : memref<10000x128xf32, #tpu.memory_space<hbm>>) dst(%arg12 : memref<128x128xf32, #tpu.memory_space<vmem>>)
    "tpu.region"() ({
      %run_scoped3A = tpu.sem_alloc : memref<!tpu.dma_semaphore, #tpu.memory_space<semaphore_mem>>
      %dma_start3A_420 = arith.constant 0 : i32
      %dma_start3A_421 = arith.constant 0 : i32
      %dma_start3A_422 = tpu.memref_slice %arg15[%dma_start3A_420, %dma_start3A_421] : memref<10240x128xf32, #tpu.memory_space<vmem_shared>> -> memref<10240x128xf32, #tpu.memory_space<vmem_shared>>
      tpu.enqueue_indirect_dma source(%arg12 : memref<128x128xf32, #tpu.memory_space<vmem>>) target(%dma_start3A_422 : memref<10240x128xf32, #tpu.memory_space<vmem_shared>>) offsets(%arg8 : memref<128xi32, #tpu.memory_space<vmem>>) semaphore(%run_scoped3A : memref<!tpu.dma_semaphore, #tpu.memory_space<semaphore_mem>>) {add = true}
      %dma_wait3A_423 = arith.constant 0 : i32
      %dma_wait3A_424 = arith.constant 0 : i32
      %dma_wait3A_425 = tpu.memref_slice %arg15[%dma_wait3A_423, %dma_wait3A_424] : memref<10240x128xf32, #tpu.memory_space<vmem_shared>> -> memref<10240x128xf32, #tpu.memory_space<vmem_shared>>
      tpu.wait_indirect_dma semaphore(%run_scoped3A : memref<!tpu.dma_semaphore, #tpu.memory_space<semaphore_mem>>) src(%arg12 : memref<128x128xf32, #tpu.memory_space<vmem>>) dst(%dma_wait3A_425 : memref<10240x128xf32, #tpu.memory_space<vmem_shared>>)
      tpu.yield
    }) : () -> ()
    %barrier3A_375 = arith.constant 0 : index
    tpu.barrier barrier_id(%barrier3A_375)
    %mul3A_376 = arith.constant 624 : i32
    %mul3A_377 = arith.muli %arg1, %mul3A_376 : i32
    %add3A_378 = arith.constant 0 : i32
    %add3A_379 = arith.addi %mul3A_377, %add3A_378 : i32
    "tpu.region"() ({
      %run_scoped3A = tpu.sem_alloc : memref<!tpu.dma_semaphore, #tpu.memory_space<semaphore_mem>>
      %dma_start3A_420 = arith.constant 0 : i32
      %dma_start3A_421 = arith.constant 0 : i32
      %dma_start3A_422 = tpu.memref_slice %arg11[%dma_start3A_420, %dma_start3A_421] : memref<128x128xf32, #tpu.memory_space<vmem>> -> memref<128x128xf32, #tpu.memory_space<vmem>>
      %dma_start3A_423 = arith.constant 0 : i32
      %dma_start3A_424 = tpu.memref_slice %arg15[%add3A_379, %dma_start3A_423] : memref<10240x128xf32, #tpu.memory_space<vmem_shared>> -> memref<128x128xf32, #tpu.memory_space<vmem_shared>>
      %dma_start3A_425 = arith.constant 0 : i32
      %dma_start3A_426 = arith.constant 0 : i32
      %dma_start3A_427 = tpu.memref_slice %arg11[%dma_start3A_425, %dma_start3A_426] : memref<128x128xf32, #tpu.memory_space<vmem>> -> memref<128x128xf32, #tpu.memory_space<vmem>>
      %dma_start3A_428 = arith.constant 0 : i32
      %dma_start3A_429 = tpu.memref_slice %arg15[%add3A_379, %dma_start3A_428] : memref<10240x128xf32, #tpu.memory_space<vmem_shared>> -> memref<128x128xf32, #tpu.memory_space<vmem_shared>>
      tpu.enqueue_dma source(%dma_start3A_429 : memref<128x128xf32, #tpu.memory_space<vmem_shared>>) target(%dma_start3A_427 : memref<128x128xf32, #tpu.memory_space<vmem>>) target_semaphore(%run_scoped3A : memref<!tpu.dma_semaphore, #tpu.memory_space<semaphore_mem>>)
      %dma_wait3A_430 = arith.constant 0 : i32
      %dma_wait3A_431 = arith.constant 0 : i32
      %dma_wait3A_432 = tpu.memref_slice %arg11[%dma_wait3A_430, %dma_wait3A_431] : memref<128x128xf32, #tpu.memory_space<vmem>> -> memref<128x128xf32, #tpu.memory_space<vmem>>
      %dma_wait3A_433 = arith.constant 0 : i32
      %dma_wait3A_434 = tpu.memref_slice %arg15[%add3A_379, %dma_wait3A_433] : memref<10240x128xf32, #tpu.memory_space<vmem_shared>> -> memref<128x128xf32, #tpu.memory_space<vmem_shared>>
      %dma_wait3A_435 = arith.constant 0 : i32
      %dma_wait3A_436 = arith.constant 0 : i32
      %dma_wait3A_437 = tpu.memref_slice %arg11[%dma_wait3A_435, %dma_wait3A_436] : memref<128x128xf32, #tpu.memory_space<vmem>> -> memref<128x128xf32, #tpu.memory_space<vmem>>
      %dma_wait3A_438 = arith.constant 0 : i32
      %dma_wait3A_439 = tpu.memref_slice %arg15[%add3A_379, %dma_wait3A_438] : memref<10240x128xf32, #tpu.memory_space<vmem_shared>> -> memref<128x128xf32, #tpu.memory_space<vmem_shared>>
      tpu.wait_dma2 semaphore(%run_scoped3A : memref<!tpu.dma_semaphore, #tpu.memory_space<semaphore_mem>>) src(%dma_wait3A_439 : memref<128x128xf32, #tpu.memory_space<vmem_shared>>) dst(%dma_wait3A_437 : memref<128x128xf32, #tpu.memory_space<vmem>>)
      tpu.yield
    }) : () -> ()
    %mul3A_380 = arith.constant 10000 : i32
    %mul3A_381 = arith.muli %arg0, %mul3A_380 : i32
    %add3A_382 = arith.addi %mul3A_381, %mul3A_377 : i32
    %add3A_383 = arith.constant 0 : i32
    %add3A_384 = arith.addi %add3A_382, %add3A_383 : i32
    "tpu.region"() ({
      %run_scoped3A = tpu.sem_alloc : memref<!tpu.dma_semaphore, #tpu.memory_space<semaphore_mem>>
      %dma_start3A_420 = arith.constant 0 : i32
      %dma_start3A_421 = arith.constant 0 : i32
      %dma_start3A_422 = tpu.memref_slice %arg11[%dma_start3A_420, %dma_start3A_421] : memref<128x128xf32, #tpu.memory_space<vmem>> -> memref<128x128xf32, #tpu.memory_space<vmem>>
      %dma_start3A_423 = arith.constant 0 : i32
      %dma_start3A_424 = tpu.memref_slice %arg4[%add3A_384, %dma_start3A_423] : memref<20000x128xf32, #tpu.memory_space<hbm>> -> memref<128x128xf32, #tpu.memory_space<hbm>>
      %dma_start3A_425 = arith.constant 0 : i32
      %dma_start3A_426 = tpu.memref_slice %arg4[%add3A_384, %dma_start3A_425] : memref<20000x128xf32, #tpu.memory_space<hbm>> -> memref<128x128xf32, #tpu.memory_space<hbm>>
      %dma_start3A_427 = arith.constant 0 : i32
      %dma_start3A_428 = arith.constant 0 : i32
      %dma_start3A_429 = tpu.memref_slice %arg11[%dma_start3A_427, %dma_start3A_428] : memref<128x128xf32, #tpu.memory_space<vmem>> -> memref<128x128xf32, #tpu.memory_space<vmem>>
      tpu.enqueue_dma source(%dma_start3A_429 : memref<128x128xf32, #tpu.memory_space<vmem>>) target(%dma_start3A_426 : memref<128x128xf32, #tpu.memory_space<hbm>>) target_semaphore(%run_scoped3A : memref<!tpu.dma_semaphore, #tpu.memory_space<semaphore_mem>>)
      %dma_wait3A_430 = arith.constant 0 : i32
      %dma_wait3A_431 = arith.constant 0 : i32
      %dma_wait3A_432 = tpu.memref_slice %arg11[%dma_wait3A_430, %dma_wait3A_431] : memref<128x128xf32, #tpu.memory_space<vmem>> -> memref<128x128xf32, #tpu.memory_space<vmem>>
      %dma_wait3A_433 = arith.constant 0 : i32
      %dma_wait3A_434 = tpu.memref_slice %arg4[%add3A_384, %dma_wait3A_433] : memref<20000x128xf32, #tpu.memory_space<hbm>> -> memref<128x128xf32, #tpu.memory_space<hbm>>
      %dma_wait3A_435 = arith.constant 0 : i32
      %dma_wait3A_436 = tpu.memref_slice %arg4[%add3A_384, %dma_wait3A_435] : memref<20000x128xf32, #tpu.memory_space<hbm>> -> memref<128x128xf32, #tpu.memory_space<hbm>>
      %dma_wait3A_437 = arith.constant 0 : i32
      %dma_wait3A_438 = arith.constant 0 : i32
      %dma_wait3A_439 = tpu.memref_slice %arg11[%dma_wait3A_437, %dma_wait3A_438] : memref<128x128xf32, #tpu.memory_space<vmem>> -> memref<128x128xf32, #tpu.memory_space<vmem>>
      tpu.wait_dma2 semaphore(%run_scoped3A : memref<!tpu.dma_semaphore, #tpu.memory_space<semaphore_mem>>) src(%dma_wait3A_439 : memref<128x128xf32, #tpu.memory_space<vmem>>) dst(%dma_wait3A_436 : memref<128x128xf32, #tpu.memory_space<hbm>>)
      tpu.yield
    }) : () -> ()
    %add3A_385 = arith.constant 128 : i32
    %add3A_386 = arith.addi %mul3A_377, %add3A_385 : i32
    "tpu.region"() ({
      %run_scoped3A = tpu.sem_alloc : memref<!tpu.dma_semaphore, #tpu.memory_space<semaphore_mem>>
      %dma_start3A_420 = arith.constant 0 : i32
      %dma_start3A_421 = arith.constant 0 : i32
      %dma_start3A_422 = tpu.memref_slice %arg11[%dma_start3A_420, %dma_start3A_421] : memref<128x128xf32, #tpu.memory_space<vmem>> -> memref<128x128xf32, #tpu.memory_space<vmem>>
      %dma_start3A_423 = arith.constant 0 : i32
      %dma_start3A_424 = tpu.memref_slice %arg15[%add3A_386, %dma_start3A_423] : memref<10240x128xf32, #tpu.memory_space<vmem_shared>> -> memref<128x128xf32, #tpu.memory_space<vmem_shared>>
      %dma_start3A_425 = arith.constant 0 : i32
      %dma_start3A_426 = arith.constant 0 : i32
      %dma_start3A_427 = tpu.memref_slice %arg11[%dma_start3A_425, %dma_start3A_426] : memref<128x128xf32, #tpu.memory_space<vmem>> -> memref<128x128xf32, #tpu.memory_space<vmem>>
      %dma_start3A_428 = arith.constant 0 : i32
      %dma_start3A_429 = tpu.memref_slice %arg15[%add3A_386, %dma_start3A_428] : memref<10240x128xf32, #tpu.memory_space<vmem_shared>> -> memref<128x128xf32, #tpu.memory_space<vmem_shared>>
      tpu.enqueue_dma source(%dma_start3A_429 : memref<128x128xf32, #tpu.memory_space<vmem_shared>>) target(%dma_start3A_427 : memref<128x128xf32, #tpu.memory_space<vmem>>) target_semaphore(%run_scoped3A : memref<!tpu.dma_semaphore, #tpu.memory_space<semaphore_mem>>)
      %dma_wait3A_430 = arith.constant 0 : i32
      %dma_wait3A_431 = arith.constant 0 : i32
      %dma_wait3A_432 = tpu.memref_slice %arg11[%dma_wait3A_430, %dma_wait3A_431] : memref<128x128xf32, #tpu.memory_space<vmem>> -> memref<128x128xf32, #tpu.memory_space<vmem>>
      %dma_wait3A_433 = arith.constant 0 : i32
      %dma_wait3A_434 = tpu.memref_slice %arg15[%add3A_386, %dma_wait3A_433] : memref<10240x128xf32, #tpu.memory_space<vmem_shared>> -> memref<128x128xf32, #tpu.memory_space<vmem_shared>>
      %dma_wait3A_435 = arith.constant 0 : i32
      %dma_wait3A_436 = arith.constant 0 : i32
      %dma_wait3A_437 = tpu.memref_slice %arg11[%dma_wait3A_435, %dma_wait3A_436] : memref<128x128xf32, #tpu.memory_space<vmem>> -> memref<128x128xf32, #tpu.memory_space<vmem>>
      %dma_wait3A_438 = arith.constant 0 : i32
      %dma_wait3A_439 = tpu.memref_slice %arg15[%add3A_386, %dma_wait3A_438] : memref<10240x128xf32, #tpu.memory_space<vmem_shared>> -> memref<128x128xf32, #tpu.memory_space<vmem_shared>>
      tpu.wait_dma2 semaphore(%run_scoped3A : memref<!tpu.dma_semaphore, #tpu.memory_space<semaphore_mem>>) src(%dma_wait3A_439 : memref<128x128xf32, #tpu.memory_space<vmem_shared>>) dst(%dma_wait3A_437 : memref<128x128xf32, #tpu.memory_space<vmem>>)
      tpu.yield
    }) : () -> ()
    %mul3A_387 = arith.constant 10000 : i32
    %mul3A_388 = arith.muli %arg0, %mul3A_387 : i32
    %add3A_389 = arith.addi %mul3A_388, %mul3A_377 : i32
    %add3A_390 = arith.constant 128 : i32
    %add3A_391 = arith.addi %add3A_389, %add3A_390 : i32
    "tpu.region"() ({
      %run_scoped3A = tpu.sem_alloc : memref<!tpu.dma_semaphore, #tpu.memory_space<semaphore_mem>>
      %dma_start3A_420 = arith.constant 0 : i32
      %dma_start3A_421 = arith.constant 0 : i32
      %dma_start3A_422 = tpu.memref_slice %arg11[%dma_start3A_420, %dma_start3A_421] : memref<128x128xf32, #tpu.memory_space<vmem>> -> memref<128x128xf32, #tpu.memory_space<vmem>>
      %dma_start3A_423 = arith.constant 0 : i32
      %dma_start3A_424 = tpu.memref_slice %arg4[%add3A_391, %dma_start3A_423] : memref<20000x128xf32, #tpu.memory_space<hbm>> -> memref<128x128xf32, #tpu.memory_space<hbm>>
      %dma_start3A_425 = arith.constant 0 : i32
      %dma_start3A_426 = tpu.memref_slice %arg4[%add3A_391, %dma_start3A_425] : memref<20000x128xf32, #tpu.memory_space<hbm>> -> memref<128x128xf32, #tpu.memory_space<hbm>>
      %dma_start3A_427 = arith.constant 0 : i32
      %dma_start3A_428 = arith.constant 0 : i32
      %dma_start3A_429 = tpu.memref_slice %arg11[%dma_start3A_427, %dma_start3A_428] : memref<128x128xf32, #tpu.memory_space<vmem>> -> memref<128x128xf32, #tpu.memory_space<vmem>>
      tpu.enqueue_dma source(%dma_start3A_429 : memref<128x128xf32, #tpu.memory_space<vmem>>) target(%dma_start3A_426 : memref<128x128xf32, #tpu.memory_space<hbm>>) target_semaphore(%run_scoped3A : memref<!tpu.dma_semaphore, #tpu.memory_space<semaphore_mem>>)
      %dma_wait3A_430 = arith.constant 0 : i32
      %dma_wait3A_431 = arith.constant 0 : i32
      %dma_wait3A_432 = tpu.memref_slice %arg11[%dma_wait3A_430, %dma_wait3A_431] : memref<128x128xf32, #tpu.memory_space<vmem>> -> memref<128x128xf32, #tpu.memory_space<vmem>>
      %dma_wait3A_433 = arith.constant 0 : i32
      %dma_wait3A_434 = tpu.memref_slice %arg4[%add3A_391, %dma_wait3A_433] : memref<20000x128xf32, #tpu.memory_space<hbm>> -> memref<128x128xf32, #tpu.memory_space<hbm>>
      %dma_wait3A_435 = arith.constant 0 : i32
      %dma_wait3A_436 = tpu.memref_slice %arg4[%add3A_391, %dma_wait3A_435] : memref<20000x128xf32, #tpu.memory_space<hbm>> -> memref<128x128xf32, #tpu.memory_space<hbm>>
      %dma_wait3A_437 = arith.constant 0 : i32
      %dma_wait3A_438 = arith.constant 0 : i32
      %dma_wait3A_439 = tpu.memref_slice %arg11[%dma_wait3A_437, %dma_wait3A_438] : memref<128x128xf32, #tpu.memory_space<vmem>> -> memref<128x128xf32, #tpu.memory_space<vmem>>
      tpu.wait_dma2 semaphore(%run_scoped3A : memref<!tpu.dma_semaphore, #tpu.memory_space<semaphore_mem>>) src(%dma_wait3A_439 : memref<128x128xf32, #tpu.memory_space<vmem>>) dst(%dma_wait3A_436 : memref<128x128xf32, #tpu.memory_space<hbm>>)
      tpu.yield
    }) : () -> ()
    %add3A_392 = arith.constant 256 : i32
    %add3A_393 = arith.addi %mul3A_377, %add3A_392 : i32
    "tpu.region"() ({
      %run_scoped3A = tpu.sem_alloc : memref<!tpu.dma_semaphore, #tpu.memory_space<semaphore_mem>>
      %dma_start3A_420 = arith.constant 0 : i32
      %dma_start3A_421 = arith.constant 0 : i32
      %dma_start3A_422 = tpu.memref_slice %arg11[%dma_start3A_420, %dma_start3A_421] : memref<128x128xf32, #tpu.memory_space<vmem>> -> memref<128x128xf32, #tpu.memory_space<vmem>>
      %dma_start3A_423 = arith.constant 0 : i32
      %dma_start3A_424 = tpu.memref_slice %arg15[%add3A_393, %dma_start3A_423] : memref<10240x128xf32, #tpu.memory_space<vmem_shared>> -> memref<128x128xf32, #tpu.memory_space<vmem_shared>>
      %dma_start3A_425 = arith.constant 0 : i32
      %dma_start3A_426 = arith.constant 0 : i32
      %dma_start3A_427 = tpu.memref_slice %arg11[%dma_start3A_425, %dma_start3A_426] : memref<128x128xf32, #tpu.memory_space<vmem>> -> memref<128x128xf32, #tpu.memory_space<vmem>>
      %dma_start3A_428 = arith.constant 0 : i32
      %dma_start3A_429 = tpu.memref_slice %arg15[%add3A_393, %dma_start3A_428] : memref<10240x128xf32, #tpu.memory_space<vmem_shared>> -> memref<128x128xf32, #tpu.memory_space<vmem_shared>>
      tpu.enqueue_dma source(%dma_start3A_429 : memref<128x128xf32, #tpu.memory_space<vmem_shared>>) target(%dma_start3A_427 : memref<128x128xf32, #tpu.memory_space<vmem>>) target_semaphore(%run_scoped3A : memref<!tpu.dma_semaphore, #tpu.memory_space<semaphore_mem>>)
      %dma_wait3A_430 = arith.constant 0 : i32
      %dma_wait3A_431 = arith.constant 0 : i32
      %dma_wait3A_432 = tpu.memref_slice %arg11[%dma_wait3A_430, %dma_wait3A_431] : memref<128x128xf32, #tpu.memory_space<vmem>> -> memref<128x128xf32, #tpu.memory_space<vmem>>
      %dma_wait3A_433 = arith.constant 0 : i32
      %dma_wait3A_434 = tpu.memref_slice %arg15[%add3A_393, %dma_wait3A_433] : memref<10240x128xf32, #tpu.memory_space<vmem_shared>> -> memref<128x128xf32, #tpu.memory_space<vmem_shared>>
      %dma_wait3A_435 = arith.constant 0 : i32
      %dma_wait3A_436 = arith.constant 0 : i32
      %dma_wait3A_437 = tpu.memref_slice %arg11[%dma_wait3A_435, %dma_wait3A_436] : memref<128x128xf32, #tpu.memory_space<vmem>> -> memref<128x128xf32, #tpu.memory_space<vmem>>
      %dma_wait3A_438 = arith.constant 0 : i32
      %dma_wait3A_439 = tpu.memref_slice %arg15[%add3A_393, %dma_wait3A_438] : memref<10240x128xf32, #tpu.memory_space<vmem_shared>> -> memref<128x128xf32, #tpu.memory_space<vmem_shared>>
      tpu.wait_dma2 semaphore(%run_scoped3A : memref<!tpu.dma_semaphore, #tpu.memory_space<semaphore_mem>>) src(%dma_wait3A_439 : memref<128x128xf32, #tpu.memory_space<vmem_shared>>) dst(%dma_wait3A_437 : memref<128x128xf32, #tpu.memory_space<vmem>>)
      tpu.yield
    }) : () -> ()
    %mul3A_394 = arith.constant 10000 : i32
    %mul3A_395 = arith.muli %arg0, %mul3A_394 : i32
    %add3A_396 = arith.addi %mul3A_395, %mul3A_377 : i32
    %add3A_397 = arith.constant 256 : i32
    %add3A_398 = arith.addi %add3A_396, %add3A_397 : i32
    "tpu.region"() ({
      %run_scoped3A = tpu.sem_alloc : memref<!tpu.dma_semaphore, #tpu.memory_space<semaphore_mem>>
      %dma_start3A_420 = arith.constant 0 : i32
      %dma_start3A_421 = arith.constant 0 : i32
      %dma_start3A_422 = tpu.memref_slice %arg11[%dma_start3A_420, %dma_start3A_421] : memref<128x128xf32, #tpu.memory_space<vmem>> -> memref<128x128xf32, #tpu.memory_space<vmem>>
      %dma_start3A_423 = arith.constant 0 : i32
      %dma_start3A_424 = tpu.memref_slice %arg4[%add3A_398, %dma_start3A_423] : memref<20000x128xf32, #tpu.memory_space<hbm>> -> memref<128x128xf32, #tpu.memory_space<hbm>>
      %dma_start3A_425 = arith.constant 0 : i32
      %dma_start3A_426 = tpu.memref_slice %arg4[%add3A_398, %dma_start3A_425] : memref<20000x128xf32, #tpu.memory_space<hbm>> -> memref<128x128xf32, #tpu.memory_space<hbm>>
      %dma_start3A_427 = arith.constant 0 : i32
      %dma_start3A_428 = arith.constant 0 : i32
      %dma_start3A_429 = tpu.memref_slice %arg11[%dma_start3A_427, %dma_start3A_428] : memref<128x128xf32, #tpu.memory_space<vmem>> -> memref<128x128xf32, #tpu.memory_space<vmem>>
      tpu.enqueue_dma source(%dma_start3A_429 : memref<128x128xf32, #tpu.memory_space<vmem>>) target(%dma_start3A_426 : memref<128x128xf32, #tpu.memory_space<hbm>>) target_semaphore(%run_scoped3A : memref<!tpu.dma_semaphore, #tpu.memory_space<semaphore_mem>>)
      %dma_wait3A_430 = arith.constant 0 : i32
      %dma_wait3A_431 = arith.constant 0 : i32
      %dma_wait3A_432 = tpu.memref_slice %arg11[%dma_wait3A_430, %dma_wait3A_431] : memref<128x128xf32, #tpu.memory_space<vmem>> -> memref<128x128xf32, #tpu.memory_space<vmem>>
      %dma_wait3A_433 = arith.constant 0 : i32
      %dma_wait3A_434 = tpu.memref_slice %arg4[%add3A_398, %dma_wait3A_433] : memref<20000x128xf32, #tpu.memory_space<hbm>> -> memref<128x128xf32, #tpu.memory_space<hbm>>
      %dma_wait3A_435 = arith.constant 0 : i32
      %dma_wait3A_436 = tpu.memref_slice %arg4[%add3A_398, %dma_wait3A_435] : memref<20000x128xf32, #tpu.memory_space<hbm>> -> memref<128x128xf32, #tpu.memory_space<hbm>>
      %dma_wait3A_437 = arith.constant 0 : i32
      %dma_wait3A_438 = arith.constant 0 : i32
      %dma_wait3A_439 = tpu.memref_slice %arg11[%dma_wait3A_437, %dma_wait3A_438] : memref<128x128xf32, #tpu.memory_space<vmem>> -> memref<128x128xf32, #tpu.memory_space<vmem>>
      tpu.wait_dma2 semaphore(%run_scoped3A : memref<!tpu.dma_semaphore, #tpu.memory_space<semaphore_mem>>) src(%dma_wait3A_439 : memref<128x128xf32, #tpu.memory_space<vmem>>) dst(%dma_wait3A_436 : memref<128x128xf32, #tpu.memory_space<hbm>>)
      tpu.yield
    }) : () -> ()
    %add3A_399 = arith.constant 384 : i32
    %add3A_400 = arith.addi %mul3A_377, %add3A_399 : i32
    "tpu.region"() ({
      %run_scoped3A = tpu.sem_alloc : memref<!tpu.dma_semaphore, #tpu.memory_space<semaphore_mem>>
      %dma_start3A_420 = arith.constant 0 : i32
      %dma_start3A_421 = arith.constant 0 : i32
      %dma_start3A_422 = tpu.memref_slice %arg11[%dma_start3A_420, %dma_start3A_421] : memref<128x128xf32, #tpu.memory_space<vmem>> -> memref<128x128xf32, #tpu.memory_space<vmem>>
      %dma_start3A_423 = arith.constant 0 : i32
      %dma_start3A_424 = tpu.memref_slice %arg15[%add3A_400, %dma_start3A_423] : memref<10240x128xf32, #tpu.memory_space<vmem_shared>> -> memref<128x128xf32, #tpu.memory_space<vmem_shared>>
      %dma_start3A_425 = arith.constant 0 : i32
      %dma_start3A_426 = arith.constant 0 : i32
      %dma_start3A_427 = tpu.memref_slice %arg11[%dma_start3A_425, %dma_start3A_426] : memref<128x128xf32, #tpu.memory_space<vmem>> -> memref<128x128xf32, #tpu.memory_space<vmem>>
      %dma_start3A_428 = arith.constant 0 : i32
      %dma_start3A_429 = tpu.memref_slice %arg15[%add3A_400, %dma_start3A_428] : memref<10240x128xf32, #tpu.memory_space<vmem_shared>> -> memref<128x128xf32, #tpu.memory_space<vmem_shared>>
      tpu.enqueue_dma source(%dma_start3A_429 : memref<128x128xf32, #tpu.memory_space<vmem_shared>>) target(%dma_start3A_427 : memref<128x128xf32, #tpu.memory_space<vmem>>) target_semaphore(%run_scoped3A : memref<!tpu.dma_semaphore, #tpu.memory_space<semaphore_mem>>)
      %dma_wait3A_430 = arith.constant 0 : i32
      %dma_wait3A_431 = arith.constant 0 : i32
      %dma_wait3A_432 = tpu.memref_slice %arg11[%dma_wait3A_430, %dma_wait3A_431] : memref<128x128xf32, #tpu.memory_space<vmem>> -> memref<128x128xf32, #tpu.memory_space<vmem>>
      %dma_wait3A_433 = arith.constant 0 : i32
      %dma_wait3A_434 = tpu.memref_slice %arg15[%add3A_400, %dma_wait3A_433] : memref<10240x128xf32, #tpu.memory_space<vmem_shared>> -> memref<128x128xf32, #tpu.memory_space<vmem_shared>>
      %dma_wait3A_435 = arith.constant 0 : i32
      %dma_wait3A_436 = arith.constant 0 : i32
      %dma_wait3A_437 = tpu.memref_slice %arg11[%dma_wait3A_435, %dma_wait3A_436] : memref<128x128xf32, #tpu.memory_space<vmem>> -> memref<128x128xf32, #tpu.memory_space<vmem>>
      %dma_wait3A_438 = arith.constant 0 : i32
      %dma_wait3A_439 = tpu.memref_slice %arg15[%add3A_400, %dma_wait3A_438] : memref<10240x128xf32, #tpu.memory_space<vmem_shared>> -> memref<128x128xf32, #tpu.memory_space<vmem_shared>>
      tpu.wait_dma2 semaphore(%run_scoped3A : memref<!tpu.dma_semaphore, #tpu.memory_space<semaphore_mem>>) src(%dma_wait3A_439 : memref<128x128xf32, #tpu.memory_space<vmem_shared>>) dst(%dma_wait3A_437 : memref<128x128xf32, #tpu.memory_space<vmem>>)
      tpu.yield
    }) : () -> ()
    %mul3A_401 = arith.constant 10000 : i32
    %mul3A_402 = arith.muli %arg0, %mul3A_401 : i32
    %add3A_403 = arith.addi %mul3A_402, %mul3A_377 : i32
    %add3A_404 = arith.constant 384 : i32
    %add3A_405 = arith.addi %add3A_403, %add3A_404 : i32
    "tpu.region"() ({
      %run_scoped3A = tpu.sem_alloc : memref<!tpu.dma_semaphore, #tpu.memory_space<semaphore_mem>>
      %dma_start3A_420 = arith.constant 0 : i32
      %dma_start3A_421 = arith.constant 0 : i32
      %dma_start3A_422 = tpu.memref_slice %arg11[%dma_start3A_420, %dma_start3A_421] : memref<128x128xf32, #tpu.memory_space<vmem>> -> memref<128x128xf32, #tpu.memory_space<vmem>>
      %dma_start3A_423 = arith.constant 0 : i32
      %dma_start3A_424 = tpu.memref_slice %arg4[%add3A_405, %dma_start3A_423] : memref<20000x128xf32, #tpu.memory_space<hbm>> -> memref<128x128xf32, #tpu.memory_space<hbm>>
      %dma_start3A_425 = arith.constant 0 : i32
      %dma_start3A_426 = tpu.memref_slice %arg4[%add3A_405, %dma_start3A_425] : memref<20000x128xf32, #tpu.memory_space<hbm>> -> memref<128x128xf32, #tpu.memory_space<hbm>>
      %dma_start3A_427 = arith.constant 0 : i32
      %dma_start3A_428 = arith.constant 0 : i32
      %dma_start3A_429 = tpu.memref_slice %arg11[%dma_start3A_427, %dma_start3A_428] : memref<128x128xf32, #tpu.memory_space<vmem>> -> memref<128x128xf32, #tpu.memory_space<vmem>>
      tpu.enqueue_dma source(%dma_start3A_429 : memref<128x128xf32, #tpu.memory_space<vmem>>) target(%dma_start3A_426 : memref<128x128xf32, #tpu.memory_space<hbm>>) target_semaphore(%run_scoped3A : memref<!tpu.dma_semaphore, #tpu.memory_space<semaphore_mem>>)
      %dma_wait3A_430 = arith.constant 0 : i32
      %dma_wait3A_431 = arith.constant 0 : i32
      %dma_wait3A_432 = tpu.memref_slice %arg11[%dma_wait3A_430, %dma_wait3A_431] : memref<128x128xf32, #tpu.memory_space<vmem>> -> memref<128x128xf32, #tpu.memory_space<vmem>>
      %dma_wait3A_433 = arith.constant 0 : i32
      %dma_wait3A_434 = tpu.memref_slice %arg4[%add3A_405, %dma_wait3A_433] : memref<20000x128xf32, #tpu.memory_space<hbm>> -> memref<128x128xf32, #tpu.memory_space<hbm>>
      %dma_wait3A_435 = arith.constant 0 : i32
      %dma_wait3A_436 = tpu.memref_slice %arg4[%add3A_405, %dma_wait3A_435] : memref<20000x128xf32, #tpu.memory_space<hbm>> -> memref<128x128xf32, #tpu.memory_space<hbm>>
      %dma_wait3A_437 = arith.constant 0 : i32
      %dma_wait3A_438 = arith.constant 0 : i32
      %dma_wait3A_439 = tpu.memref_slice %arg11[%dma_wait3A_437, %dma_wait3A_438] : memref<128x128xf32, #tpu.memory_space<vmem>> -> memref<128x128xf32, #tpu.memory_space<vmem>>
      tpu.wait_dma2 semaphore(%run_scoped3A : memref<!tpu.dma_semaphore, #tpu.memory_space<semaphore_mem>>) src(%dma_wait3A_439 : memref<128x128xf32, #tpu.memory_space<vmem>>) dst(%dma_wait3A_436 : memref<128x128xf32, #tpu.memory_space<hbm>>)
      tpu.yield
    }) : () -> ()
    %add3A_406 = arith.constant 512 : i32
    %add3A_407 = arith.addi %mul3A_377, %add3A_406 : i32
    "tpu.region"() ({
      %run_scoped3A = tpu.sem_alloc : memref<!tpu.dma_semaphore, #tpu.memory_space<semaphore_mem>>
      %dma_start3A_420 = arith.constant 0 : i32
      %dma_start3A_421 = arith.constant 0 : i32
      %dma_start3A_422 = tpu.memref_slice %arg11[%dma_start3A_420, %dma_start3A_421] : memref<128x128xf32, #tpu.memory_space<vmem>> -> memref<128x128xf32, #tpu.memory_space<vmem>>
      %dma_start3A_423 = arith.constant 0 : i32
      %dma_start3A_424 = tpu.memref_slice %arg15[%add3A_407, %dma_start3A_423] : memref<10240x128xf32, #tpu.memory_space<vmem_shared>> -> memref<128x128xf32, #tpu.memory_space<vmem_shared>>
      %dma_start3A_425 = arith.constant 0 : i32
      %dma_start3A_426 = arith.constant 0 : i32
      %dma_start3A_427 = tpu.memref_slice %arg11[%dma_start3A_425, %dma_start3A_426] : memref<128x128xf32, #tpu.memory_space<vmem>> -> memref<128x128xf32, #tpu.memory_space<vmem>>
      %dma_start3A_428 = arith.constant 0 : i32
      %dma_start3A_429 = tpu.memref_slice %arg15[%add3A_407, %dma_start3A_428] : memref<10240x128xf32, #tpu.memory_space<vmem_shared>> -> memref<128x128xf32, #tpu.memory_space<vmem_shared>>
      tpu.enqueue_dma source(%dma_start3A_429 : memref<128x128xf32, #tpu.memory_space<vmem_shared>>) target(%dma_start3A_427 : memref<128x128xf32, #tpu.memory_space<vmem>>) target_semaphore(%run_scoped3A : memref<!tpu.dma_semaphore, #tpu.memory_space<semaphore_mem>>)
      %dma_wait3A_430 = arith.constant 0 : i32
      %dma_wait3A_431 = arith.constant 0 : i32
      %dma_wait3A_432 = tpu.memref_slice %arg11[%dma_wait3A_430, %dma_wait3A_431] : memref<128x128xf32, #tpu.memory_space<vmem>> -> memref<128x128xf32, #tpu.memory_space<vmem>>
      %dma_wait3A_433 = arith.constant 0 : i32
      %dma_wait3A_434 = tpu.memref_slice %arg15[%add3A_407, %dma_wait3A_433] : memref<10240x128xf32, #tpu.memory_space<vmem_shared>> -> memref<128x128xf32, #tpu.memory_space<vmem_shared>>
      %dma_wait3A_435 = arith.constant 0 : i32
      %dma_wait3A_436 = arith.constant 0 : i32
      %dma_wait3A_437 = tpu.memref_slice %arg11[%dma_wait3A_435, %dma_wait3A_436] : memref<128x128xf32, #tpu.memory_space<vmem>> -> memref<128x128xf32, #tpu.memory_space<vmem>>
      %dma_wait3A_438 = arith.constant 0 : i32
      %dma_wait3A_439 = tpu.memref_slice %arg15[%add3A_407, %dma_wait3A_438] : memref<10240x128xf32, #tpu.memory_space<vmem_shared>> -> memref<128x128xf32, #tpu.memory_space<vmem_shared>>
      tpu.wait_dma2 semaphore(%run_scoped3A : memref<!tpu.dma_semaphore, #tpu.memory_space<semaphore_mem>>) src(%dma_wait3A_439 : memref<128x128xf32, #tpu.memory_space<vmem_shared>>) dst(%dma_wait3A_437 : memref<128x128xf32, #tpu.memory_space<vmem>>)
      tpu.yield
    }) : () -> ()
    %mul3A_408 = arith.constant 10000 : i32
    %mul3A_409 = arith.muli %arg0, %mul3A_408 : i32
    %add3A_410 = arith.addi %mul3A_409, %mul3A_377 : i32
    %add3A_411 = arith.constant 512 : i32
    %add3A_412 = arith.addi %add3A_410, %add3A_411 : i32
    "tpu.region"() ({
      %run_scoped3A = tpu.sem_alloc : memref<!tpu.dma_semaphore, #tpu.memory_space<semaphore_mem>>
      %dma_start3A_420 = arith.constant 0 : i32
      %dma_start3A_421 = arith.constant 0 : i32
      %dma_start3A_422 = tpu.memref_slice %arg11[%dma_start3A_420, %dma_start3A_421] : memref<128x128xf32, #tpu.memory_space<vmem>> -> memref<128x128xf32, #tpu.memory_space<vmem>>
      %dma_start3A_423 = arith.constant 0 : i32
      %dma_start3A_424 = tpu.memref_slice %arg4[%add3A_412, %dma_start3A_423] : memref<20000x128xf32, #tpu.memory_space<hbm>> -> memref<128x128xf32, #tpu.memory_space<hbm>>
      %dma_start3A_425 = arith.constant 0 : i32
      %dma_start3A_426 = tpu.memref_slice %arg4[%add3A_412, %dma_start3A_425] : memref<20000x128xf32, #tpu.memory_space<hbm>> -> memref<128x128xf32, #tpu.memory_space<hbm>>
      %dma_start3A_427 = arith.constant 0 : i32
      %dma_start3A_428 = arith.constant 0 : i32
      %dma_start3A_429 = tpu.memref_slice %arg11[%dma_start3A_427, %dma_start3A_428] : memref<128x128xf32, #tpu.memory_space<vmem>> -> memref<128x128xf32, #tpu.memory_space<vmem>>
      tpu.enqueue_dma source(%dma_start3A_429 : memref<128x128xf32, #tpu.memory_space<vmem>>) target(%dma_start3A_426 : memref<128x128xf32, #tpu.memory_space<hbm>>) target_semaphore(%run_scoped3A : memref<!tpu.dma_semaphore, #tpu.memory_space<semaphore_mem>>)
      %dma_wait3A_430 = arith.constant 0 : i32
      %dma_wait3A_431 = arith.constant 0 : i32
      %dma_wait3A_432 = tpu.memref_slice %arg11[%dma_wait3A_430, %dma_wait3A_431] : memref<128x128xf32, #tpu.memory_space<vmem>> -> memref<128x128xf32, #tpu.memory_space<vmem>>
      %dma_wait3A_433 = arith.constant 0 : i32
      %dma_wait3A_434 = tpu.memref_slice %arg4[%add3A_412, %dma_wait3A_433] : memref<20000x128xf32, #tpu.memory_space<hbm>> -> memref<128x128xf32, #tpu.memory_space<hbm>>
      %dma_wait3A_435 = arith.constant 0 : i32
      %dma_wait3A_436 = tpu.memref_slice %arg4[%add3A_412, %dma_wait3A_435] : memref<20000x128xf32, #tpu.memory_space<hbm>> -> memref<128x128xf32, #tpu.memory_space<hbm>>
      %dma_wait3A_437 = arith.constant 0 : i32
      %dma_wait3A_438 = arith.constant 0 : i32
      %dma_wait3A_439 = tpu.memref_slice %arg11[%dma_wait3A_437, %dma_wait3A_438] : memref<128x128xf32, #tpu.memory_space<vmem>> -> memref<128x128xf32, #tpu.memory_space<vmem>>
      tpu.wait_dma2 semaphore(%run_scoped3A : memref<!tpu.dma_semaphore, #tpu.memory_space<semaphore_mem>>) src(%dma_wait3A_439 : memref<128x128xf32, #tpu.memory_space<vmem>>) dst(%dma_wait3A_436 : memref<128x128xf32, #tpu.memory_space<hbm>>)
      tpu.yield
    }) : () -> ()
    %mul3A_413 = arith.constant 640 : i32
    %mul3A_414 = arith.muli %arg1, %mul3A_413 : i32
    "tpu.region"() ({
      %run_scoped3A = tpu.sem_alloc : memref<!tpu.dma_semaphore, #tpu.memory_space<semaphore_mem>>
      %dma_start3A_420 = tpu.memref_slice %arg16[%mul3A_414] : memref<10240xf32, #tpu.memory_space<vmem_shared>> -> memref<640xf32, #tpu.memory_space<vmem_shared>>
      %dma_start3A_421 = tpu.memref_slice %arg16[%mul3A_414] : memref<10240xf32, #tpu.memory_space<vmem_shared>> -> memref<640xf32, #tpu.memory_space<vmem_shared>>
      tpu.enqueue_dma source(%dma_start3A_421 : memref<640xf32, #tpu.memory_space<vmem_shared>>) target(%arg14 : memref<640xf32, #tpu.memory_space<vmem>>) target_semaphore(%run_scoped3A : memref<!tpu.dma_semaphore, #tpu.memory_space<semaphore_mem>>)
      %dma_wait3A_422 = tpu.memref_slice %arg16[%mul3A_414] : memref<10240xf32, #tpu.memory_space<vmem_shared>> -> memref<640xf32, #tpu.memory_space<vmem_shared>>
      %dma_wait3A_423 = tpu.memref_slice %arg16[%mul3A_414] : memref<10240xf32, #tpu.memory_space<vmem_shared>> -> memref<640xf32, #tpu.memory_space<vmem_shared>>
      tpu.wait_dma2 semaphore(%run_scoped3A : memref<!tpu.dma_semaphore, #tpu.memory_space<semaphore_mem>>) src(%dma_wait3A_423 : memref<640xf32, #tpu.memory_space<vmem_shared>>) dst(%arg14 : memref<640xf32, #tpu.memory_space<vmem>>)
      tpu.yield
    }) : () -> ()
    %mul3A_415 = arith.constant 10240 : i32
    %mul3A_416 = arith.muli %arg0, %mul3A_415 : i32
    %mul3A_417 = arith.constant 640 : i32
    %mul3A_418 = arith.muli %arg1, %mul3A_417 : i32
    %add3A_419 = arith.addi %mul3A_416, %mul3A_418 : i32
    "tpu.region"() ({
      %run_scoped3A = tpu.sem_alloc : memref<!tpu.dma_semaphore, #tpu.memory_space<semaphore_mem>>
      %dma_start3A_420 = tpu.memref_slice %arg5[%add3A_419] : memref<20480xf32, #tpu.memory_space<hbm>> -> memref<640xf32, #tpu.memory_space<hbm>>
      %dma_start3A_421 = tpu.memref_slice %arg5[%add3A_419] : memref<20480xf32, #tpu.memory_space<hbm>> -> memref<640xf32, #tpu.memory_space<hbm>>
      tpu.enqueue_dma source(%arg14 : memref<640xf32, #tpu.memory_space<vmem>>) target(%dma_start3A_421 : memref<640xf32, #tpu.memory_space<hbm>>) target_semaphore(%run_scoped3A : memref<!tpu.dma_semaphore, #tpu.memory_space<semaphore_mem>>)
      %dma_wait3A_422 = tpu.memref_slice %arg5[%add3A_419] : memref<20480xf32, #tpu.memory_space<hbm>> -> memref<640xf32, #tpu.memory_space<hbm>>
      %dma_wait3A_423 = tpu.memref_slice %arg5[%add3A_419] : memref<20480xf32, #tpu.memory_space<hbm>> -> memref<640xf32, #tpu.memory_space<hbm>>
      tpu.wait_dma2 semaphore(%run_scoped3A : memref<!tpu.dma_semaphore, #tpu.memory_space<semaphore_mem>>) src(%arg14 : memref<640xf32, #tpu.memory_space<vmem>>) dst(%dma_wait3A_423 : memref<640xf32, #tpu.memory_space<hbm>>)
      tpu.yield
    }) : () -> ()
    return
  }
}

module attributes {stable_mosaic.version = 14 : i64} {
  func.func @body(%arg0: i32, %arg1: memref<400x128xf32, #tpu.memory_space<vmem>>, %arg2: memref<400x128xf32, #tpu.memory_space<vmem>>, %arg3: memref<400x128xf32, #tpu.memory_space<vmem>>, %arg4: memref<400x1xf32, #tpu.memory_space<vmem>>, %arg5: memref<400x1xf32, #tpu.memory_space<vmem>>, %arg6: memref<400x128xf32, #tpu.memory_space<vmem>>) attributes {dimension_semantics = [#tpu.dimension_semantics<arbitrary>], iteration_bounds = array<i64: 25>, scalar_prefetch = 0 : i64, scratch_operands = 0 : i64, tpu.core_type = #tpu.core_type<tc>, window_params = [{transform_indices = @transform_0, window_bounds = array<i64: 400, 128>}, {transform_indices = @transform_1, window_bounds = array<i64: 400, 128>}, {transform_indices = @transform_2, window_bounds = array<i64: 400, 128>}, {transform_indices = @transform_3, window_bounds = array<i64: 400, 1>}, {transform_indices = @transform_4, window_bounds = array<i64: 400, 1>}, {transform_indices = @transform_5, window_bounds = array<i64: 400, 128>}]} {
    %get3A = arith.constant 0 : index
    %get3A_0 = arith.constant 0 : index
    %get3A_1 = vector.load %arg4[%get3A, %get3A_0] : memref<400x1xf32, #tpu.memory_space<vmem>>, vector<400x1xf32>
    %get3A_2 = arith.constant 0 : index
    %get3A_3 = arith.constant 0 : index
    %get3A_4 = vector.load %arg5[%get3A_2, %get3A_3] : memref<400x1xf32, #tpu.memory_space<vmem>>, vector<400x1xf32>
    %add3A = arith.addf %get3A_1, %get3A_4 : vector<400x1xf32>
    %get3A_5 = arith.constant 0 : index
    %get3A_6 = arith.constant 0 : index
    %get3A_7 = vector.load %arg2[%get3A_5, %get3A_6] : memref<400x128xf32, #tpu.memory_space<vmem>>, vector<400x128xf32>
    %get3A_8 = arith.constant 0 : index
    %get3A_9 = arith.constant 0 : index
    %get3A_10 = vector.load %arg3[%get3A_8, %get3A_9] : memref<400x128xf32, #tpu.memory_space<vmem>>, vector<400x128xf32>
    %add3A_11 = arith.addf %get3A_7, %get3A_10 : vector<400x128xf32>
    %gt3A = arith.constant 0.000000e+00 : f32
    %gt3A_12 = vector.broadcast %gt3A : f32 to vector<400x1xf32>
    %gt3A_13 = arith.cmpf ogt, %add3A, %gt3A_12 : vector<400x1xf32>
    %jit3A = arith.constant 1.000000e+00 : f32
    %broadcast_in_dim3A = vector.broadcast %jit3A : f32 to vector<400x1xf32>
    %select_n3A = arith.select %gt3A_13, %add3A, %broadcast_in_dim3A : vector<400x1xi1>, vector<400x1xf32>
    %mul3A = arith.constant 4.000000e+00 : f32
    %mul3A_14 = vector.broadcast %mul3A : f32 to vector<400x1xf32>
    %mul3A_15 = arith.mulf %mul3A_14, %select_n3A : vector<400x1xf32>
    %div3A = arith.constant 1.000000e+00 : f32
    %div3A_16 = vector.broadcast %div3A : f32 to vector<400x1xf32>
    %div3A_17 = arith.divf %div3A_16, %mul3A_15 : vector<400x1xf32>
    %jit3A_18 = arith.constant 0.000000e+00 : f32
    %broadcast_in_dim3A_19 = vector.broadcast %jit3A_18 : f32 to vector<400x1xf32>
    %select_n3A_20 = arith.select %gt3A_13, %div3A_17, %broadcast_in_dim3A_19 : vector<400x1xi1>, vector<400x1xf32>
    %get3A_21 = arith.constant 0 : index
    %get3A_22 = arith.constant 0 : index
    %get3A_23 = vector.load %arg1[%get3A_21, %get3A_22] : memref<400x128xf32, #tpu.memory_space<vmem>>, vector<400x128xf32>
    %mul3A_24 = arith.constant 7.500000e-01 : f32
    %mul3A_25 = vector.broadcast %mul3A_24 : f32 to vector<400x128xf32>
    %mul3A_26 = arith.mulf %mul3A_25, %get3A_23 : vector<400x128xf32>
    %mul3A_27 = vector.broadcast %select_n3A_20 : vector<400x1xf32> to vector<400x128xf32>
    %mul3A_28 = arith.mulf %add3A_11, %mul3A_27 : vector<400x128xf32>
    %add3A_29 = arith.addf %mul3A_26, %mul3A_28 : vector<400x128xf32>
    %jit3A_30 = arith.constant 0.000000e+00 : f32
    %broadcast_in_dim3A_31 = vector.shape_cast %gt3A_13 : vector<400x1xi1> to vector<400x1xi1>
    %broadcast_in_dim3A_32 = vector.broadcast %broadcast_in_dim3A_31 : vector<400x1xi1> to vector<400x128xi1>
    %broadcast_in_dim3A_33 = vector.broadcast %jit3A_30 : f32 to vector<400x128xf32>
    %select_n3A_34 = arith.select %broadcast_in_dim3A_32, %add3A_29, %broadcast_in_dim3A_33 : vector<400x128xi1>, vector<400x128xf32>
    %swap3A = arith.constant 0 : index
    %swap3A_35 = arith.constant 0 : index
    %swap3A_36 = vector.load %arg6[%swap3A, %swap3A_35] : memref<400x128xf32, #tpu.memory_space<vmem>>, vector<400x128xf32>
    tpu.vector_store %arg6[%swap3A, %swap3A_35], %select_n3A_34 {strides = array<i32>} : memref<400x128xf32, #tpu.memory_space<vmem>>, vector<400x128xf32>,
    return
  }
  func.func @transform_0(%arg0: i32) -> (i32, i32) {
    %c0_i32 = arith.constant 0 : i32
    %c0_i32_0 = arith.constant 0 : i32
    return %arg0, %c0_i32 : i32, i32
  }
  func.func @transform_1(%arg0: i32) -> (i32, i32) {
    %c0_i32 = arith.constant 0 : i32
    %c0_i32_0 = arith.constant 0 : i32
    return %arg0, %c0_i32 : i32, i32
  }
  func.func @transform_2(%arg0: i32) -> (i32, i32) {
    %c0_i32 = arith.constant 0 : i32
    %c0_i32_0 = arith.constant 0 : i32
    return %arg0, %c0_i32 : i32, i32
  }
  func.func @transform_3(%arg0: i32) -> (i32, i32) {
    %c0_i32 = arith.constant 0 : i32
    %c0_i32_0 = arith.constant 0 : i32
    return %arg0, %c0_i32 : i32, i32
  }
  func.func @transform_4(%arg0: i32) -> (i32, i32) {
    %c0_i32 = arith.constant 0 : i32
    %c0_i32_0 = arith.constant 0 : i32
    return %arg0, %c0_i32 : i32, i32
  }
  func.func @transform_5(%arg0: i32) -> (i32, i32) {
    %c0_i32 = arith.constant 0 : i32
    %c0_i32_0 = arith.constant 0 : i32
    return %arg0, %c0_i32 : i32, i32
  }
}

</mosaic_0001>

<sc_bundles>
// kernel: kernel.4.cloned.1.call-start
scs
__scs_entry_jumppad:
0x0: {  	(pc) =	sbr.rel $0x88, $3  }
0x1: {  	(tag) =	ssettag $0x0;
	lr =	simm.s32 $0x1  }
0x2: {  	[smem:$0x3F9F] =	sst lr;
	_ =	strace $0xD0000000  }
0x3: {  	_ = 	snop  }
0x4: {  	_ = 	snop  }
0x5: {  	_ = 	snop  }
0x6: {  	_ = 	snop  }
0x7: {  	_ = 	snop  }
__scs_overlays_trampoline_lowered:
0x8: {  	[smem:$0x3FAE] =	sst s0  }
0x9: {  	[smem:$0x3FAF] =	sst s1  }
0xa: {  	[smem:$0x3FB0] =	sst s2  }
0xb: {  	[smem:$0x3FB1] =	sst s3  }
0xc: {  	[smem:$0x3FB2] =	sst s4  }
0xd: {  	[smem:$0x3FB3] =	sst s5  }
0xe: {  	[smem:$0x3FB4] =	sst s6  }
0xf: {  	[smem:$0x3FB5] =	sst s7  }
0x10: {  	[smem:$0x3FB6] =	sst s8  }
0x11: {  	[smem:$0x3FB7] =	sst s9;
	s0 =	simm.s32 @!p0 $0x0  }
0x12: {  	s1 =	sld [smem:$0x3F9D];
	s0 =	simm.s32 @p0 $0x1  }
0x13: {  	[smem:$0x3FB8] =	sst s0;
	s0 =	simm.s32 @!p1 $0x0  }
0x14: {  	s2 =	sld [smem:$0x3F9C];
	s0 =	simm.s32 @p1 $0x1  }
0x15: {  	[smem:$0x3FB9] =	sst s0;
	s0 =	simm.s32 @!p2 $0x0  }
0x16: {  	s3 =	sld [smem:$0x3FDB];
	s0 =	simm.s32 @p2 $0x1  }
0x17: {  	s4 =	simm.s32 $0x1BF5;
	[smem:$0x3FBB] =	sst s0  }
0x18: {  	s0 =	sld [smem:$0x3F9E];
	_ =	swait.ge [sflag:s4], $0x0  }
0x19: {  	s7 =	sld [smem:$0x3F9F]  }
0x1a: {  	s8 =	sadd.s32 $0xFFFFE003, lr  }
0x1b: {  	s9 =	sadd.s32 $0xFFFFFEF7, lr;
	s5 =	simm.s32 $0xFFFFFFFF;
	p2 =	slt.u32 s8, $0xFFFFF086  }
0x1c: {  	p1 =	slt.u32 s9, $0xF7A;
	s5 =	simm.s32 @!p2 $0x0  }
0x1d: {  	s5 =	simm.s32 @p1 $0x1;
	p0 =	seq.s32 s7, s2  }
0x1e: {  	s7 =	smul.u32 @!p0 $0xF7A, s2;
	p2 =	seq.s32 @!p0 s5, $0x0  }
0x1f: {  	s9 =	smul.u32 $0xF7A, s1;
	s8 =	simm.s32 @!p0 $0x1BF5;
	p2 =	por !p2, p0  }
0x20: {  	[sflag:s8] =	ssyncset.s32 @!p0 $0xFFFFF086;
	s6 =	sadd.s32 @!p0 s3, s7;
	s7 =	simm.s32 @!p0 $0x108  }
0x21: {  	s3 =	sadd.s32 s3, s9;
	s6 =	sadd.s32 @!p0 $0x88, s6;
	s7 =	simm.s32 @p2 $0x1082  }
0x22: {  	[simem:s7], [sflag:s8] =	dma.local @!p0 [hbm:s6], $0xF7A  }
0x23: {  	s9 =	sor.u32 $0xD0000000, s2;
	s6 =	simm.s32 $0x108;
	_ =	swait.ge @!p0 [sflag:s8], $0x0  }
0x24: {  	s3 =	sadd.s32 $0x88, s3;
	s6 =	simm.s32 @!p1 $0x1082;
	[sflag:s4] =	ssyncset.s32 $0xFFFFF086  }
0x25: {  	[simem:s6], [sflag:s4] =	dma.local [hbm:s3], $0xF7A  }
0x26: {  	[smem:$0x3F9F] =	sst s1;
	(tag) =	ssettag s2;
	_ =	strace s9  }
0x27: {  	s1 =	sld [smem:$0x3FAF]  }
0x28: {  	s2 =	sld [smem:$0x3FB0]  }
0x29: {  	s4 =	sld [smem:$0x3FB2]  }
0x2a: {  	p0 =	seq.s32 s5, $0x0;
	s5 =	sld [smem:$0x3FB3]  }
0x2b: {  	s6 =	sld [smem:$0x3FB4]  }
0x2c: {  	s7 =	sld [smem:$0x3FB5]  }
0x2d: {  	s3 =	simm.s32 $0x108;
	s8 =	sld [smem:$0x3FB6]  }
0x2e: {  	s3 =	simm.s32 @!p0 $0x1082;
	s9 =	sld [smem:$0x3FB7]  }
0x2f: {  	lr =	sadd.s32 s0, s3;
	s0 =	sld [smem:$0x3FAE]  }
0x30: {  	s3 =	sld [smem:$0x3FB1]  }
0x31: {  	[smem:$0x3FBA] =	sst s10  }
0x32: {  	s10 =	sld [smem:$0x3FB8];
	_ =	sdelay $0x3  }
0x33: {  	p0 =	seq.s32 s10, $0x1;
	s10 =	sld [smem:$0x3FBA];
	_ =	sdelay $0x3  }
0x34: {  	[smem:$0x3FBA] =	sst s10  }
0x35: {  	s10 =	sld [smem:$0x3FB9];
	_ =	sdelay $0x3  }
0x36: {  	p1 =	seq.s32 s10, $0x1;
	s10 =	sld [smem:$0x3FBA];
	_ =	sdelay $0x3  }
0x37: {  	[smem:$0x3FBA] =	sst s10  }
0x38: {  	s10 =	sld [smem:$0x3FBB]  }
0x39: {  	_ = 	snop;
	(pc) =	sbr.ind lr, $3  }
0x3a: {  	_ = 	snop  }
0x3b: {  	_ = 	snop  }
0x3c: {  	p2 =	seq.s32 s10, $0x1;
	s10 =	sld [smem:$0x3FBA]  }
0x3d: {  	_ =	shalt  }
0x3e: {  	_ =	shalt  }
0x3f: {  	_ =	shalt  }
0x40: {  	_ =	shalt  }
0x41: {  	_ =	shalt  }
0x42: {  	_ =	shalt  }
0x43: {  	_ =	shalt  }
0x44: {  	_ =	shalt  }
0x45: {  	_ =	shalt  }
0x46: {  	_ =	shalt  }
0x47: {  	_ =	shalt  }
0x48: {  	_ =	shalt  }
0x49: {  	_ =	shalt  }
0x4a: {  	_ =	shalt  }
0x4b: {  	_ =	shalt  }
0x4c: {  	_ =	shalt  }
0x4d: {  	_ =	shalt  }
0x4e: {  	_ =	shalt  }
0x4f: {  	_ =	shalt  }
0x50: {  	_ =	shalt  }
0x51: {  	_ =	shalt  }
0x52: {  	_ =	shalt  }
0x53: {  	_ =	shalt  }
0x54: {  	_ =	shalt  }
0x55: {  	_ =	shalt  }
0x56: {  	_ =	shalt  }
0x57: {  	_ =	shalt  }
0x58: {  	_ =	shalt  }
0x59: {  	_ =	shalt  }
0x5a: {  	_ =	shalt  }
0x5b: {  	_ =	shalt  }
0x5c: {  	_ =	shalt  }
0x5d: {  	_ =	shalt  }
0x5e: {  	_ =	shalt  }
0x5f: {  	_ =	shalt  }
0x60: {  	_ =	shalt  }
0x61: {  	_ =	shalt  }
0x62: {  	_ =	shalt  }
0x63: {  	_ =	shalt  }
0x64: {  	_ =	shalt  }
0x65: {  	_ =	shalt  }
0x66: {  	_ =	shalt  }
0x67: {  	_ =	shalt  }
0x68: {  	_ =	shalt  }
0x69: {  	_ =	shalt  }
0x6a: {  	_ =	shalt  }
0x6b: {  	_ =	shalt  }
0x6c: {  	_ =	shalt  }
0x6d: {  	_ =	shalt  }
0x6e: {  	_ =	shalt  }
0x6f: {  	_ =	shalt  }
0x70: {  	_ =	shalt  }
0x71: {  	_ =	shalt  }
0x72: {  	_ =	shalt  }
0x73: {  	_ =	shalt  }
0x74: {  	_ =	shalt  }
0x75: {  	_ =	shalt  }
0x76: {  	_ =	shalt  }
0x77: {  	_ =	shalt  }
0x78: {  	_ =	shalt  }
0x79: {  	_ =	shalt  }
0x7a: {  	_ =	shalt  }
0x7b: {  	_ =	shalt  }
0x7c: {  	_ =	shalt  }
0x7d: {  	_ =	shalt  }
0x7e: {  	_ =	shalt  }
0x7f: {  	_ =	shalt  }
0x80: {  	_ =	shalt  }
0x81: {  	_ =	shalt  }
0x82: {  	_ =	shalt  }
0x83: {  	_ =	shalt  }
0x84: {  	_ =	shalt  }
0x85: {  	_ =	shalt  }
0x86: {  	_ =	shalt  }
0x87: {  	_ =	shalt  }
.Lfunc_end0:
.L_simem_size_0:
called_computation_lowered:
.L_overlay_start_0:
0x88: {  	s2 =	sld [smem:$0x3FD9]  }
0x89: {  	s3 =	sld [smem:$0x3FFE];
	_ =	sdelay $0x1  }
0x8a: {  	s1 =	srdreg.scid  }
0x8b: {  	s0 =	sand.u32 $0x1, s1  }
0x8c: {  	s17 =	sshll.u32 s0, $0xA;
	s2 =	sadd.s32 s3, s2  }
0x8d: {  	s2 =	sadd.s32 s2, s17  }
0x8e: {  	[smem:$0x3FC6] =	sst s2  }
0x8f: {  	_ = 	snop  }
0x90: {  	s2 =	sld [smem:$0x3FC9]  }
0x91: {  	s18 =	sld [smem:$0x3FD0];
	(tm) =	ssettm $0x1  }
0x92: {  	s4 =	sld [smem:$0x3FFB];
	_ =	sdelay $0x3  }
0x93: {  	_ =	strace s4  }
0x94: {  	s4 =	sld [smem:$0x3FFC];
	_ =	sdelay $0x3  }
0x95: {  	_ =	strace s4  }
0x96: {  	s4 =	sld [smem:$0x3FFD];
	_ =	sdelay $0x3  }
0x97: {  	_ =	strace s4  }
0x98: {  	_ =	strace $0x8FFFFFFF  }
0x99: {  	s19 =	sld [smem:$0x3FDB];
	_ =	sdelay $0x1  }
0x9a: {  	s5 =	simm.s32 $_scs_section_size  }
0x9b: {  	s6 =	simm.s32 $_size__tile_overlayer_lowered;
	s7 =	simm.s32 $_tile_overlayer_lowered  }
0x9c: {  	s22 =	simm.s32 $0x1BFF;
	s21 =	sshll.u32 s7, $0x1;
	s4 =	sadd.s32 s5, s19  }
0x9d: {  	s8 =	simm.s32 $0x0;
	s20 =	sshll.u32 s6, $0x1;
	s6 =	sadd.s32 s21, s4  }
0x9e: {  	[timem:s8], [sflag:s22] =	dma.local [hbm:s6], s20  }
0x9f: {  	_ =	swait.ge [sflag:s22], s20  }
0xa0: {  	s5 =	ssub.s32 $0x0, s20;
	[sflag:s22] =	ssyncset.done $0x0  }
0xa1: {  	[sflag:s22] =	ssyncadd.s32 s5;
	_ =	sdelay $0x1  }
0xa2: {  	s23 =	simm.s32 $0x1B8B  }
0xa3: {  	_ =	swait.ge [sflag:s23], $0x1  }
0xa4: {  	[sflag:s23] =	ssyncset.done $0x0  }
0xa5: {  	s25 =	simm.s32 $0x1B8E;
	s24 =	sld [smem:$0x3FFE];
	[sflag:s23] =	ssyncadd.s32 $0xFFFFFFFF  }
0xa6: {  	s26 =	simm.s32 $execute0_lowered;
	[smem:$0x3FD2] =	sst s25  }
0xa7: {  	s6 =	sshll.u32 s26, $0x1;
	_ =	strace $0x80000046;
	[dreg:$0x1] =	wrdreg $0xFFFFFFFF  }
0xa8: {  	s28 =	simm.s32 $_size_execute0_lowered;
	s4 =	sadd.s32 s4, s6;
	[dreg:$0x0] =	wrdreg $0x0  }
0xa9: {  	s6 =	sshll.u32 s28, $0x1;
	[dreg:$0x2] =	wrdreg s4  }
0xaa: {  	[dreg:$0x3] =	wrdreg s6  }
0xab: {  	[dreg:$0x4] =	wrdreg $0xC0  }
0xac: {  	_ =	task [dreg:s8], $0x5FFFF  }
0xad: {  	[dreg:$0x1] =	wrdreg $0xFFFFFFFF  }
0xae: {  	[dreg:$0x0] =	wrdreg $0x60  }
0xaf: {  	[dreg:$0x2] =	wrdreg s18  }
0xb0: {  	[dreg:$0x3] =	wrdreg s2  }
0xb1: {  	[dreg:$0x4] =	wrdreg s24  }
0xb2: {  	[dreg:$0x5] =	wrdreg $0xAC800  }
0xb3: {  	[dreg:$0x6] =	wrdreg $0x1EC800  }
0xb4: {  	[dreg:$0x7] =	wrdreg $0x9  }
0xb5: {  	_ =	task.clear_ibuf [dreg:s8], $0x8FFFF;
	_ =	strace $0x90000046  }
0xb6: {  	s29 =	simm.s32 $0x9;
	_ =	strace $0x80000048  }
0xb7: {  	_ =	swait.ge [sflag:s29], $0x1  }
0xb8: {  	[sflag:s29] =	ssyncadd.s32 $0xFFFFFFFF  }
0xb9: {  	_ =	strace $0x90000048  }
0xba: {  	_ =	sfence  }
0xbb: {  	s30 =	sld [smem:$0x0];
	_ =	sdelay $0x2  }
0xbc: {  	s31 =	sshll.u32 s1, $0xD;
	s1 =	sshrl.u32 s1, $0x2  }
0xbd: {  	s3 =	sand.u32 $0x4000, s31;
	s1 =	sadd.s32 s1, s30  }
0xbe: {  	s0 =	sor.u32 s3, s0;
	s1 =	sshll.u32 s1, $0x11  }
0xbf: {  	s0 =	sor.u32 s1, s0  }
0xc0: {  	s0 =	sadd.s32 $0x8F2B, s0  }
0xc1: {  	[sflag:s0] =	ssyncadd.remote.s32 $0x1  }
0xc2: {  	_ =	sfence.sel $0xFFFF  }
0xc3: {  	[dreg:$0x0] =	wrdreg $0xFFFFFFFF;
	(pc) =	sbr.abs _section_cstart, $3  }
0xc4: {  	[dreg:$0x1] =	wrdreg $0xFFFFFFFF  }
0xc5: {  	_ =	task.clear_ibuf [dreg:s8], $0x2FFFF;
	_ =	strace $0x9FFFFFFF  }
0xc6: {  	(tm) =	ssettm $0x7FFFFFFF  }
0xc7: {  	_ =	shalt  }
tec
execute0_lowered:
.L_overlay_start_1:
0x0: {  	(tag) =	ssettag $0x1  }
0x1: {  	s0 =	rddreg [dreg:$0x0];
	s1 =	stileid.u32  }
0x2: {  	s2 =	rddreg [dreg:$0x2];
	s6 =	smul.u32 $0x270, s1  }
0x3: {  	s4 =	srdreg.scid;
	s9 =	smul.u32 $0x280, s1  }
0x4: {  	s3 =	rddreg [dreg:$0x3];
	s7 =	sand.u32 $0x1, s4;
	s11 =	smul.u32 $0x50000, s1  }
0x5: {  	s31 =	rddreg [dreg:$0x4];
	s4 =	simm.s32 $0x0;
	s8 =	smul.u32 $0x2710, s7  }
0x6: {  	[smem:$0x7FF] =	sst s4;
	s29 =	smul.u32 $0x2800, s7  }
0x7: {  	s12 =	smul.u32 $0x4E000, s1;
	s10 =	ssub.s32 $0x2, s7;
	_ =	strace $0x80000047  }
0x8: {  	s5 =	sshrl.u32 s10, $0x1;
	s6 =	sadd.s32 s6, s8;
	s8 =	sadd.s32 s9, s29  }
0x9: {  	s17 =	sshrl.u32 s12, $0x2;
	s30 =	sshrl.u32 s8, $0x3;
	s8 =	ssub.s32 s10, s5  }
0xa: {  	s10 =	sshrl.u32 s11, $0x2;
	s11 =	sshll.u32 s1, $0x1;
	s1 =	sadd.s32 s9, s31  }
0xb: {  	s6 =	sshll.u32 s6, $0x4;
	s5 =	sadd.s32 s10, s3;
	[dreg:$0xb] =	wrdreg s1  }
0xc: {  	s13 =	sadd.s32 s6, s2;
	s3 =	sadd.s32 s17, s3;
	[dreg:$0x6] =	wrdreg s5  }
0xd: {  	s2 =	sadd.s32 s30, s2;
	s30 =	smax.u32 s8, $0x1;
	[dreg:$0xc] =	wrdreg s3  }
0xe: {  	s14 =	sadd.s32 $0x4000, s5;
	[dreg:$0x18] =	wrdreg s30  }
0xf: {  	s15 =	sadd.s32 $0x8000, s5;
	[dreg:$0x7] =	wrdreg s14  }
0x10: {  	s16 =	sadd.s32 $0xC000, s5;
	[dreg:$0x8] =	wrdreg s15  }
0x11: {  	s18 =	sadd.s32 $0x10000, s5;
	[dreg:$0x9] =	wrdreg s16  }
0x12: {  	s19 =	sadd.s32 $0xC00, s13;
	[dreg:$0xa] =	wrdreg s18  }
0x13: {  	s20 =	sadd.s32 $0x4000, s3;
	[dreg:$0xe] =	wrdreg s19  }
0x14: {  	s21 =	sadd.s32 $0x1400, s13;
	[dreg:$0xf] =	wrdreg s20  }
0x15: {  	s22 =	sadd.s32 $0x8000, s3;
	[dreg:$0x10] =	wrdreg s21  }
0x16: {  	v2 =	vimm.s32 $0xECA86420;
	v0 =	vimm.f32 $1.000000000e+00;
	v1 =	vimm.f32 $0.0e+00;
	s23 =	sadd.s32 $0x1C00, s13;
	[dreg:$0x11] =	wrdreg s22  }
0x17: {  	vm0 =	vcmask $0xB08;
	vm1 =	vcmask $0x1310;
	vm2 =	vcmask $0x1B18;
	s24 =	sadd.s32 $0xC000, s3;
	[dreg:$0x12] =	wrdreg s23  }
0x18: {  	vm3 =	vcmask $0x300;
	vm4 =	vcmask $0x2320;
	vm5 =	vcmask $0x2B28;
	s25 =	sadd.s32 $0x2400, s13;
	[dreg:$0x13] =	wrdreg s24  }
0x19: {  	vm6 =	vcmask $0x3330;
	v3 =	vlaneseq.u32;
	vm7 =	vcmask $0x3B38;
	s7 =	sor.u32 s7, s11;
	s26 =	sadd.s32 $0x10000, s3;
	[dreg:$0x14] =	wrdreg s25  }
0x1a: {  	vm8 =	vmmov $0xff;
	vm12 =	vcmask $0x1714;
	vm13 =	vcmask $0x1F1C;
	s7 =	smul.u32 $0x4E2, s7;
	s28 =	sadd.s32 $0x2C00, s13;
	[dreg:$0x15] =	wrdreg s26  }
0x1b: {  	vm14 =	vcmask $0x2724;
	vm15 =	vcmask $0x2F2C;
	v2 =	vunpack.c.l.s4.s8 v2;
	s29 =	sadd.s32 $0x4EE00, s2;
	s2 =	simm.s32 $0xAA00;
	[dreg:$0x16] =	wrdreg s28  }
0x1c: {  	vm10 =	vcmask $0x3734;
	v4 =	vimm.s32 $0x2718;
	v5 =	vimm.s32 $0x0;
	s3 =	simm.s32 $0x0;
	[dreg:$0x17] =	wrdreg s29;
	s0 =	sadd.s32 s0, s7  }
0x1d: {  	vm11 =	vcmask $0xF0C;
	v3 =	vmul.u32 $0x2, v3;
	v2 =	vunpack.c.0.s8.s32 v2;
	s26 =	simm.s32 $0x2;
	s7 =	simm.s32 $0x2980;
	[dreg:$0xd] =	wrdreg s0  }
.LBB2_1:
0x1e: {  	[tilespmem:$0xA980] =	vst v0  }
0x1f: {  	[tilespmem:$0xA990] =	vst v0  }
0x20: {  	[tilespmem:$0xA9A0] =	vst v0  }
0x21: {  	[tilespmem:$0xA9B0] =	vst v0  }
0x22: {  	[tilespmem:$0xA9C0] =	vst v0  }
0x23: {  	[tilespmem:$0xA9D0] =	vst v0  }
0x24: {  	[tilespmem:$0xA9E0] =	vst v0  }
0x25: {  	[tilespmem:$0xA9F0] =	vst v0  }
0x26: {  	[tilespmem:$0xAA00] =	vst v1  }
0x27: {  	[tilespmem:$0xAA10] =	vst v1  }
0x28: {  	[tilespmem:$0xAA20] =	vst v1  }
0x29: {  	[tilespmem:$0xAA30] =	vst v1  }
0x2a: {  	[tilespmem:$0xAA40] =	vst v1  }
0x2b: {  	[tilespmem:$0xAA50] =	vst v1  }
0x2c: {  	[tilespmem:$0xAA60] =	vst v1  }
0x2d: {  	[tilespmem:$0xAA70] =	vst v1  }
0x2e: {  	[tilespmem:$0xAA80] =	vst v1  }
0x2f: {  	[tilespmem:$0xAA90] =	vst v1  }
0x30: {  	[tilespmem:$0xAAA0] =	vst v1  }
0x31: {  	[tilespmem:$0xAAB0] =	vst v1  }
0x32: {  	[tilespmem:$0xAAC0] =	vst v1  }
0x33: {  	[tilespmem:$0xAAD0] =	vst v1  }
0x34: {  	[tilespmem:$0xAAE0] =	vst v1  }
0x35: {  	[tilespmem:$0xAAF0] =	vst v1  }
0x36: {  	[tilespmem:$0xAB00] =	vst v1  }
0x37: {  	[tilespmem:$0xAB10] =	vst v1  }
0x38: {  	[tilespmem:$0xAB20] =	vst v1  }
0x39: {  	[tilespmem:$0xAB30] =	vst v1  }
0x3a: {  	[tilespmem:$0xAB40] =	vst v1  }
0x3b: {  	[tilespmem:$0xAB50] =	vst v1  }
0x3c: {  	[tilespmem:$0xAB60] =	vst v1  }
0x3d: {  	[tilespmem:$0xAB70] =	vst v1  }
0x3e: {  	[tilespmem:$0xAB80] =	vst v1  }
0x3f: {  	[tilespmem:$0xAB90] =	vst v1  }
0x40: {  	[tilespmem:$0xABA0] =	vst v1  }
0x41: {  	[tilespmem:$0xABB0] =	vst v1  }
0x42: {  	[tilespmem:$0xABC0] =	vst v1  }
0x43: {  	[tilespmem:$0xABD0] =	vst v1  }
0x44: {  	[tilespmem:$0xABE0] =	vst v1  }
0x45: {  	[tilespmem:$0xABF0] =	vst v1  }
0x46: {  	[tilespmem:$0xAC00] =	vst v1  }
0x47: {  	[tilespmem:$0xAC10] =	vst v1  }
0x48: {  	[tilespmem:$0xAC20] =	vst v1  }
0x49: {  	[tilespmem:$0xAC30] =	vst v1  }
0x4a: {  	[tilespmem:$0xAC40] =	vst v1  }
0x4b: {  	[tilespmem:$0xAC50] =	vst v1  }
0x4c: {  	[tilespmem:$0xAC60] =	vst v1  }
0x4d: {  	[tilespmem:$0xAC70] =	vst v1;
	s13 =	simm.s32 $0x0;
	s14 =	simm.s32 $0x200  }
.LBB2_2:
0x4e: {  	p0 =	sne.s32 s14, $0xFE00;
	[tilespmem:s13+$0x29F0] =	vst v1  }
0x4f: {  	[tilespmem:s13+$0x2980] =	vst v1  }
0x50: {  	[tilespmem:s13+$0x2990] =	vst v1  }
.Ltmp0:
0x51: {  	[tilespmem:s13+$0x29A0] =	vst v1;
	(pc) =	sbr.rel @p0 .LBB2_2-.Ltmp0, $4  }
0x52: {  	[tilespmem:s13+$0x29B0] =	vst v1  }
0x53: {  	[tilespmem:s13+$0x29C0] =	vst v1  }
0x54: {  	[tilespmem:s13+$0x29D0] =	vst v1  }
0x55: {  	[tilespmem:s13+$0x29E0] =	vst v1;
	s13 =	sshra.s32 s14, $0x2;
	s14 =	sadd.s32 $0x200, s14  }
0x56: {  	[tilespmem:s13+$0x29F0] =	vst v1  }
0x57: {  	[tilespmem:s13+$0x2980] =	vst v1  }
0x58: {  	[tilespmem:s13+$0x2990] =	vst v1  }
0x59: {  	[tilespmem:s13+$0x29A0] =	vst v1  }
0x5a: {  	[tilespmem:s13+$0x29B0] =	vst v1  }
0x5b: {  	[tilespmem:s13+$0x29C0] =	vst v1  }
0x5c: {  	[dreg:$0x19] =	wrdreg s3;
	[tilespmem:s13+$0x29D0] =	vst v1  }
0x5d: {  	[tilespmem:s13+$0x29E0] =	vst v1;
	s0 =	rddreg [dreg:$0x6]  }
0x5e: {  	[spmem:s0] =	stream.linear.scatter [tilespmem:s7], [sflag:$0x2], $0x4000, $0x38;
	[tilespmem:$0x1EF00] =	vst v63  }
0x5f: {  	_ =	swait.ge [sflag:s26], $0x4000  }
0x60: {  	[sflag:s26] =	ssyncset.done $0x0  }
0x61: {  	s24 =	rddreg [dreg:$0x7];
	[sflag:s26] =	ssyncadd.s32 $0xFFFFC000  }
0x62: {  	[spmem:s24] =	stream.linear.scatter [tilespmem:s7], [sflag:$0x2], $0x4000, $0x38;
	[tilespmem:$0x1EF00] =	vst v63  }
0x63: {  	_ =	swait.ge [sflag:s26], $0x4000  }
0x64: {  	[sflag:s26] =	ssyncset.done $0x0  }
0x65: {  	s25 =	rddreg [dreg:$0x8];
	[sflag:s26] =	ssyncadd.s32 $0xFFFFC000  }
0x66: {  	[spmem:s25] =	stream.linear.scatter [tilespmem:s7], [sflag:$0x2], $0x4000, $0x38;
	[tilespmem:$0x1EF00] =	vst v63  }
0x67: {  	_ =	swait.ge [sflag:s26], $0x4000  }
0x68: {  	[sflag:s26] =	ssyncset.done $0x0  }
0x69: {  	s28 =	rddreg [dreg:$0x9];
	[sflag:s26] =	ssyncadd.s32 $0xFFFFC000  }
0x6a: {  	[spmem:s28] =	stream.linear.scatter [tilespmem:s7], [sflag:$0x2], $0x4000, $0x38;
	[tilespmem:$0x1EF00] =	vst v63  }
0x6b: {  	_ =	swait.ge [sflag:s26], $0x4000  }
0x6c: {  	[sflag:s26] =	ssyncset.done $0x0  }
0x6d: {  	s29 =	rddreg [dreg:$0xa];
	[sflag:s26] =	ssyncadd.s32 $0xFFFFC000  }
0x6e: {  	[spmem:s29] =	stream.linear.scatter [tilespmem:s7], [sflag:$0x2], $0x4000, $0x38;
	[tilespmem:$0x1EF00] =	vst v63  }
0x6f: {  	_ =	swait.ge [sflag:s26], $0x4000  }
0x70: {  	[sflag:s26] =	ssyncset.done $0x0  }
0x71: {  	[sflag:s26] =	ssyncadd.s32 $0xFFFFC000  }
0x72: {  	[spmem:s1] =	stream.linear.scatter [tilespmem:s2], [sflag:$0x2], $0x280, $0x38;
	[tilespmem:$0x1EF00] =	vst v63  }
0x73: {  	_ =	swait.ge [sflag:s26], $0x280  }
0x74: {  	[sflag:s26] =	ssyncset.done $0x0  }
0x75: {  	s30 =	rddreg [dreg:$0xd];
	[sflag:s26] =	ssyncadd.s32 $0xFFFFFD80  }
0x76: {  	[tilespmem:s4], [sflag:$0x2] =	stream.linear.gather [hbm4b:s30+s4], $0x2720, $0x38;
	[tilespmem:$0x1EF00] =	vst v63  }
0x77: {  	_ =	swait.ge [sflag:s26], $0x2720  }
0x78: {  	[sflag:s26] =	ssyncset.done $0x0  }
0x79: {  	[sflag:s26] =	ssyncadd.s32 $0xFFFFD8E0  }
0x7a: {  	s13 =	simm.s32 $0x1E0;
	vm9 =	vcmask $0x704;
	[bflag:$0x0] =	sbarrier.arrive $0xFFFF  }
.LBB2_4:
0x7b: {  	s14 =	sshra.s32 s13, $0x2  }
0x7c: {  	v6 =	vld [tilespmem:s14+$0xFFFFFF90];
	_ =	sdelay $0x4  }
0x7d: {  	(v2sf) =	vpush v6, $0xD;
	_ =	sdelay $0x1  }
0x7e: {  	(v2sf) =	vpush v6, $0xC;
	_ =	sdelay $0x1  }
0x7f: {  	(v2sf) =	vpush v6, $0xE;
	_ =	sdelay $0x1  }
0x80: {  	(v2sf) =	vpush v6, $0xF;
	_ =	sdelay $0x1  }
0x81: {  	(v2sf) =	vpush v6, $0x9;
	_ =	sdelay $0x1  }
0x82: {  	(v2sf) =	vpush v6, $0x8;
	_ =	sdelay $0x1  }
0x83: {  	(v2sf) =	vpush v6, $0xA;
	_ =	sdelay $0x1  }
0x84: {  	(v2sf) =	vpush v6, $0xB  }
0x85: {  	s15 =	spop (v2sf)  }
0x86: {  	(v2sf) =	vpush v6, $0x0;
	s16 =	smulhi.u32 $0x68DB8BAD, s15;
	s15 =	sshra.s32 s15, $0x1F  }
0x87: {  	s17 =	spop (v2sf);
	s15 =	smul.u32 $0x68DB8BAD, s15  }
0x88: {  	(v2sf) =	vpush v6, $0x1;
	s18 =	smulhi.u32 $0x68DB8BAD, s17;
	s17 =	sshra.s32 s17, $0x1F  }
0x89: {  	s19 =	spop (v2sf);
	(v2sf) =	vpush v6, $0x2;
	s17 =	smul.u32 $0x68DB8BAD, s17  }
0x8a: {  	s20 =	smulhi.u32 $0x68DB8BAD, s19;
	s19 =	sshra.s32 s19, $0x1F;
	(v2sf) =	vpush v6, $0x3  }
0x8b: {  	s21 =	spop (v2sf);
	s19 =	smul.u32 $0x68DB8BAD, s19;
	(v2sf) =	vpush v6, $0x4  }
0x8c: {  	s22 =	smulhi.u32 $0x68DB8BAD, s21;
	s21 =	sshra.s32 s21, $0x1F;
	(v2sf) =	vpush v6, $0x5  }
0x8d: {  	s23 =	spop (v2sf);
	s21 =	smul.u32 $0x68DB8BAD, s21;
	(v2sf) =	vpush v6, $0x6  }
0x8e: {  	s6 =	smulhi.u32 $0x68DB8BAD, s23;
	s23 =	sshra.s32 s23, $0x1F;
	(v2sf) =	vpush v6, $0x7  }
0x8f: {  	s15 =	sadd.s32 s15, s16;
	s2 =	spop (v2sf);
	s23 =	smul.u32 $0x68DB8BAD, s23  }
0x90: {  	s24 =	sshrl.u32 s15, $0x1F;
	s12 =	smulhi.u32 $0x68DB8BAD, s2;
	s16 =	sshra.s32 s2, $0x1F  }
0x91: {  	s18 =	sadd.s32 s17, s18;
	s3 =	spop (v2sf);
	s28 =	smul.u32 $0x68DB8BAD, s16  }
0x92: {  	s11 =	sshrl.u32 s18, $0x1F;
	s5 =	smulhi.u32 $0x68DB8BAD, s3;
	s4 =	sshra.s32 s3, $0x1F  }
0x93: {  	s16 =	sadd.s32 s19, s20;
	s7 =	spop (v2sf);
	s20 =	smul.u32 $0x68DB8BAD, s4  }
0x94: {  	s17 =	sadd.s32 s21, s22;
	s0 =	smulhi.u32 $0x68DB8BAD, s7;
	s8 =	sshra.s32 s7, $0x1F  }
0x95: {  	s10 =	sshrl.u32 s16, $0x1F;
	s21 =	smul.u32 $0x68DB8BAD, s8;
	s9 =	spop (v2sf)  }
0x96: {  	s19 =	sadd.s32 s23, s6;
	s22 =	smulhi.u32 $0x68DB8BAD, s9;
	s1 =	sshra.s32 s9, $0x1F  }
0x97: {  	s7 =	smov.u32 s31;
	s25 =	spop (v2sf);
	s1 =	smul.u32 $0x68DB8BAD, s1  }
0x98: {  	s3 =	smulhi.u32 $0x68DB8BAD, s25;
	s6 =	sshra.s32 s25, $0x1F;
	s4 =	spop (v2sf)  }
0x99: {  	s23 =	sadd.s32 s28, s12;
	s6 =	smul.u32 $0x68DB8BAD, s6;
	s2 =	spop (v2sf)  }
0x9a: {  	s28 =	smulhi.u32 $0x68DB8BAD, s4;
	s4 =	sshra.s32 s4, $0x1F;
	s30 =	spop (v2sf)  }
0x9b: {  	s20 =	sadd.s32 s20, s5;
	s4 =	smul.u32 $0x68DB8BAD, s4;
	s5 =	spop (v2sf)  }
0x9c: {  	s31 =	smulhi.u32 $0x68DB8BAD, s2;
	s12 =	sshra.s32 s2, $0x1F;
	s2 =	spop (v2sf)  }
0x9d: {  	s21 =	sadd.s32 s21, s0;
	s0 =	smul.u32 $0x68DB8BAD, s12;
	s9 =	spop (v2sf)  }
0x9e: {  	s1 =	sadd.s32 s1, s22;
	s22 =	smulhi.u32 $0x68DB8BAD, s9;
	s12 =	sshra.s32 s9, $0x1F  }
0x9f: {  	v8 =	vmov s11;
	s8 =	sshrl.u32 s17, $0x1F;
	s3 =	sadd.s32 s6, s3;
	s25 =	smul.u32 $0x68DB8BAD, s12  }
0xa0: {  	v8 =	vsel vm0, s24, v8;
	s6 =	smulhi.u32 $0x68DB8BAD, s30;
	s30 =	sshra.s32 s30, $0x1F;
	s29 =	sshra.s32 s1, $0xC  }
0xa1: {  	v8 =	vsel vm1, s10, v8;
	s4 =	sadd.s32 s4, s28;
	s28 =	sshrl.u32 s20, $0x1F;
	s22 =	sadd.s32 s25, s22  }
0xa2: {  	v8 =	vsel vm2, s8, v8;
	s8 =	smulhi.u32 $0x68DB8BAD, s2;
	s2 =	sshra.s32 s2, $0x1F;
	s25 =	sshra.s32 s22, $0x1F  }
0xa3: {  	s11 =	sshrl.u32 s3, $0x1F;
	s24 =	sshra.s32 s3, $0xC;
	s2 =	smul.u32 $0x68DB8BAD, s2;
	v7 =	vmov s25  }
0xa4: {  	s25 =	smul.u32 $0x68DB8BAD, s30;
	s30 =	sshrl.u32 s1, $0x1F;
	s1 =	sshra.s32 s1, $0x1F;
	v7 =	vsel vm3, s29, v7  }
0xa5: {  	s3 =	sshra.s32 s3, $0x1F;
	s0 =	sadd.s32 s0, s31;
	s12 =	sshrl.u32 s23, $0x1F;
	v9 =	vmov s30;
	v7 =	vsel vm9, s1, v7  }
0xa6: {  	s9 =	sshrl.u32 s19, $0x1F;
	v10 =	vmov s12;
	s12 =	sshra.s32 s4, $0x1F;
	s2 =	sadd.s32 s2, s8;
	v9 =	vnsel vm3, $0x0, v9;
	v7 =	vsel vm0, s24, v7  }
0xa7: {  	s8 =	sshra.s32 s18, $0xC;
	v10 =	vsel vm0, s9, v10;
	s9 =	sshra.s32 s23, $0xC;
	v9 =	vsel vm0, s11, v9;
	s11 =	sshra.s32 s4, $0xC;
	v7 =	vsel vm11, s3, v7  }
0xa8: {  	s29 =	sshrl.u32 s4, $0x1F;
	s1 =	smulhi.u32 $0x68DB8BAD, s5;
	s5 =	sshra.s32 s5, $0x1F;
	v7 =	vsel vm1, s11, v7  }
0xa9: {  	v12 =	vmov s8;
	v10 =	vsel vm1, s28, v10;
	s6 =	sadd.s32 s25, s6;
	s25 =	sshra.s32 s0, $0xC;
	s5 =	smul.u32 $0x68DB8BAD, s5;
	v7 =	vsel vm12, s12, v7  }
0xaa: {  	s31 =	sshrl.u32 s21, $0x1F;
	v11 =	vmov s9;
	s24 =	sshrl.u32 s0, $0x1F;
	s0 =	sshra.s32 s0, $0x1F;
	v9 =	vsel vm1, s29, v9;
	v7 =	vsel vm2, s25, v7  }
0xab: {  	v10 =	vsel vm2, s31, v10;
	v9 =	vsel vm2, s24, v9;
	s24 =	sshrl.u32 s6, $0x1F;
	s1 =	sadd.s32 s5, s1;
	s5 =	sshra.s32 s6, $0xC;
	v7 =	vsel vm13, s0, v7  }
0xac: {  	v8 =	vcombine.low v10, v8;
	s10 =	sshra.s32 s6, $0x1F;
	s11 =	sshra.s32 s15, $0xC;
	v9 =	vsel vm4, s24, v9;
	s28 =	sshrl.u32 s1, $0x1F;
	v7 =	vsel vm4, s5, v7  }
0xad: {  	s18 =	sshra.s32 s16, $0xC;
	s12 =	sshra.s32 s19, $0xC;
	s15 =	sshra.s32 s1, $0xC;
	v10 =	vsel vm0, s11, v12;
	v9 =	vsel vm5, s28, v9;
	v7 =	vsel vm14, s10, v7  }
0xae: {  	s4 =	sshrl.u32 s2, $0x1F;
	s19 =	sshra.s32 s20, $0xC;
	s20 =	sshra.s32 s1, $0x1F;
	v11 =	vsel vm0, s12, v11;
	v10 =	vsel vm1, s18, v10;
	v7 =	vsel vm5, s15, v7  }
0xaf: {  	s23 =	sshra.s32 s17, $0xC;
	s24 =	sshra.s32 s21, $0xC;
	s25 =	sshra.s32 s2, $0xC;
	v9 =	vsel vm6, s4, v9;
	v11 =	vsel vm1, s19, v11;
	v7 =	vsel vm15, s20, v7  }
0xb0: {  	s3 =	sshra.s32 s2, $0x1F;
	s28 =	sshrl.u32 s22, $0x1F;
	v10 =	vsel vm2, s23, v10;
	v11 =	vsel vm2, s24, v11;
	v7 =	vsel vm6, s25, v7  }
0xb1: {  	v9 =	vsel vm7, s28, v9;
	s5 =	sshra.s32 s22, $0xC;
	v10 =	vcombine.low v11, v10;
	v7 =	vsel vm10, s3, v7  }
0xb2: {  	v13 =	vld [tilespmem:s14+$0xFFFFFF8F];
	v8 =	vperm.xlane v8, v2;
	v9 =	vperm.xlane v9, v3;
	v7 =	vsel vm7, s5, v7  }
0xb3: {  	v10 =	vperm.xlane v10, v2;
	v7 =	vperm.xlane v7, v3;
	_ =	sdelay $0x1  }
0xb4: {  	v8 =	vsel vm8, v9, v8;
	v7 =	vsel vm8, v7, v10  }
0xb5: {  	v7 =	vadd.s32 v8, v7  }
0xb6: {  	vm9 =	veq.s32 v6, v13;
	v8 =	vmul.u32 $0xFFFFD8F0, v7  }
0xb7: {  	v14 =	vsel vm9, $0x2718, v7;
	[tilespmem:$0x2900] =	vst v7  }
0xb8: {  	[tilespmem:$0x2780] =	vst v14;
	v6 =	vadd.s32 v6, v8  }
0xb9: {  	[tilespmem:$0x2880] =	vst v6;
	v6 =	vsel vm9, $0x2718, v6  }
0xba: {  	[tilespmem:$0x2800] =	vst v6  }
0xbb: {  	v6 =	vld [tilespmem:s14+$0xFFFFFFA0];
	_ =	sdelay $0x4  }
0xbc: {  	(v2sf) =	vpush v6, $0xD;
	_ =	sdelay $0x1  }
0xbd: {  	(v2sf) =	vpush v6, $0xC;
	_ =	sdelay $0x1  }
0xbe: {  	(v2sf) =	vpush v6, $0xE;
	_ =	sdelay $0x1  }
0xbf: {  	(v2sf) =	vpush v6, $0xF;
	_ =	sdelay $0x1  }
0xc0: {  	(v2sf) =	vpush v6, $0x9;
	_ =	sdelay $0x1  }
0xc1: {  	(v2sf) =	vpush v6, $0x8;
	_ =	sdelay $0x1  }
0xc2: {  	(v2sf) =	vpush v6, $0xA;
	_ =	sdelay $0x1  }
0xc3: {  	(v2sf) =	vpush v6, $0xB  }
0xc4: {  	s6 =	spop (v2sf)  }
0xc5: {  	(v2sf) =	vpush v6, $0x0;
	s8 =	smulhi.u32 $0x68DB8BAD, s6;
	s0 =	sshra.s32 s6, $0x1F  }
0xc6: {  	s11 =	spop (v2sf);
	s0 =	smul.u32 $0x68DB8BAD, s0  }
0xc7: {  	(v2sf) =	vpush v6, $0x1;
	s12 =	smulhi.u32 $0x68DB8BAD, s11;
	s2 =	sshra.s32 s11, $0x1F  }
0xc8: {  	(v2sf) =	vpush v6, $0x2;
	s16 =	spop (v2sf);
	s2 =	smul.u32 $0x68DB8BAD, s2  }
0xc9: {  	(v2sf) =	vpush v6, $0x3;
	s17 =	smulhi.u32 $0x68DB8BAD, s16;
	s4 =	sshra.s32 s16, $0x1F  }
0xca: {  	s20 =	spop (v2sf);
	(v2sf) =	vpush v6, $0x4;
	s4 =	smul.u32 $0x68DB8BAD, s4  }
0xcb: {  	s21 =	smulhi.u32 $0x68DB8BAD, s20;
	s6 =	sshra.s32 s20, $0x1F;
	(v2sf) =	vpush v6, $0x5  }
0xcc: {  	s22 =	spop (v2sf);
	s6 =	smul.u32 $0x68DB8BAD, s6;
	(v2sf) =	vpush v6, $0x6  }
0xcd: {  	s10 =	smulhi.u32 $0x68DB8BAD, s22;
	s9 =	sshra.s32 s22, $0x1F;
	(v2sf) =	vpush v6, $0x7  }
0xce: {  	s25 =	spop (v2sf);
	s23 =	smul.u32 $0x68DB8BAD, s9  }
0xcf: {  	s15 =	sadd.s32 s0, s8;
	s28 =	smulhi.u32 $0x68DB8BAD, s25;
	s1 =	sshra.s32 s25, $0x1F  }
0xd0: {  	s24 =	sshrl.u32 s15, $0x1F;
	s19 =	spop (v2sf);
	s1 =	smul.u32 $0x68DB8BAD, s1  }
0xd1: {  	s18 =	sadd.s32 s2, s12;
	s11 =	smulhi.u32 $0x68DB8BAD, s19;
	s2 =	sshra.s32 s19, $0x1F  }
0xd2: {  	s3 =	sshrl.u32 s18, $0x1F;
	s20 =	spop (v2sf);
	s2 =	smul.u32 $0x68DB8BAD, s2  }
0xd3: {  	s16 =	sadd.s32 s4, s17;
	s12 =	smulhi.u32 $0x68DB8BAD, s20;
	s4 =	sshra.s32 s20, $0x1F  }
0xd4: {  	s17 =	sadd.s32 s6, s21;
	s21 =	spop (v2sf);
	s4 =	smul.u32 $0x68DB8BAD, s4  }
0xd5: {  	s5 =	sshrl.u32 s16, $0x1F;
	s22 =	smulhi.u32 $0x68DB8BAD, s21;
	s6 =	sshra.s32 s21, $0x1F  }
0xd6: {  	s19 =	sadd.s32 s23, s10;
	s23 =	spop (v2sf);
	s0 =	smul.u32 $0x68DB8BAD, s6  }
0xd7: {  	s10 =	smulhi.u32 $0x68DB8BAD, s23;
	s6 =	sshra.s32 s23, $0x1F;
	s25 =	spop (v2sf)  }
0xd8: {  	s23 =	sadd.s32 s1, s28;
	s1 =	smul.u32 $0x68DB8BAD, s6;
	s6 =	spop (v2sf)  }
0xd9: {  	s9 =	smulhi.u32 $0x68DB8BAD, s25;
	s28 =	sshra.s32 s25, $0x1F;
	s25 =	spop (v2sf)  }
0xda: {  	s20 =	sadd.s32 s2, s11;
	s2 =	smul.u32 $0x68DB8BAD, s28;
	s11 =	spop (v2sf)  }
0xdb: {  	s28 =	smulhi.u32 $0x68DB8BAD, s6;
	s6 =	sshra.s32 s6, $0x1F;
	s29 =	spop (v2sf)  }
0xdc: {  	s21 =	sadd.s32 s4, s12;
	s4 =	smul.u32 $0x68DB8BAD, s6;
	s12 =	spop (v2sf)  }
0xdd: {  	s0 =	sadd.s32 s0, s22;
	s22 =	smulhi.u32 $0x68DB8BAD, s12;
	s6 =	sshra.s32 s12, $0x1F  }
0xde: {  	s8 =	sshrl.u32 s17, $0x1F;
	s30 =	sshrl.u32 s19, $0x1F;
	s6 =	smul.u32 $0x68DB8BAD, s6  }
0xdf: {  	s1 =	sadd.s32 s1, s10;
	s10 =	sshrl.u32 s23, $0x1F;
	s31 =	sshra.s32 s0, $0xC  }
0xe0: {  	s2 =	sadd.s32 s2, s9;
	s9 =	sshrl.u32 s20, $0x1F;
	v17 =	vmov s10;
	s22 =	sadd.s32 s6, s22  }
0xe1: {  	v15 =	vmov s3;
	v10 =	vsel vm0, s30, v17;
	s12 =	sshra.s32 s25, $0x1F;
	s6 =	smulhi.u32 $0x68DB8BAD, s25;
	s25 =	sshra.s32 s22, $0x1F  }
0xe2: {  	v8 =	vsel vm0, s24, v15;
	s3 =	sshrl.u32 s1, $0x1F;
	s10 =	sshra.s32 s2, $0x1F;
	v10 =	vsel vm1, s9, v10;
	s9 =	sshra.s32 s18, $0xC;
	v7 =	vmov s25  }
0xe3: {  	vm9 =	vcmask $0x704;
	v8 =	vsel vm1, s5, v8;
	s24 =	sshra.s32 s29, $0x1F;
	s25 =	sshrl.u32 s0, $0x1F;
	s0 =	sshra.s32 s0, $0x1F;
	v7 =	vsel vm3, s31, v7  }
0xe4: {  	v8 =	vsel vm2, s8, v8;
	s4 =	sadd.s32 s4, s28;
	s8 =	smul.u32 $0x68DB8BAD, s24;
	v16 =	vmov s25;
	s25 =	sshra.s32 s1, $0xC;
	v7 =	vsel vm9, s0, v7  }
0xe5: {  	s28 =	sshrl.u32 s21, $0x1F;
	s12 =	smul.u32 $0x68DB8BAD, s12;
	s1 =	sshra.s32 s1, $0x1F;
	v7 =	vsel vm0, s25, v7  }
0xe6: {  	s0 =	smulhi.u32 $0x68DB8BAD, s11;
	s11 =	sshra.s32 s11, $0x1F;
	v9 =	vnsel vm3, $0x0, v16;
	s25 =	sshra.s32 s2, $0xC;
	v7 =	vsel vm11, s1, v7  }
0xe7: {  	s5 =	sshrl.u32 s4, $0x1F;
	s31 =	sshrl.u32 s2, $0x1F;
	s11 =	smul.u32 $0x68DB8BAD, s11;
	v9 =	vsel vm0, s3, v9;
	v7 =	vsel vm1, s25, v7  }
0xe8: {  	s24 =	sshra.s32 s4, $0xC;
	s6 =	sadd.s32 s12, s6;
	s3 =	smulhi.u32 $0x68DB8BAD, s29;
	v9 =	vsel vm1, s31, v9;
	v7 =	vsel vm12, s10, v7  }
0xe9: {  	v18 =	vmov s9;
	s4 =	sshra.s32 s4, $0x1F;
	s12 =	sshrl.u32 s6, $0x1F;
	v9 =	vsel vm2, s5, v9;
	s0 =	sadd.s32 s11, s0;
	v7 =	vsel vm2, s24, v7  }
0xea: {  	v10 =	vsel vm2, s28, v10;
	s3 =	sadd.s32 s8, s3;
	s8 =	sshra.s32 s6, $0xC;
	v9 =	vsel vm4, s12, v9;
	s25 =	sshrl.u32 s0, $0x1F;
	v7 =	vsel vm13, s4, v7  }
0xeb: {  	v8 =	vcombine.low v10, v8;
	s11 =	sshra.s32 s6, $0x1F;
	s10 =	sshra.s32 s23, $0xC;
	s12 =	sshra.s32 s15, $0xC;
	v9 =	vsel vm5, s25, v9;
	v7 =	vsel vm4, s8, v7  }
0xec: {  	s5 =	sshrl.u32 s3, $0x1F;
	s15 =	sshra.s32 s19, $0xC;
	s18 =	sshra.s32 s0, $0xC;
	v19 =	vmov s10;
	v10 =	vsel vm0, s12, v18;
	v7 =	vsel vm14, s11, v7  }
0xed: {  	s20 =	sshra.s32 s20, $0xC;
	s19 =	sshra.s32 s16, $0xC;
	s0 =	sshra.s32 s0, $0x1F;
	v9 =	vsel vm6, s5, v9;
	v11 =	vsel vm0, s15, v19;
	v7 =	vsel vm5, s18, v7  }
0xee: {  	s23 =	sshra.s32 s17, $0xC;
	s24 =	sshra.s32 s21, $0xC;
	s25 =	sshra.s32 s3, $0xC;
	v10 =	vsel vm1, s19, v10;
	v11 =	vsel vm1, s20, v11;
	v7 =	vsel vm15, s0, v7  }
0xef: {  	s28 =	sshrl.u32 s22, $0x1F;
	s3 =	sshra.s32 s3, $0x1F;
	v10 =	vsel vm2, s23, v10;
	v11 =	vsel vm2, s24, v11;
	v7 =	vsel vm6, s25, v7  }
0xf0: {  	s5 =	sshra.s32 s22, $0xC;
	v9 =	vsel vm7, s28, v9;
	v10 =	vcombine.low v11, v10;
	v7 =	vsel vm10, s3, v7  }
0xf1: {  	v20 =	vld [tilespmem:s14+$0xFFFFFF9F];
	v8 =	vperm.xlane v8, v2;
	v9 =	vperm.xlane v9, v3;
	v7 =	vsel vm7, s5, v7  }
0xf2: {  	v10 =	vperm.xlane v10, v2;
	v7 =	vperm.xlane v7, v3;
	_ =	sdelay $0x1  }
0xf3: {  	v8 =	vsel vm8, v9, v8;
	v7 =	vsel vm8, v7, v10  }
0xf4: {  	v7 =	vadd.s32 v8, v7  }
0xf5: {  	vm9 =	veq.s32 v6, v20;
	v8 =	vmul.u32 $0xFFFFD8F0, v7  }
0xf6: {  	v21 =	vsel vm9, $0x2718, v7;
	[tilespmem:$0x2910] =	vst v7  }
0xf7: {  	[tilespmem:$0x2790] =	vst v21;
	v6 =	vadd.s32 v6, v8  }
0xf8: {  	[tilespmem:$0x2890] =	vst v6;
	v6 =	vsel vm9, $0x2718, v6  }
0xf9: {  	[tilespmem:$0x2810] =	vst v6  }
0xfa: {  	v6 =	vld [tilespmem:s14+$0xFFFFFFB0];
	_ =	sdelay $0x4  }
0xfb: {  	(v2sf) =	vpush v6, $0xD;
	_ =	sdelay $0x1  }
0xfc: {  	(v2sf) =	vpush v6, $0xC;
	_ =	sdelay $0x1  }
0xfd: {  	(v2sf) =	vpush v6, $0xE;
	_ =	sdelay $0x1  }
0xfe: {  	(v2sf) =	vpush v6, $0xF;
	_ =	sdelay $0x1  }
0xff: {  	(v2sf) =	vpush v6, $0x9;
	_ =	sdelay $0x1  }
0x100: {  	(v2sf) =	vpush v6, $0x8;
	_ =	sdelay $0x1  }
0x101: {  	(v2sf) =	vpush v6, $0xA;
	_ =	sdelay $0x1  }
0x102: {  	(v2sf) =	vpush v6, $0xB  }
0x103: {  	s6 =	spop (v2sf)  }
0x104: {  	(v2sf) =	vpush v6, $0x0;
	s8 =	smulhi.u32 $0x68DB8BAD, s6;
	s0 =	sshra.s32 s6, $0x1F  }
0x105: {  	s11 =	spop (v2sf);
	s0 =	smul.u32 $0x68DB8BAD, s0  }
0x106: {  	(v2sf) =	vpush v6, $0x1;
	s12 =	smulhi.u32 $0x68DB8BAD, s11;
	s2 =	sshra.s32 s11, $0x1F  }
0x107: {  	(v2sf) =	vpush v6, $0x2;
	s16 =	spop (v2sf);
	s2 =	smul.u32 $0x68DB8BAD, s2  }
0x108: {  	(v2sf) =	vpush v6, $0x3;
	s17 =	smulhi.u32 $0x68DB8BAD, s16;
	s4 =	sshra.s32 s16, $0x1F  }
0x109: {  	s20 =	spop (v2sf);
	(v2sf) =	vpush v6, $0x4;
	s4 =	smul.u32 $0x68DB8BAD, s4  }
0x10a: {  	s21 =	smulhi.u32 $0x68DB8BAD, s20;
	s6 =	sshra.s32 s20, $0x1F;
	(v2sf) =	vpush v6, $0x5  }
0x10b: {  	s22 =	spop (v2sf);
	s6 =	smul.u32 $0x68DB8BAD, s6;
	(v2sf) =	vpush v6, $0x6  }
0x10c: {  	s10 =	smulhi.u32 $0x68DB8BAD, s22;
	s9 =	sshra.s32 s22, $0x1F;
	(v2sf) =	vpush v6, $0x7  }
0x10d: {  	s25 =	spop (v2sf);
	s23 =	smul.u32 $0x68DB8BAD, s9  }
0x10e: {  	s15 =	sadd.s32 s0, s8;
	s28 =	smulhi.u32 $0x68DB8BAD, s25;
	s1 =	sshra.s32 s25, $0x1F  }
0x10f: {  	s24 =	sshrl.u32 s15, $0x1F;
	s19 =	spop (v2sf);
	s1 =	smul.u32 $0x68DB8BAD, s1  }
0x110: {  	s18 =	sadd.s32 s2, s12;
	s11 =	smulhi.u32 $0x68DB8BAD, s19;
	s2 =	sshra.s32 s19, $0x1F  }
0x111: {  	s3 =	sshrl.u32 s18, $0x1F;
	s20 =	spop (v2sf);
	s2 =	smul.u32 $0x68DB8BAD, s2  }
0x112: {  	s16 =	sadd.s32 s4, s17;
	s12 =	smulhi.u32 $0x68DB8BAD, s20;
	s4 =	sshra.s32 s20, $0x1F  }
0x113: {  	s17 =	sadd.s32 s6, s21;
	s21 =	spop (v2sf);
	s4 =	smul.u32 $0x68DB8BAD, s4  }
0x114: {  	s5 =	sshrl.u32 s16, $0x1F;
	s22 =	smulhi.u32 $0x68DB8BAD, s21;
	s6 =	sshra.s32 s21, $0x1F  }
0x115: {  	s19 =	sadd.s32 s23, s10;
	s23 =	spop (v2sf);
	s0 =	smul.u32 $0x68DB8BAD, s6  }
0x116: {  	s10 =	smulhi.u32 $0x68DB8BAD, s23;
	s6 =	sshra.s32 s23, $0x1F;
	s25 =	spop (v2sf)  }
0x117: {  	s23 =	sadd.s32 s1, s28;
	s1 =	smul.u32 $0x68DB8BAD, s6;
	s6 =	spop (v2sf)  }
0x118: {  	s9 =	smulhi.u32 $0x68DB8BAD, s25;
	s28 =	sshra.s32 s25, $0x1F;
	s25 =	spop (v2sf)  }
0x119: {  	s20 =	sadd.s32 s2, s11;
	s2 =	smul.u32 $0x68DB8BAD, s28;
	s11 =	spop (v2sf)  }
0x11a: {  	s28 =	smulhi.u32 $0x68DB8BAD, s6;
	s6 =	sshra.s32 s6, $0x1F;
	s29 =	spop (v2sf)  }
0x11b: {  	s21 =	sadd.s32 s4, s12;
	s4 =	smul.u32 $0x68DB8BAD, s6;
	s12 =	spop (v2sf)  }
0x11c: {  	s0 =	sadd.s32 s0, s22;
	s22 =	smulhi.u32 $0x68DB8BAD, s12;
	s6 =	sshra.s32 s12, $0x1F  }
0x11d: {  	s8 =	sshrl.u32 s17, $0x1F;
	s30 =	sshrl.u32 s19, $0x1F;
	s6 =	smul.u32 $0x68DB8BAD, s6  }
0x11e: {  	s1 =	sadd.s32 s1, s10;
	s10 =	sshrl.u32 s23, $0x1F;
	s31 =	sshra.s32 s0, $0xC  }
0x11f: {  	s2 =	sadd.s32 s2, s9;
	s9 =	sshrl.u32 s20, $0x1F;
	v24 =	vmov s10;
	s22 =	sadd.s32 s6, s22  }
0x120: {  	v22 =	vmov s3;
	v10 =	vsel vm0, s30, v24;
	s12 =	sshra.s32 s25, $0x1F;
	s6 =	smulhi.u32 $0x68DB8BAD, s25;
	s25 =	sshra.s32 s22, $0x1F  }
0x121: {  	v8 =	vsel vm0, s24, v22;
	s3 =	sshrl.u32 s1, $0x1F;
	s10 =	sshra.s32 s2, $0x1F;
	v10 =	vsel vm1, s9, v10;
	s9 =	sshra.s32 s18, $0xC;
	v7 =	vmov s25  }
0x122: {  	vm9 =	vcmask $0x704;
	v8 =	vsel vm1, s5, v8;
	s24 =	sshra.s32 s29, $0x1F;
	s25 =	sshrl.u32 s0, $0x1F;
	s0 =	sshra.s32 s0, $0x1F;
	v7 =	vsel vm3, s31, v7  }
0x123: {  	v8 =	vsel vm2, s8, v8;
	s4 =	sadd.s32 s4, s28;
	s8 =	smul.u32 $0x68DB8BAD, s24;
	v23 =	vmov s25;
	s25 =	sshra.s32 s1, $0xC;
	v7 =	vsel vm9, s0, v7  }
0x124: {  	s28 =	sshrl.u32 s21, $0x1F;
	s12 =	smul.u32 $0x68DB8BAD, s12;
	s1 =	sshra.s32 s1, $0x1F;
	v7 =	vsel vm0, s25, v7  }
0x125: {  	s0 =	smulhi.u32 $0x68DB8BAD, s11;
	s11 =	sshra.s32 s11, $0x1F;
	v9 =	vnsel vm3, $0x0, v23;
	s25 =	sshra.s32 s2, $0xC;
	v7 =	vsel vm11, s1, v7  }
0x126: {  	s5 =	sshrl.u32 s4, $0x1F;
	s31 =	sshrl.u32 s2, $0x1F;
	s11 =	smul.u32 $0x68DB8BAD, s11;
	v9 =	vsel vm0, s3, v9;
	v7 =	vsel vm1, s25, v7  }
0x127: {  	s24 =	sshra.s32 s4, $0xC;
	s6 =	sadd.s32 s12, s6;
	s3 =	smulhi.u32 $0x68DB8BAD, s29;
	v9 =	vsel vm1, s31, v9;
	v7 =	vsel vm12, s10, v7  }
0x128: {  	v25 =	vmov s9;
	s4 =	sshra.s32 s4, $0x1F;
	s12 =	sshrl.u32 s6, $0x1F;
	v9 =	vsel vm2, s5, v9;
	s0 =	sadd.s32 s11, s0;
	v7 =	vsel vm2, s24, v7  }
0x129: {  	v10 =	vsel vm2, s28, v10;
	s3 =	sadd.s32 s8, s3;
	s8 =	sshra.s32 s6, $0xC;
	v9 =	vsel vm4, s12, v9;
	s25 =	sshrl.u32 s0, $0x1F;
	v7 =	vsel vm13, s4, v7  }
0x12a: {  	v8 =	vcombine.low v10, v8;
	s11 =	sshra.s32 s6, $0x1F;
	s10 =	sshra.s32 s23, $0xC;
	s12 =	sshra.s32 s15, $0xC;
	v9 =	vsel vm5, s25, v9;
	v7 =	vsel vm4, s8, v7  }
0x12b: {  	s5 =	sshrl.u32 s3, $0x1F;
	s15 =	sshra.s32 s19, $0xC;
	s18 =	sshra.s32 s0, $0xC;
	v26 =	vmov s10;
	v10 =	vsel vm0, s12, v25;
	v7 =	vsel vm14, s11, v7  }
0x12c: {  	s20 =	sshra.s32 s20, $0xC;
	s19 =	sshra.s32 s16, $0xC;
	s0 =	sshra.s32 s0, $0x1F;
	v9 =	vsel vm6, s5, v9;
	v11 =	vsel vm0, s15, v26;
	v7 =	vsel vm5, s18, v7  }
0x12d: {  	s23 =	sshra.s32 s17, $0xC;
	s24 =	sshra.s32 s21, $0xC;
	s25 =	sshra.s32 s3, $0xC;
	v10 =	vsel vm1, s19, v10;
	v11 =	vsel vm1, s20, v11;
	v7 =	vsel vm15, s0, v7  }
0x12e: {  	s28 =	sshrl.u32 s22, $0x1F;
	s3 =	sshra.s32 s3, $0x1F;
	v10 =	vsel vm2, s23, v10;
	v11 =	vsel vm2, s24, v11;
	v7 =	vsel vm6, s25, v7  }
0x12f: {  	s5 =	sshra.s32 s22, $0xC;
	v9 =	vsel vm7, s28, v9;
	v10 =	vcombine.low v11, v10;
	v7 =	vsel vm10, s3, v7  }
0x130: {  	v27 =	vld [tilespmem:s14+$0xFFFFFFAF];
	v8 =	vperm.xlane v8, v2;
	v9 =	vperm.xlane v9, v3;
	v7 =	vsel vm7, s5, v7  }
0x131: {  	v10 =	vperm.xlane v10, v2;
	v7 =	vperm.xlane v7, v3;
	_ =	sdelay $0x1  }
0x132: {  	v8 =	vsel vm8, v9, v8;
	v7 =	vsel vm8, v7, v10  }
0x133: {  	v7 =	vadd.s32 v8, v7  }
0x134: {  	vm9 =	veq.s32 v6, v27;
	v8 =	vmul.u32 $0xFFFFD8F0, v7  }
0x135: {  	v28 =	vsel vm9, $0x2718, v7;
	[tilespmem:$0x2920] =	vst v7  }
0x136: {  	[tilespmem:$0x27A0] =	vst v28;
	v6 =	vadd.s32 v6, v8  }
0x137: {  	[tilespmem:$0x28A0] =	vst v6;
	v6 =	vsel vm9, $0x2718, v6  }
0x138: {  	[tilespmem:$0x2820] =	vst v6  }
0x139: {  	v6 =	vld [tilespmem:s14+$0xFFFFFFC0];
	_ =	sdelay $0x4  }
0x13a: {  	(v2sf) =	vpush v6, $0xD;
	_ =	sdelay $0x1  }
0x13b: {  	(v2sf) =	vpush v6, $0xC;
	_ =	sdelay $0x1  }
0x13c: {  	(v2sf) =	vpush v6, $0xE;
	_ =	sdelay $0x1  }
0x13d: {  	(v2sf) =	vpush v6, $0xF;
	_ =	sdelay $0x1  }
0x13e: {  	(v2sf) =	vpush v6, $0x9;
	_ =	sdelay $0x1  }
0x13f: {  	(v2sf) =	vpush v6, $0x8;
	_ =	sdelay $0x1  }
0x140: {  	(v2sf) =	vpush v6, $0xA;
	_ =	sdelay $0x1  }
0x141: {  	(v2sf) =	vpush v6, $0xB  }
0x142: {  	s6 =	spop (v2sf)  }
0x143: {  	(v2sf) =	vpush v6, $0x0;
	s8 =	smulhi.u32 $0x68DB8BAD, s6;
	s0 =	sshra.s32 s6, $0x1F  }
0x144: {  	s11 =	spop (v2sf);
	s0 =	smul.u32 $0x68DB8BAD, s0  }
0x145: {  	(v2sf) =	vpush v6, $0x1;
	s12 =	smulhi.u32 $0x68DB8BAD, s11;
	s2 =	sshra.s32 s11, $0x1F  }
0x146: {  	(v2sf) =	vpush v6, $0x2;
	s16 =	spop (v2sf);
	s2 =	smul.u32 $0x68DB8BAD, s2  }
0x147: {  	(v2sf) =	vpush v6, $0x3;
	s17 =	smulhi.u32 $0x68DB8BAD, s16;
	s4 =	sshra.s32 s16, $0x1F  }
0x148: {  	s20 =	spop (v2sf);
	(v2sf) =	vpush v6, $0x4;
	s4 =	smul.u32 $0x68DB8BAD, s4  }
0x149: {  	s21 =	smulhi.u32 $0x68DB8BAD, s20;
	s6 =	sshra.s32 s20, $0x1F;
	(v2sf) =	vpush v6, $0x5  }
0x14a: {  	s22 =	spop (v2sf);
	s6 =	smul.u32 $0x68DB8BAD, s6;
	(v2sf) =	vpush v6, $0x6  }
0x14b: {  	s10 =	smulhi.u32 $0x68DB8BAD, s22;
	s9 =	sshra.s32 s22, $0x1F;
	(v2sf) =	vpush v6, $0x7  }
0x14c: {  	s25 =	spop (v2sf);
	s23 =	smul.u32 $0x68DB8BAD, s9  }
0x14d: {  	s15 =	sadd.s32 s0, s8;
	s28 =	smulhi.u32 $0x68DB8BAD, s25;
	s1 =	sshra.s32 s25, $0x1F  }
0x14e: {  	s24 =	sshrl.u32 s15, $0x1F;
	s19 =	spop (v2sf);
	s1 =	smul.u32 $0x68DB8BAD, s1  }
0x14f: {  	s18 =	sadd.s32 s2, s12;
	s11 =	smulhi.u32 $0x68DB8BAD, s19;
	s2 =	sshra.s32 s19, $0x1F  }
0x150: {  	s3 =	sshrl.u32 s18, $0x1F;
	s20 =	spop (v2sf);
	s2 =	smul.u32 $0x68DB8BAD, s2  }
0x151: {  	s16 =	sadd.s32 s4, s17;
	s12 =	smulhi.u32 $0x68DB8BAD, s20;
	s4 =	sshra.s32 s20, $0x1F  }
0x152: {  	s17 =	sadd.s32 s6, s21;
	s21 =	spop (v2sf);
	s4 =	smul.u32 $0x68DB8BAD, s4  }
0x153: {  	s5 =	sshrl.u32 s16, $0x1F;
	s22 =	smulhi.u32 $0x68DB8BAD, s21;
	s6 =	sshra.s32 s21, $0x1F  }
0x154: {  	s19 =	sadd.s32 s23, s10;
	s23 =	spop (v2sf);
	s0 =	smul.u32 $0x68DB8BAD, s6  }
0x155: {  	s10 =	smulhi.u32 $0x68DB8BAD, s23;
	s6 =	sshra.s32 s23, $0x1F;
	s25 =	spop (v2sf)  }
0x156: {  	s23 =	sadd.s32 s1, s28;
	s1 =	smul.u32 $0x68DB8BAD, s6;
	s6 =	spop (v2sf)  }
0x157: {  	s9 =	smulhi.u32 $0x68DB8BAD, s25;
	s28 =	sshra.s32 s25, $0x1F;
	s25 =	spop (v2sf)  }
0x158: {  	s20 =	sadd.s32 s2, s11;
	s2 =	smul.u32 $0x68DB8BAD, s28;
	s11 =	spop (v2sf)  }
0x159: {  	s28 =	smulhi.u32 $0x68DB8BAD, s6;
	s6 =	sshra.s32 s6, $0x1F;
	s29 =	spop (v2sf)  }
0x15a: {  	s21 =	sadd.s32 s4, s12;
	s4 =	smul.u32 $0x68DB8BAD, s6;
	s12 =	spop (v2sf)  }
0x15b: {  	s0 =	sadd.s32 s0, s22;
	s22 =	smulhi.u32 $0x68DB8BAD, s12;
	s6 =	sshra.s32 s12, $0x1F  }
0x15c: {  	s8 =	sshrl.u32 s17, $0x1F;
	s30 =	sshrl.u32 s19, $0x1F;
	s6 =	smul.u32 $0x68DB8BAD, s6  }
0x15d: {  	s1 =	sadd.s32 s1, s10;
	s10 =	sshrl.u32 s23, $0x1F;
	s31 =	sshra.s32 s0, $0xC  }
0x15e: {  	s2 =	sadd.s32 s2, s9;
	s9 =	sshrl.u32 s20, $0x1F;
	v31 =	vmov s10;
	s22 =	sadd.s32 s6, s22  }
0x15f: {  	v29 =	vmov s3;
	v10 =	vsel vm0, s30, v31;
	s12 =	sshra.s32 s25, $0x1F;
	s6 =	smulhi.u32 $0x68DB8BAD, s25;
	s25 =	sshra.s32 s22, $0x1F  }
0x160: {  	v8 =	vsel vm0, s24, v29;
	s3 =	sshrl.u32 s1, $0x1F;
	s10 =	sshra.s32 s2, $0x1F;
	v10 =	vsel vm1, s9, v10;
	s9 =	sshra.s32 s18, $0xC;
	v7 =	vmov s25  }
0x161: {  	vm9 =	vcmask $0x704;
	v8 =	vsel vm1, s5, v8;
	s24 =	sshra.s32 s29, $0x1F;
	s25 =	sshrl.u32 s0, $0x1F;
	s0 =	sshra.s32 s0, $0x1F;
	v7 =	vsel vm3, s31, v7  }
0x162: {  	v8 =	vsel vm2, s8, v8;
	s4 =	sadd.s32 s4, s28;
	s8 =	smul.u32 $0x68DB8BAD, s24;
	v30 =	vmov s25;
	s25 =	sshra.s32 s1, $0xC;
	v7 =	vsel vm9, s0, v7  }
0x163: {  	s28 =	sshrl.u32 s21, $0x1F;
	s12 =	smul.u32 $0x68DB8BAD, s12;
	s1 =	sshra.s32 s1, $0x1F;
	v7 =	vsel vm0, s25, v7  }
0x164: {  	s0 =	smulhi.u32 $0x68DB8BAD, s11;
	s11 =	sshra.s32 s11, $0x1F;
	v9 =	vnsel vm3, $0x0, v30;
	s25 =	sshra.s32 s2, $0xC;
	v7 =	vsel vm11, s1, v7  }
0x165: {  	s5 =	sshrl.u32 s4, $0x1F;
	s31 =	sshrl.u32 s2, $0x1F;
	s11 =	smul.u32 $0x68DB8BAD, s11;
	v9 =	vsel vm0, s3, v9;
	v7 =	vsel vm1, s25, v7  }
0x166: {  	s24 =	sshra.s32 s4, $0xC;
	s6 =	sadd.s32 s12, s6;
	s3 =	smulhi.u32 $0x68DB8BAD, s29;
	v9 =	vsel vm1, s31, v9;
	v7 =	vsel vm12, s10, v7  }
0x167: {  	v32 =	vmov s9;
	s4 =	sshra.s32 s4, $0x1F;
	s12 =	sshrl.u32 s6, $0x1F;
	v9 =	vsel vm2, s5, v9;
	s0 =	sadd.s32 s11, s0;
	v7 =	vsel vm2, s24, v7  }
0x168: {  	v10 =	vsel vm2, s28, v10;
	s3 =	sadd.s32 s8, s3;
	s8 =	sshra.s32 s6, $0xC;
	v9 =	vsel vm4, s12, v9;
	s25 =	sshrl.u32 s0, $0x1F;
	v7 =	vsel vm13, s4, v7  }
0x169: {  	v8 =	vcombine.low v10, v8;
	s11 =	sshra.s32 s6, $0x1F;
	s10 =	sshra.s32 s23, $0xC;
	s12 =	sshra.s32 s15, $0xC;
	v9 =	vsel vm5, s25, v9;
	v7 =	vsel vm4, s8, v7  }
0x16a: {  	s5 =	sshrl.u32 s3, $0x1F;
	s15 =	sshra.s32 s19, $0xC;
	s18 =	sshra.s32 s0, $0xC;
	v33 =	vmov s10;
	v10 =	vsel vm0, s12, v32;
	v7 =	vsel vm14, s11, v7  }
0x16b: {  	s20 =	sshra.s32 s20, $0xC;
	s19 =	sshra.s32 s16, $0xC;
	s0 =	sshra.s32 s0, $0x1F;
	v9 =	vsel vm6, s5, v9;
	v11 =	vsel vm0, s15, v33;
	v7 =	vsel vm5, s18, v7  }
0x16c: {  	s23 =	sshra.s32 s17, $0xC;
	s24 =	sshra.s32 s21, $0xC;
	s25 =	sshra.s32 s3, $0xC;
	v10 =	vsel vm1, s19, v10;
	v11 =	vsel vm1, s20, v11;
	v7 =	vsel vm15, s0, v7  }
0x16d: {  	s28 =	sshrl.u32 s22, $0x1F;
	s3 =	sshra.s32 s3, $0x1F;
	v10 =	vsel vm2, s23, v10;
	v11 =	vsel vm2, s24, v11;
	v7 =	vsel vm6, s25, v7  }
0x16e: {  	s5 =	sshra.s32 s22, $0xC;
	v9 =	vsel vm7, s28, v9;
	v10 =	vcombine.low v11, v10;
	v7 =	vsel vm10, s3, v7  }
0x16f: {  	v34 =	vld [tilespmem:s14+$0xFFFFFFBF];
	v8 =	vperm.xlane v8, v2;
	v9 =	vperm.xlane v9, v3;
	v7 =	vsel vm7, s5, v7  }
0x170: {  	v10 =	vperm.xlane v10, v2;
	v7 =	vperm.xlane v7, v3;
	_ =	sdelay $0x1  }
0x171: {  	v8 =	vsel vm8, v9, v8;
	v7 =	vsel vm8, v7, v10  }
0x172: {  	v7 =	vadd.s32 v8, v7  }
0x173: {  	vm9 =	veq.s32 v6, v34;
	v8 =	vmul.u32 $0xFFFFD8F0, v7  }
0x174: {  	v35 =	vsel vm9, $0x2718, v7;
	[tilespmem:$0x2930] =	vst v7  }
0x175: {  	[tilespmem:$0x27B0] =	vst v35;
	v6 =	vadd.s32 v6, v8  }
0x176: {  	[tilespmem:$0x28B0] =	vst v6;
	v6 =	vsel vm9, $0x2718, v6  }
0x177: {  	[tilespmem:$0x2830] =	vst v6  }
0x178: {  	v6 =	vld [tilespmem:s14+$0xFFFFFFD0];
	_ =	sdelay $0x4  }
0x179: {  	(v2sf) =	vpush v6, $0xD;
	_ =	sdelay $0x1  }
0x17a: {  	(v2sf) =	vpush v6, $0xC;
	_ =	sdelay $0x1  }
0x17b: {  	(v2sf) =	vpush v6, $0xE;
	_ =	sdelay $0x1  }
0x17c: {  	(v2sf) =	vpush v6, $0xF;
	_ =	sdelay $0x1  }
0x17d: {  	(v2sf) =	vpush v6, $0x9;
	_ =	sdelay $0x1  }
0x17e: {  	(v2sf) =	vpush v6, $0x8;
	_ =	sdelay $0x1  }
0x17f: {  	(v2sf) =	vpush v6, $0xA;
	_ =	sdelay $0x1  }
0x180: {  	(v2sf) =	vpush v6, $0xB  }
0x181: {  	s6 =	spop (v2sf)  }
0x182: {  	(v2sf) =	vpush v6, $0x0;
	s8 =	smulhi.u32 $0x68DB8BAD, s6;
	s0 =	sshra.s32 s6, $0x1F  }
0x183: {  	s11 =	spop (v2sf);
	s0 =	smul.u32 $0x68DB8BAD, s0  }
0x184: {  	(v2sf) =	vpush v6, $0x1;
	s12 =	smulhi.u32 $0x68DB8BAD, s11;
	s2 =	sshra.s32 s11, $0x1F  }
0x185: {  	(v2sf) =	vpush v6, $0x2;
	s16 =	spop (v2sf);
	s2 =	smul.u32 $0x68DB8BAD, s2  }
0x186: {  	(v2sf) =	vpush v6, $0x3;
	s17 =	smulhi.u32 $0x68DB8BAD, s16;
	s4 =	sshra.s32 s16, $0x1F  }
0x187: {  	s20 =	spop (v2sf);
	(v2sf) =	vpush v6, $0x4;
	s4 =	smul.u32 $0x68DB8BAD, s4  }
0x188: {  	s21 =	smulhi.u32 $0x68DB8BAD, s20;
	s6 =	sshra.s32 s20, $0x1F;
	(v2sf) =	vpush v6, $0x5  }
0x189: {  	s22 =	spop (v2sf);
	s6 =	smul.u32 $0x68DB8BAD, s6;
	(v2sf) =	vpush v6, $0x6  }
0x18a: {  	s10 =	smulhi.u32 $0x68DB8BAD, s22;
	s9 =	sshra.s32 s22, $0x1F;
	(v2sf) =	vpush v6, $0x7  }
0x18b: {  	s25 =	spop (v2sf);
	s23 =	smul.u32 $0x68DB8BAD, s9  }
0x18c: {  	s15 =	sadd.s32 s0, s8;
	s28 =	smulhi.u32 $0x68DB8BAD, s25;
	s1 =	sshra.s32 s25, $0x1F  }
0x18d: {  	s24 =	sshrl.u32 s15, $0x1F;
	s19 =	spop (v2sf);
	s1 =	smul.u32 $0x68DB8BAD, s1  }
0x18e: {  	s18 =	sadd.s32 s2, s12;
	s11 =	smulhi.u32 $0x68DB8BAD, s19;
	s2 =	sshra.s32 s19, $0x1F  }
0x18f: {  	s3 =	sshrl.u32 s18, $0x1F;
	s20 =	spop (v2sf);
	s2 =	smul.u32 $0x68DB8BAD, s2  }
0x190: {  	s16 =	sadd.s32 s4, s17;
	s12 =	smulhi.u32 $0x68DB8BAD, s20;
	s4 =	sshra.s32 s20, $0x1F  }
0x191: {  	s17 =	sadd.s32 s6, s21;
	s21 =	spop (v2sf);
	s4 =	smul.u32 $0x68DB8BAD, s4  }
0x192: {  	s5 =	sshrl.u32 s16, $0x1F;
	s22 =	smulhi.u32 $0x68DB8BAD, s21;
	s6 =	sshra.s32 s21, $0x1F  }
0x193: {  	s19 =	sadd.s32 s23, s10;
	s23 =	spop (v2sf);
	s0 =	smul.u32 $0x68DB8BAD, s6  }
0x194: {  	s10 =	smulhi.u32 $0x68DB8BAD, s23;
	s6 =	sshra.s32 s23, $0x1F;
	s25 =	spop (v2sf)  }
0x195: {  	s23 =	sadd.s32 s1, s28;
	s1 =	smul.u32 $0x68DB8BAD, s6;
	s6 =	spop (v2sf)  }
0x196: {  	s9 =	smulhi.u32 $0x68DB8BAD, s25;
	s28 =	sshra.s32 s25, $0x1F;
	s25 =	spop (v2sf)  }
0x197: {  	s20 =	sadd.s32 s2, s11;
	s2 =	smul.u32 $0x68DB8BAD, s28;
	s11 =	spop (v2sf)  }
0x198: {  	s28 =	smulhi.u32 $0x68DB8BAD, s6;
	s6 =	sshra.s32 s6, $0x1F;
	s29 =	spop (v2sf)  }
0x199: {  	s21 =	sadd.s32 s4, s12;
	s4 =	smul.u32 $0x68DB8BAD, s6;
	s12 =	spop (v2sf)  }
0x19a: {  	s0 =	sadd.s32 s0, s22;
	s22 =	smulhi.u32 $0x68DB8BAD, s12;
	s6 =	sshra.s32 s12, $0x1F  }
0x19b: {  	s8 =	sshrl.u32 s17, $0x1F;
	s30 =	sshrl.u32 s19, $0x1F;
	s6 =	smul.u32 $0x68DB8BAD, s6  }
0x19c: {  	s1 =	sadd.s32 s1, s10;
	s10 =	sshrl.u32 s23, $0x1F;
	s31 =	sshra.s32 s0, $0xC  }
0x19d: {  	s2 =	sadd.s32 s2, s9;
	s9 =	sshrl.u32 s20, $0x1F;
	v38 =	vmov s10;
	s22 =	sadd.s32 s6, s22  }
0x19e: {  	v36 =	vmov s3;
	v10 =	vsel vm0, s30, v38;
	s12 =	sshra.s32 s25, $0x1F;
	s6 =	smulhi.u32 $0x68DB8BAD, s25;
	s25 =	sshra.s32 s22, $0x1F  }
0x19f: {  	v8 =	vsel vm0, s24, v36;
	s3 =	sshrl.u32 s1, $0x1F;
	s10 =	sshra.s32 s2, $0x1F;
	v10 =	vsel vm1, s9, v10;
	s9 =	sshra.s32 s18, $0xC;
	v7 =	vmov s25  }
0x1a0: {  	vm9 =	vcmask $0x704;
	v8 =	vsel vm1, s5, v8;
	s24 =	sshra.s32 s29, $0x1F;
	s25 =	sshrl.u32 s0, $0x1F;
	s0 =	sshra.s32 s0, $0x1F;
	v7 =	vsel vm3, s31, v7  }
0x1a1: {  	v8 =	vsel vm2, s8, v8;
	s4 =	sadd.s32 s4, s28;
	s8 =	smul.u32 $0x68DB8BAD, s24;
	v37 =	vmov s25;
	s25 =	sshra.s32 s1, $0xC;
	v7 =	vsel vm9, s0, v7  }
0x1a2: {  	s28 =	sshrl.u32 s21, $0x1F;
	s12 =	smul.u32 $0x68DB8BAD, s12;
	s1 =	sshra.s32 s1, $0x1F;
	v7 =	vsel vm0, s25, v7  }
0x1a3: {  	s0 =	smulhi.u32 $0x68DB8BAD, s11;
	s11 =	sshra.s32 s11, $0x1F;
	v9 =	vnsel vm3, $0x0, v37;
	s25 =	sshra.s32 s2, $0xC;
	v7 =	vsel vm11, s1, v7  }
0x1a4: {  	s5 =	sshrl.u32 s4, $0x1F;
	s31 =	sshrl.u32 s2, $0x1F;
	s11 =	smul.u32 $0x68DB8BAD, s11;
	v9 =	vsel vm0, s3, v9;
	v7 =	vsel vm1, s25, v7  }
0x1a5: {  	s24 =	sshra.s32 s4, $0xC;
	s6 =	sadd.s32 s12, s6;
	s3 =	smulhi.u32 $0x68DB8BAD, s29;
	v9 =	vsel vm1, s31, v9;
	v7 =	vsel vm12, s10, v7  }
0x1a6: {  	v39 =	vmov s9;
	s4 =	sshra.s32 s4, $0x1F;
	s12 =	sshrl.u32 s6, $0x1F;
	v9 =	vsel vm2, s5, v9;
	s0 =	sadd.s32 s11, s0;
	v7 =	vsel vm2, s24, v7  }
0x1a7: {  	v10 =	vsel vm2, s28, v10;
	s3 =	sadd.s32 s8, s3;
	s8 =	sshra.s32 s6, $0xC;
	v9 =	vsel vm4, s12, v9;
	s25 =	sshrl.u32 s0, $0x1F;
	v7 =	vsel vm13, s4, v7  }
0x1a8: {  	v8 =	vcombine.low v10, v8;
	s11 =	sshra.s32 s6, $0x1F;
	s10 =	sshra.s32 s23, $0xC;
	s12 =	sshra.s32 s15, $0xC;
	v9 =	vsel vm5, s25, v9;
	v7 =	vsel vm4, s8, v7  }
0x1a9: {  	s5 =	sshrl.u32 s3, $0x1F;
	s15 =	sshra.s32 s19, $0xC;
	s18 =	sshra.s32 s0, $0xC;
	v40 =	vmov s10;
	v10 =	vsel vm0, s12, v39;
	v7 =	vsel vm14, s11, v7  }
0x1aa: {  	s20 =	sshra.s32 s20, $0xC;
	s19 =	sshra.s32 s16, $0xC;
	s0 =	sshra.s32 s0, $0x1F;
	v9 =	vsel vm6, s5, v9;
	v11 =	vsel vm0, s15, v40;
	v7 =	vsel vm5, s18, v7  }
0x1ab: {  	s23 =	sshra.s32 s17, $0xC;
	s24 =	sshra.s32 s21, $0xC;
	s25 =	sshra.s32 s3, $0xC;
	v10 =	vsel vm1, s19, v10;
	v11 =	vsel vm1, s20, v11;
	v7 =	vsel vm15, s0, v7  }
0x1ac: {  	s28 =	sshrl.u32 s22, $0x1F;
	s3 =	sshra.s32 s3, $0x1F;
	v10 =	vsel vm2, s23, v10;
	v11 =	vsel vm2, s24, v11;
	v7 =	vsel vm6, s25, v7  }
0x1ad: {  	s5 =	sshra.s32 s22, $0xC;
	v9 =	vsel vm7, s28, v9;
	v10 =	vcombine.low v11, v10;
	v7 =	vsel vm10, s3, v7  }
0x1ae: {  	v41 =	vld [tilespmem:s14+$0xFFFFFFCF];
	v8 =	vperm.xlane v8, v2;
	v9 =	vperm.xlane v9, v3;
	v7 =	vsel vm7, s5, v7  }
0x1af: {  	v10 =	vperm.xlane v10, v2;
	v7 =	vperm.xlane v7, v3;
	_ =	sdelay $0x1  }
0x1b0: {  	v8 =	vsel vm8, v9, v8;
	v7 =	vsel vm8, v7, v10  }
0x1b1: {  	v7 =	vadd.s32 v8, v7  }
0x1b2: {  	vm9 =	veq.s32 v6, v41;
	v8 =	vmul.u32 $0xFFFFD8F0, v7  }
0x1b3: {  	v42 =	vsel vm9, $0x2718, v7;
	[tilespmem:$0x2940] =	vst v7  }
0x1b4: {  	[tilespmem:$0x27C0] =	vst v42;
	v6 =	vadd.s32 v6, v8  }
0x1b5: {  	[tilespmem:$0x28C0] =	vst v6;
	v6 =	vsel vm9, $0x2718, v6  }
0x1b6: {  	[tilespmem:$0x2840] =	vst v6  }
0x1b7: {  	v6 =	vld [tilespmem:s14+$0xFFFFFFE0];
	_ =	sdelay $0x4  }
0x1b8: {  	(v2sf) =	vpush v6, $0xD;
	_ =	sdelay $0x1  }
0x1b9: {  	(v2sf) =	vpush v6, $0xC;
	_ =	sdelay $0x1  }
0x1ba: {  	(v2sf) =	vpush v6, $0xE;
	_ =	sdelay $0x1  }
0x1bb: {  	(v2sf) =	vpush v6, $0xF;
	_ =	sdelay $0x1  }
0x1bc: {  	(v2sf) =	vpush v6, $0x9;
	_ =	sdelay $0x1  }
0x1bd: {  	(v2sf) =	vpush v6, $0x8;
	_ =	sdelay $0x1  }
0x1be: {  	(v2sf) =	vpush v6, $0xA;
	_ =	sdelay $0x1  }
0x1bf: {  	(v2sf) =	vpush v6, $0xB  }
0x1c0: {  	s6 =	spop (v2sf)  }
0x1c1: {  	(v2sf) =	vpush v6, $0x0;
	s8 =	smulhi.u32 $0x68DB8BAD, s6;
	s0 =	sshra.s32 s6, $0x1F  }
0x1c2: {  	s11 =	spop (v2sf);
	s0 =	smul.u32 $0x68DB8BAD, s0  }
0x1c3: {  	(v2sf) =	vpush v6, $0x1;
	s12 =	smulhi.u32 $0x68DB8BAD, s11;
	s2 =	sshra.s32 s11, $0x1F  }
0x1c4: {  	(v2sf) =	vpush v6, $0x2;
	s16 =	spop (v2sf);
	s2 =	smul.u32 $0x68DB8BAD, s2  }
0x1c5: {  	(v2sf) =	vpush v6, $0x3;
	s17 =	smulhi.u32 $0x68DB8BAD, s16;
	s4 =	sshra.s32 s16, $0x1F  }
0x1c6: {  	s20 =	spop (v2sf);
	(v2sf) =	vpush v6, $0x4;
	s4 =	smul.u32 $0x68DB8BAD, s4  }
0x1c7: {  	s21 =	smulhi.u32 $0x68DB8BAD, s20;
	s6 =	sshra.s32 s20, $0x1F;
	(v2sf) =	vpush v6, $0x5  }
0x1c8: {  	s22 =	spop (v2sf);
	s6 =	smul.u32 $0x68DB8BAD, s6;
	(v2sf) =	vpush v6, $0x6  }
0x1c9: {  	s10 =	smulhi.u32 $0x68DB8BAD, s22;
	s9 =	sshra.s32 s22, $0x1F;
	(v2sf) =	vpush v6, $0x7  }
0x1ca: {  	s25 =	spop (v2sf);
	s23 =	smul.u32 $0x68DB8BAD, s9  }
0x1cb: {  	s15 =	sadd.s32 s0, s8;
	s28 =	smulhi.u32 $0x68DB8BAD, s25;
	s1 =	sshra.s32 s25, $0x1F  }
0x1cc: {  	s24 =	sshrl.u32 s15, $0x1F;
	s19 =	spop (v2sf);
	s1 =	smul.u32 $0x68DB8BAD, s1  }
0x1cd: {  	s18 =	sadd.s32 s2, s12;
	s11 =	smulhi.u32 $0x68DB8BAD, s19;
	s2 =	sshra.s32 s19, $0x1F  }
0x1ce: {  	s3 =	sshrl.u32 s18, $0x1F;
	s20 =	spop (v2sf);
	s2 =	smul.u32 $0x68DB8BAD, s2  }
0x1cf: {  	s16 =	sadd.s32 s4, s17;
	s12 =	smulhi.u32 $0x68DB8BAD, s20;
	s4 =	sshra.s32 s20, $0x1F  }
0x1d0: {  	s17 =	sadd.s32 s6, s21;
	s21 =	spop (v2sf);
	s4 =	smul.u32 $0x68DB8BAD, s4  }
0x1d1: {  	s5 =	sshrl.u32 s16, $0x1F;
	s22 =	smulhi.u32 $0x68DB8BAD, s21;
	s6 =	sshra.s32 s21, $0x1F  }
0x1d2: {  	s19 =	sadd.s32 s23, s10;
	s23 =	spop (v2sf);
	s0 =	smul.u32 $0x68DB8BAD, s6  }
0x1d3: {  	s10 =	smulhi.u32 $0x68DB8BAD, s23;
	s6 =	sshra.s32 s23, $0x1F;
	s25 =	spop (v2sf)  }
0x1d4: {  	s23 =	sadd.s32 s1, s28;
	s1 =	smul.u32 $0x68DB8BAD, s6;
	s6 =	spop (v2sf)  }
0x1d5: {  	s9 =	smulhi.u32 $0x68DB8BAD, s25;
	s28 =	sshra.s32 s25, $0x1F;
	s25 =	spop (v2sf)  }
0x1d6: {  	s20 =	sadd.s32 s2, s11;
	s2 =	smul.u32 $0x68DB8BAD, s28;
	s11 =	spop (v2sf)  }
0x1d7: {  	s28 =	smulhi.u32 $0x68DB8BAD, s6;
	s6 =	sshra.s32 s6, $0x1F;
	s29 =	spop (v2sf)  }
0x1d8: {  	s21 =	sadd.s32 s4, s12;
	s4 =	smul.u32 $0x68DB8BAD, s6;
	s12 =	spop (v2sf)  }
0x1d9: {  	s0 =	sadd.s32 s0, s22;
	s22 =	smulhi.u32 $0x68DB8BAD, s12;
	s6 =	sshra.s32 s12, $0x1F  }
0x1da: {  	s8 =	sshrl.u32 s17, $0x1F;
	s30 =	sshrl.u32 s19, $0x1F;
	s6 =	smul.u32 $0x68DB8BAD, s6  }
0x1db: {  	s1 =	sadd.s32 s1, s10;
	s10 =	sshrl.u32 s23, $0x1F;
	s31 =	sshra.s32 s0, $0xC  }
0x1dc: {  	s2 =	sadd.s32 s2, s9;
	s9 =	sshrl.u32 s20, $0x1F;
	v45 =	vmov s10;
	s22 =	sadd.s32 s6, s22  }
0x1dd: {  	v43 =	vmov s3;
	v10 =	vsel vm0, s30, v45;
	s12 =	sshra.s32 s25, $0x1F;
	s6 =	smulhi.u32 $0x68DB8BAD, s25;
	s25 =	sshra.s32 s22, $0x1F  }
0x1de: {  	v8 =	vsel vm0, s24, v43;
	s3 =	sshrl.u32 s1, $0x1F;
	s10 =	sshra.s32 s2, $0x1F;
	v10 =	vsel vm1, s9, v10;
	s9 =	sshra.s32 s18, $0xC;
	v7 =	vmov s25  }
0x1df: {  	vm9 =	vcmask $0x704;
	v8 =	vsel vm1, s5, v8;
	s24 =	sshra.s32 s29, $0x1F;
	s25 =	sshrl.u32 s0, $0x1F;
	s0 =	sshra.s32 s0, $0x1F;
	v7 =	vsel vm3, s31, v7  }
0x1e0: {  	v8 =	vsel vm2, s8, v8;
	s4 =	sadd.s32 s4, s28;
	s8 =	smul.u32 $0x68DB8BAD, s24;
	v44 =	vmov s25;
	s25 =	sshra.s32 s1, $0xC;
	v7 =	vsel vm9, s0, v7  }
0x1e1: {  	s28 =	sshrl.u32 s21, $0x1F;
	s12 =	smul.u32 $0x68DB8BAD, s12;
	s1 =	sshra.s32 s1, $0x1F;
	v7 =	vsel vm0, s25, v7  }
0x1e2: {  	s0 =	smulhi.u32 $0x68DB8BAD, s11;
	s11 =	sshra.s32 s11, $0x1F;
	v9 =	vnsel vm3, $0x0, v44;
	s25 =	sshra.s32 s2, $0xC;
	v7 =	vsel vm11, s1, v7  }
0x1e3: {  	s5 =	sshrl.u32 s4, $0x1F;
	s31 =	sshrl.u32 s2, $0x1F;
	s11 =	smul.u32 $0x68DB8BAD, s11;
	v9 =	vsel vm0, s3, v9;
	v7 =	vsel vm1, s25, v7  }
0x1e4: {  	s24 =	sshra.s32 s4, $0xC;
	s6 =	sadd.s32 s12, s6;
	s3 =	smulhi.u32 $0x68DB8BAD, s29;
	v9 =	vsel vm1, s31, v9;
	v7 =	vsel vm12, s10, v7  }
0x1e5: {  	v46 =	vmov s9;
	s4 =	sshra.s32 s4, $0x1F;
	s12 =	sshrl.u32 s6, $0x1F;
	v9 =	vsel vm2, s5, v9;
	s0 =	sadd.s32 s11, s0;
	v7 =	vsel vm2, s24, v7  }
0x1e6: {  	v10 =	vsel vm2, s28, v10;
	s3 =	sadd.s32 s8, s3;
	s8 =	sshra.s32 s6, $0xC;
	v9 =	vsel vm4, s12, v9;
	s25 =	sshrl.u32 s0, $0x1F;
	v7 =	vsel vm13, s4, v7  }
0x1e7: {  	v8 =	vcombine.low v10, v8;
	s11 =	sshra.s32 s6, $0x1F;
	s10 =	sshra.s32 s23, $0xC;
	s12 =	sshra.s32 s15, $0xC;
	v9 =	vsel vm5, s25, v9;
	v7 =	vsel vm4, s8, v7  }
0x1e8: {  	s5 =	sshrl.u32 s3, $0x1F;
	s15 =	sshra.s32 s19, $0xC;
	s18 =	sshra.s32 s0, $0xC;
	v47 =	vmov s10;
	v10 =	vsel vm0, s12, v46;
	v7 =	vsel vm14, s11, v7  }
0x1e9: {  	s20 =	sshra.s32 s20, $0xC;
	s19 =	sshra.s32 s16, $0xC;
	s0 =	sshra.s32 s0, $0x1F;
	v9 =	vsel vm6, s5, v9;
	v11 =	vsel vm0, s15, v47;
	v7 =	vsel vm5, s18, v7  }
0x1ea: {  	s23 =	sshra.s32 s17, $0xC;
	s24 =	sshra.s32 s21, $0xC;
	s25 =	sshra.s32 s3, $0xC;
	v10 =	vsel vm1, s19, v10;
	v11 =	vsel vm1, s20, v11;
	v7 =	vsel vm15, s0, v7  }
0x1eb: {  	s28 =	sshrl.u32 s22, $0x1F;
	s3 =	sshra.s32 s3, $0x1F;
	v10 =	vsel vm2, s23, v10;
	v11 =	vsel vm2, s24, v11;
	v7 =	vsel vm6, s25, v7  }
0x1ec: {  	s5 =	sshra.s32 s22, $0xC;
	v9 =	vsel vm7, s28, v9;
	v10 =	vcombine.low v11, v10;
	v7 =	vsel vm10, s3, v7  }
0x1ed: {  	v48 =	vld [tilespmem:s14+$0xFFFFFFDF];
	v8 =	vperm.xlane v8, v2;
	v9 =	vperm.xlane v9, v3;
	v7 =	vsel vm7, s5, v7  }
0x1ee: {  	v10 =	vperm.xlane v10, v2;
	v7 =	vperm.xlane v7, v3;
	_ =	sdelay $0x1  }
0x1ef: {  	v8 =	vsel vm8, v9, v8;
	v7 =	vsel vm8, v7, v10  }
0x1f0: {  	v7 =	vadd.s32 v8, v7  }
0x1f1: {  	vm9 =	veq.s32 v6, v48;
	v8 =	vmul.u32 $0xFFFFD8F0, v7  }
0x1f2: {  	v49 =	vsel vm9, $0x2718, v7;
	[tilespmem:$0x2950] =	vst v7  }
0x1f3: {  	[tilespmem:$0x27D0] =	vst v49;
	v6 =	vadd.s32 v6, v8  }
0x1f4: {  	[tilespmem:$0x28D0] =	vst v6;
	v6 =	vsel vm9, $0x2718, v6  }
0x1f5: {  	[tilespmem:$0x2850] =	vst v6  }
0x1f6: {  	v6 =	vld [tilespmem:s14+$0xFFFFFFF0];
	_ =	sdelay $0x4  }
0x1f7: {  	(v2sf) =	vpush v6, $0xD;
	_ =	sdelay $0x1  }
0x1f8: {  	(v2sf) =	vpush v6, $0xC;
	_ =	sdelay $0x1  }
0x1f9: {  	(v2sf) =	vpush v6, $0xE;
	_ =	sdelay $0x1  }
0x1fa: {  	(v2sf) =	vpush v6, $0xF;
	_ =	sdelay $0x1  }
0x1fb: {  	(v2sf) =	vpush v6, $0x9;
	_ =	sdelay $0x1  }
0x1fc: {  	(v2sf) =	vpush v6, $0x8;
	_ =	sdelay $0x1  }
0x1fd: {  	(v2sf) =	vpush v6, $0xA;
	_ =	sdelay $0x1  }
0x1fe: {  	(v2sf) =	vpush v6, $0xB  }
0x1ff: {  	s6 =	spop (v2sf)  }
0x200: {  	(v2sf) =	vpush v6, $0x0;
	s8 =	smulhi.u32 $0x68DB8BAD, s6;
	s0 =	sshra.s32 s6, $0x1F  }
0x201: {  	s11 =	spop (v2sf);
	s0 =	smul.u32 $0x68DB8BAD, s0  }
0x202: {  	(v2sf) =	vpush v6, $0x1;
	s12 =	smulhi.u32 $0x68DB8BAD, s11;
	s2 =	sshra.s32 s11, $0x1F  }
0x203: {  	(v2sf) =	vpush v6, $0x2;
	s16 =	spop (v2sf);
	s2 =	smul.u32 $0x68DB8BAD, s2  }
0x204: {  	(v2sf) =	vpush v6, $0x3;
	s17 =	smulhi.u32 $0x68DB8BAD, s16;
	s4 =	sshra.s32 s16, $0x1F  }
0x205: {  	s20 =	spop (v2sf);
	(v2sf) =	vpush v6, $0x4;
	s4 =	smul.u32 $0x68DB8BAD, s4  }
0x206: {  	s21 =	smulhi.u32 $0x68DB8BAD, s20;
	s6 =	sshra.s32 s20, $0x1F;
	(v2sf) =	vpush v6, $0x5  }
0x207: {  	s22 =	spop (v2sf);
	s6 =	smul.u32 $0x68DB8BAD, s6;
	(v2sf) =	vpush v6, $0x6  }
0x208: {  	s10 =	smulhi.u32 $0x68DB8BAD, s22;
	s9 =	sshra.s32 s22, $0x1F;
	(v2sf) =	vpush v6, $0x7  }
0x209: {  	s25 =	spop (v2sf);
	s23 =	smul.u32 $0x68DB8BAD, s9  }
0x20a: {  	s15 =	sadd.s32 s0, s8;
	s28 =	smulhi.u32 $0x68DB8BAD, s25;
	s1 =	sshra.s32 s25, $0x1F  }
0x20b: {  	s24 =	sshrl.u32 s15, $0x1F;
	s19 =	spop (v2sf);
	s1 =	smul.u32 $0x68DB8BAD, s1  }
0x20c: {  	s18 =	sadd.s32 s2, s12;
	s11 =	smulhi.u32 $0x68DB8BAD, s19;
	s2 =	sshra.s32 s19, $0x1F  }
0x20d: {  	s3 =	sshrl.u32 s18, $0x1F;
	s20 =	spop (v2sf);
	s2 =	smul.u32 $0x68DB8BAD, s2  }
0x20e: {  	s16 =	sadd.s32 s4, s17;
	s12 =	smulhi.u32 $0x68DB8BAD, s20;
	s4 =	sshra.s32 s20, $0x1F  }
0x20f: {  	s17 =	sadd.s32 s6, s21;
	s21 =	spop (v2sf);
	s4 =	smul.u32 $0x68DB8BAD, s4  }
0x210: {  	s18 =	sshra.s32 s18, $0xC;
	s22 =	smulhi.u32 $0x68DB8BAD, s21;
	s6 =	sshra.s32 s21, $0x1F  }
0x211: {  	s19 =	sadd.s32 s23, s10;
	s23 =	spop (v2sf);
	s0 =	smul.u32 $0x68DB8BAD, s6  }
0x212: {  	s10 =	smulhi.u32 $0x68DB8BAD, s23;
	s6 =	sshra.s32 s23, $0x1F;
	s25 =	spop (v2sf)  }
0x213: {  	s23 =	sadd.s32 s1, s28;
	s1 =	smul.u32 $0x68DB8BAD, s6;
	s6 =	spop (v2sf)  }
0x214: {  	s9 =	smulhi.u32 $0x68DB8BAD, s25;
	s28 =	sshra.s32 s25, $0x1F;
	s25 =	spop (v2sf)  }
0x215: {  	s20 =	sadd.s32 s2, s11;
	s2 =	smul.u32 $0x68DB8BAD, s28;
	s11 =	spop (v2sf)  }
0x216: {  	s28 =	smulhi.u32 $0x68DB8BAD, s6;
	s6 =	sshra.s32 s6, $0x1F;
	s29 =	spop (v2sf)  }
0x217: {  	s21 =	sadd.s32 s4, s12;
	s4 =	smul.u32 $0x68DB8BAD, s6;
	s12 =	spop (v2sf)  }
0x218: {  	s0 =	sadd.s32 s0, s22;
	s22 =	smulhi.u32 $0x68DB8BAD, s12;
	s6 =	sshra.s32 s12, $0x1F  }
0x219: {  	s5 =	sshrl.u32 s16, $0x1F;
	s8 =	sshrl.u32 s17, $0x1F;
	s6 =	smul.u32 $0x68DB8BAD, s6  }
0x21a: {  	s30 =	sshrl.u32 s19, $0x1F;
	s1 =	sadd.s32 s1, s10;
	s10 =	sshrl.u32 s23, $0x1F  }
0x21b: {  	s31 =	sshra.s32 s0, $0xC;
	s23 =	sshra.s32 s23, $0xC;
	s22 =	sadd.s32 s6, s22  }
0x21c: {  	s12 =	sshra.s32 s25, $0x1F;
	s6 =	smulhi.u32 $0x68DB8BAD, s25;
	s25 =	sshra.s32 s22, $0x1F  }
0x21d: {  	v50 =	vmov s3;
	s2 =	sadd.s32 s2, s9;
	s9 =	sshrl.u32 s20, $0x1F;
	s3 =	sshrl.u32 s1, $0x1F;
	v7 =	vmov s25  }
0x21e: {  	vm9 =	vcmask $0x704;
	v8 =	vsel vm0, s24, v50;
	s4 =	sadd.s32 s4, s28;
	s25 =	sshrl.u32 s0, $0x1F;
	s0 =	sshra.s32 s0, $0x1F;
	v7 =	vsel vm3, s31, v7  }
0x21f: {  	v8 =	vsel vm1, s5, v8;
	s28 =	sshrl.u32 s21, $0x1F;
	s24 =	sshra.s32 s29, $0x1F;
	v51 =	vmov s25;
	s25 =	sshra.s32 s1, $0xC;
	v7 =	vsel vm9, s0, v7  }
0x220: {  	v8 =	vsel vm2, s8, v8;
	s5 =	sshrl.u32 s4, $0x1F;
	s8 =	smul.u32 $0x68DB8BAD, s24;
	s1 =	sshra.s32 s1, $0x1F;
	v9 =	vnsel vm3, $0x0, v51;
	v7 =	vsel vm0, s25, v7  }
0x221: {  	v52 =	vmov s10;
	s12 =	smul.u32 $0x68DB8BAD, s12;
	s31 =	sshrl.u32 s2, $0x1F;
	v9 =	vsel vm0, s3, v9;
	s25 =	sshra.s32 s2, $0xC;
	v7 =	vsel vm11, s1, v7  }
0x222: {  	v10 =	vsel vm0, s30, v52;
	s24 =	sshra.s32 s2, $0x1F;
	s0 =	smulhi.u32 $0x68DB8BAD, s11;
	s11 =	sshra.s32 s11, $0x1F;
	v9 =	vsel vm1, s31, v9;
	v7 =	vsel vm1, s25, v7  }
0x223: {  	v10 =	vsel vm1, s9, v10;
	s10 =	sshra.s32 s4, $0x1F;
	s11 =	smul.u32 $0x68DB8BAD, s11;
	v9 =	vsel vm2, s5, v9;
	s5 =	sshra.s32 s4, $0xC;
	v7 =	vsel vm12, s24, v7  }
0x224: {  	v10 =	vsel vm2, s28, v10;
	s28 =	sshra.s32 s19, $0xC;
	s6 =	sadd.s32 s12, s6;
	s3 =	smulhi.u32 $0x68DB8BAD, s29;
	v7 =	vsel vm2, s5, v7  }
0x225: {  	v53 =	vmov s18;
	v54 =	vmov s23;
	s12 =	sshra.s32 s6, $0xC;
	s25 =	sshrl.u32 s6, $0x1F;
	s0 =	sadd.s32 s11, s0;
	v7 =	vsel vm13, s10, v7  }
0x226: {  	v8 =	vcombine.low v10, v8;
	s3 =	sadd.s32 s8, s3;
	v9 =	vsel vm4, s25, v9;
	s9 =	sshrl.u32 s0, $0x1F;
	s24 =	sshra.s32 s6, $0x1F;
	v7 =	vsel vm4, s12, v7  }
0x227: {  	v11 =	vsel vm0, s28, v54;
	s11 =	sshrl.u32 s3, $0x1F;
	s25 =	sshra.s32 s15, $0xC;
	s6 =	sshra.s32 s0, $0xC;
	v9 =	vsel vm5, s9, v9;
	v7 =	vsel vm14, s24, v7  }
0x228: {  	s8 =	sshra.s32 s16, $0xC;
	s0 =	sshra.s32 s0, $0x1F;
	v10 =	vsel vm0, s25, v53;
	s9 =	sshra.s32 s20, $0xC;
	v9 =	vsel vm6, s11, v9;
	v7 =	vsel vm5, s6, v7  }
0x229: {  	v10 =	vsel vm1, s8, v10;
	s10 =	sshra.s32 s17, $0xC;
	v11 =	vsel vm1, s9, v11;
	s11 =	sshra.s32 s21, $0xC;
	s12 =	sshra.s32 s3, $0xC;
	v7 =	vsel vm15, s0, v7  }
0x22a: {  	s15 =	sshrl.u32 s22, $0x1F;
	s16 =	sshra.s32 s3, $0x1F;
	v10 =	vsel vm2, s10, v10;
	v11 =	vsel vm2, s11, v11;
	v7 =	vsel vm6, s12, v7  }
0x22b: {  	s17 =	sshra.s32 s22, $0xC;
	v9 =	vsel vm7, s15, v9;
	v10 =	vcombine.low v11, v10;
	v7 =	vsel vm10, s16, v7  }
0x22c: {  	v55 =	vld [tilespmem:s14+$0xFFFFFFEF];
	v8 =	vperm.xlane v8, v2;
	v9 =	vperm.xlane v9, v3;
	v7 =	vsel vm7, s17, v7  }
0x22d: {  	v10 =	vperm.xlane v10, v2;
	v7 =	vperm.xlane v7, v3;
	_ =	sdelay $0x1  }
0x22e: {  	v8 =	vsel vm8, v9, v8;
	v7 =	vsel vm8, v7, v10  }
0x22f: {  	v7 =	vadd.s32 v8, v7  }
0x230: {  	vm9 =	veq.s32 v6, v55;
	v8 =	vmul.u32 $0xFFFFD8F0, v7  }
0x231: {  	v56 =	vsel vm9, $0x2718, v7;
	[tilespmem:$0x2960] =	vst v7  }
0x232: {  	[tilespmem:$0x27E0] =	vst v56;
	v6 =	vadd.s32 v6, v8  }
0x233: {  	[tilespmem:$0x28E0] =	vst v6;
	v6 =	vsel vm9, $0x2718, v6  }
0x234: {  	[tilespmem:$0x2860] =	vst v6  }
0x235: {  	v6 =	vld [tilespmem:s14+$0x0];
	_ =	sdelay $0x4  }
0x236: {  	(v2sf) =	vpush v6, $0xD;
	_ =	sdelay $0x1  }
0x237: {  	(v2sf) =	vpush v6, $0xC;
	_ =	sdelay $0x1  }
0x238: {  	(v2sf) =	vpush v6, $0xE;
	_ =	sdelay $0x1  }
0x239: {  	(v2sf) =	vpush v6, $0xF;
	_ =	sdelay $0x1  }
0x23a: {  	(v2sf) =	vpush v6, $0x9;
	_ =	sdelay $0x1  }
0x23b: {  	(v2sf) =	vpush v6, $0x8;
	_ =	sdelay $0x1  }
0x23c: {  	(v2sf) =	vpush v6, $0xA;
	_ =	sdelay $0x1  }
0x23d: {  	(v2sf) =	vpush v6, $0xB  }
0x23e: {  	s18 =	spop (v2sf)  }
0x23f: {  	(v2sf) =	vpush v6, $0x0;
	s1 =	smulhi.u32 $0x68DB8BAD, s18;
	s0 =	sshra.s32 s18, $0x1F  }
0x240: {  	s19 =	spop (v2sf);
	s0 =	smul.u32 $0x68DB8BAD, s0  }
0x241: {  	(v2sf) =	vpush v6, $0x1;
	s3 =	smulhi.u32 $0x68DB8BAD, s19;
	s2 =	sshra.s32 s19, $0x1F  }
0x242: {  	s20 =	spop (v2sf);
	s2 =	smul.u32 $0x68DB8BAD, s2  }
0x243: {  	s5 =	smulhi.u32 $0x68DB8BAD, s20;
	s4 =	sshra.s32 s20, $0x1F  }
0x244: {  	(v2sf) =	vpush v6, $0x2;
	s21 =	spop (v2sf);
	s4 =	smul.u32 $0x68DB8BAD, s4  }
0x245: {  	s8 =	smulhi.u32 $0x68DB8BAD, s21;
	s6 =	sshra.s32 s21, $0x1F  }
0x246: {  	(v2sf) =	vpush v6, $0x3;
	s22 =	spop (v2sf);
	s6 =	smul.u32 $0x68DB8BAD, s6  }
0x247: {  	(v2sf) =	vpush v6, $0x4;
	s10 =	smulhi.u32 $0x68DB8BAD, s22;
	s9 =	sshra.s32 s22, $0x1F  }
0x248: {  	(v2sf) =	vpush v6, $0x5;
	s23 =	spop (v2sf);
	s9 =	smul.u32 $0x68DB8BAD, s9  }
0x249: {  	(v2sf) =	vpush v6, $0x6;
	s12 =	smulhi.u32 $0x68DB8BAD, s23;
	s11 =	sshra.s32 s23, $0x1F  }
0x24a: {  	(v2sf) =	vpush v6, $0x7;
	s24 =	spop (v2sf);
	s11 =	smul.u32 $0x68DB8BAD, s11  }
0x24b: {  	s18 =	smulhi.u32 $0x68DB8BAD, s24;
	s15 =	sshra.s32 s24, $0x1F  }
0x24c: {  	s25 =	spop (v2sf);
	s19 =	smul.u32 $0x68DB8BAD, s15  }
0x24d: {  	s21 =	smulhi.u32 $0x68DB8BAD, s25;
	s16 =	sshra.s32 s25, $0x1F  }
0x24e: {  	s28 =	spop (v2sf);
	s24 =	smul.u32 $0x68DB8BAD, s16  }
0x24f: {  	s25 =	smulhi.u32 $0x68DB8BAD, s28;
	s22 =	sshra.s32 s28, $0x1F  }
0x250: {  	s15 =	spop (v2sf);
	s29 =	smul.u32 $0x68DB8BAD, s22  }
0x251: {  	s16 =	sadd.s32 s0, s1;
	s0 =	smulhi.u32 $0x68DB8BAD, s15;
	s17 =	sshra.s32 s15, $0x1F  }
0x252: {  	s22 =	sadd.s32 s2, s3;
	s15 =	sadd.s32 s6, s8;
	s8 =	sshrl.u32 s16, $0x1F  }
0x253: {  	s19 =	sadd.s32 s19, s18;
	s1 =	smul.u32 $0x68DB8BAD, s17;
	s20 =	spop (v2sf)  }
0x254: {  	s17 =	sadd.s32 s4, s5;
	s2 =	smulhi.u32 $0x68DB8BAD, s20;
	s5 =	sshra.s32 s20, $0x1F  }
0x255: {  	s23 =	spop (v2sf);
	s20 =	sadd.s32 s9, s10;
	s3 =	smul.u32 $0x68DB8BAD, s5  }
0x256: {  	s28 =	spop (v2sf);
	s5 =	smulhi.u32 $0x68DB8BAD, s23;
	s10 =	sshra.s32 s23, $0x1F  }
0x257: {  	s23 =	sadd.s32 s11, s12;
	s30 =	spop (v2sf);
	s6 =	smul.u32 $0x68DB8BAD, s10  }
0x258: {  	s9 =	smulhi.u32 $0x68DB8BAD, s28;
	s12 =	sshra.s32 s28, $0x1F;
	s4 =	spop (v2sf)  }
0x259: {  	s18 =	sadd.s32 s24, s21;
	s10 =	smul.u32 $0x68DB8BAD, s12;
	s24 =	spop (v2sf)  }
0x25a: {  	s12 =	sadd.s32 s29, s25;
	s25 =	smulhi.u32 $0x68DB8BAD, s24;
	s11 =	sshra.s32 s24, $0x1F  }
0x25b: {  	s0 =	sadd.s32 s1, s0;
	s2 =	sadd.s32 s3, s2;
	s28 =	smul.u32 $0x68DB8BAD, s11  }
0x25c: {  	s3 =	sshrl.u32 s15, $0x1F;
	s1 =	smulhi.u32 $0x68DB8BAD, s30;
	s5 =	sadd.s32 s6, s5  }
0x25d: {  	s24 =	sshrl.u32 s22, $0x1F;
	s6 =	sadd.s32 s10, s9;
	s21 =	sadd.s32 s28, s25  }
0x25e: {  	s10 =	sshra.s32 s30, $0x1F;
	s11 =	sshrl.u32 s17, $0x1F;
	s28 =	sshra.s32 s21, $0x1F  }
0x25f: {  	s9 =	smul.u32 $0x68DB8BAD, s10;
	v57 =	vmov s24;
	s24 =	sshrl.u32 s23, $0x1F;
	v7 =	vmov s28;
	s28 =	sshra.s32 s12, $0xC  }
0x260: {  	vm9 =	vcmask $0x704;
	s10 =	smulhi.u32 $0x68DB8BAD, s4;
	v7 =	vsel vm3, s28, v7;
	s28 =	sshrl.u32 s12, $0x1F;
	s12 =	sshra.s32 s12, $0x1F  }
0x261: {  	s4 =	sshra.s32 s4, $0x1F;
	v8 =	vsel vm0, s8, v57;
	s8 =	sshrl.u32 s0, $0x1F;
	v58 =	vmov s28;
	v7 =	vsel vm9, s12, v7;
	s28 =	sshra.s32 s0, $0xC  }
0x262: {  	s4 =	smul.u32 $0x68DB8BAD, s4;
	v59 =	vmov s24;
	s25 =	sshrl.u32 s20, $0x1F;
	v8 =	vsel vm1, s11, v8;
	s0 =	sshra.s32 s0, $0x1F;
	v7 =	vsel vm0, s28, v7  }
0x263: {  	s24 =	sshrl.u32 s19, $0x1F;
	s1 =	sadd.s32 s9, s1;
	v8 =	vsel vm2, s3, v8;
	v10 =	vsel vm0, s25, v59;
	s12 =	sshra.s32 s2, $0xC;
	v7 =	vsel vm11, s0, v7  }
0x264: {  	s11 =	sshrl.u32 s2, $0x1F;
	s25 =	sshra.s32 s22, $0xC;
	v10 =	vsel vm1, s24, v10;
	s2 =	sshra.s32 s2, $0x1F;
	v9 =	vnsel vm3, $0x0, v58;
	v7 =	vsel vm1, s12, v7  }
0x265: {  	s9 =	sshra.s32 s5, $0xC;
	v60 =	vmov s25;
	v9 =	vsel vm0, s8, v9;
	s0 =	sadd.s32 s4, s10;
	s10 =	sshrl.u32 s18, $0x1F;
	v7 =	vsel vm12, s2, v7  }
0x266: {  	s28 =	sshrl.u32 s5, $0x1F;
	s4 =	sshra.s32 s16, $0xC;
	v9 =	vsel vm1, s11, v9;
	s12 =	sshra.s32 s5, $0x1F;
	v10 =	vsel vm2, s10, v10;
	v7 =	vsel vm2, s9, v7  }
0x267: {  	s8 =	sshrl.u32 s6, $0x1F;
	s5 =	sshra.s32 s23, $0xC;
	v11 =	vsel vm0, s4, v60;
	v9 =	vsel vm2, s28, v9;
	s28 =	sshra.s32 s6, $0xC;
	v7 =	vsel vm13, s12, v7  }
0x268: {  	s11 =	sshrl.u32 s1, $0x1F;
	s6 =	sshra.s32 s6, $0x1F;
	v12 =	vmov s5;
	v9 =	vsel vm4, s8, v9;
	v7 =	vsel vm4, s28, v7  }
0x269: {  	s10 =	sshra.s32 s1, $0xC;
	v8 =	vcombine.low v10, v8;
	s8 =	sshra.s32 s17, $0xC;
	s9 =	sshra.s32 s20, $0xC;
	v9 =	vsel vm5, s11, v9;
	v7 =	vsel vm14, s6, v7  }
0x26a: {  	s24 =	sshrl.u32 s0, $0x1F;
	s1 =	sshra.s32 s1, $0x1F;
	v11 =	vsel vm1, s8, v11;
	v12 =	vsel vm0, s9, v12;
	s12 =	sshra.s32 s19, $0xC;
	v7 =	vsel vm5, s10, v7  }
0x26b: {  	s16 =	sshra.s32 s0, $0xC;
	s11 =	sshra.s32 s15, $0xC;
	s15 =	sshra.s32 s18, $0xC;
	v9 =	vsel vm6, s24, v9;
	v12 =	vsel vm1, s12, v12;
	v7 =	vsel vm15, s1, v7  }
0x26c: {  	s0 =	sshra.s32 s0, $0x1F;
	s17 =	sshrl.u32 s21, $0x1F;
	v11 =	vsel vm2, s11, v11;
	v12 =	vsel vm2, s15, v12;
	v7 =	vsel vm6, s16, v7  }
0x26d: {  	s18 =	sshra.s32 s21, $0xC;
	v9 =	vsel vm7, s17, v9;
	v61 =	vcombine.low v12, v11;
	v7 =	vsel vm10, s0, v7  }
0x26e: {  	v62 =	vld [tilespmem:s14+$0xFFFFFFFF];
	v8 =	vperm.xlane v8, v2;
	v9 =	vperm.xlane v9, v3;
	v7 =	vsel vm7, s18, v7  }
0x26f: {  	v10 =	vperm.xlane v61, v2;
	v7 =	vperm.xlane v7, v3;
	_ =	sdelay $0x1  }
0x270: {  	v8 =	vsel vm8, v9, v8;
	v7 =	vsel vm8, v7, v10  }
0x271: {  	v7 =	vadd.s32 v8, v7  }
0x272: {  	vm9 =	veq.s32 v6, v62;
	v8 =	vmul.u32 $0xFFFFD8F0, v7  }
0x273: {  	v63 =	vsel vm9, $0x2718, v7;
	[tilespmem:$0x2970] =	vst v7  }
0x274: {  	[tilespmem:$0x27F0] =	vst v63;
	v6 =	vadd.s32 v6, v8  }
0x275: {  	s31 =	smov.u32 s7;
	s29 =	rddreg [dreg:$0x1];
	v8 =	vsel vm9, $0x2718, v6;
	[tilespmem:$0x28F0] =	vst v6  }
0x276: {  	s20 =	simm.s32 $0x2780;
	s19 =	simm.s32 $0x80;
	s21 =	simm.s32 $0xA980;
	[tilespmem:$0x2870] =	vst v8  }
0x277: {  	[spmem:s31] =	stream.indirect.scatter.add.f32 [tilespmem:s21], [sflag:$0x2], $0x1, s20, s19, $0xb8;
	[tilespmem:$0x1EF00] =	vst v63  }
0x278: {  	s30 =	rddreg [dreg:$0x3];
	_ =	swait.ge [sflag:s26], $0x80  }
0x279: {  	[sflag:s26] =	ssyncset.done $0x0  }
0x27a: {  	s22 =	simm.s32 $0x2800;
	[sflag:s26] =	ssyncadd.s32 $0xFFFFFF80  }
0x27b: {  	[spmem:s31] =	stream.indirect.scatter.add.f32 [tilespmem:s21], [sflag:$0x2], $0x1, s22, s19, $0xb8;
	[tilespmem:$0x1EF00] =	vst v63  }
0x27c: {  	_ =	swait.ge [sflag:s26], $0x80  }
0x27d: {  	s7 =	simm.s32 $0x2980;
	[sflag:s26] =	ssyncset.done $0x0  }
0x27e: {  	s23 =	simm.s32 $0x2880;
	s24 =	simm.s32 $0x1;
	[sflag:s26] =	ssyncadd.s32 $0xFFFFFF80  }
0x27f: {  	[tilespmem:s7], [sflag:$0x1] =	stream.indirect.gather [hbm4b:s29+s19], $0x80, s23, s19, $0xb8;
	[tilespmem:$0x1EF00] =	vst v63  }
0x280: {  	_ =	swait.ge [sflag:s24], $0x4000  }
0x281: {  	[sflag:s24] =	ssyncset.done $0x0  }
0x282: {  	[sflag:s24] =	ssyncadd.s32 $0xFFFFC000  }
0x283: {  	[spmem:s30] =	stream.indirect.scatter.add.f32 [tilespmem:s7], [sflag:$0x2], $0x80, s20, s19, $0xb8;
	[tilespmem:$0x1EF00] =	vst v63  }
0x284: {  	_ =	swait.ge [sflag:s26], $0x4000  }
0x285: {  	[sflag:s26] =	ssyncset.done $0x0  }
0x286: {  	s25 =	simm.s32 $0x6980;
	s28 =	simm.s32 $0x2900;
	[sflag:s26] =	ssyncadd.s32 $0xFFFFC000  }
0x287: {  	[tilespmem:s25], [sflag:$0x1] =	stream.indirect.gather [hbm4b:s29+s19], $0x80, s28, s19, $0xb8;
	[tilespmem:$0x1EF00] =	vst v63  }
0x288: {  	_ =	swait.ge [sflag:s24], $0x4000  }
0x289: {  	p0 =	sne.s32 s13, $0x9BE0;
	[sflag:s24] =	ssyncset.done $0x0  }
.Ltmp1:
0x28a: {  	[sflag:s24] =	ssyncadd.s32 $0xFFFFC000;
	(pc) =	sbr.rel @p0 .LBB2_4-.Ltmp1, $4  }
0x28b: {  	[spmem:s30] =	stream.indirect.scatter.add.f32 [tilespmem:s25], [sflag:$0x2], $0x80, s22, s19, $0xb8;
	[tilespmem:$0x1EF00] =	vst v63  }
0x28c: {  	_ =	swait.ge [sflag:s26], $0x4000  }
0x28d: {  	[sflag:s26] =	ssyncset.done $0x0  }
0x28e: {  	s13 =	sadd.s32 $0x200, s13;
	vm9 =	vcmask $0x704;
	[sflag:s26] =	ssyncadd.s32 $0xFFFFC000  }
0x28f: {  	v6 =	vld [tilespmem:$0x2708];
	_ =	sdelay $0x4  }
0x290: {  	(v2sf) =	vpush v6, $0xD;
	_ =	sdelay $0x1  }
0x291: {  	(v2sf) =	vpush v6, $0xC;
	_ =	sdelay $0x1  }
0x292: {  	(v2sf) =	vpush v6, $0xE;
	_ =	sdelay $0x1  }
0x293: {  	(v2sf) =	vpush v6, $0xF;
	_ =	sdelay $0x1  }
0x294: {  	(v2sf) =	vpush v6, $0x9;
	_ =	sdelay $0x1  }
0x295: {  	(v2sf) =	vpush v6, $0x8;
	_ =	sdelay $0x1  }
0x296: {  	(v2sf) =	vpush v6, $0xA;
	_ =	sdelay $0x1  }
0x297: {  	(v2sf) =	vpush v6, $0xB  }
0x298: {  	s0 =	spop (v2sf)  }
0x299: {  	(v2sf) =	vpush v6, $0x0;
	s1 =	smulhi.u32 $0x68DB8BAD, s0;
	s0 =	sshra.s32 s0, $0x1F  }
0x29a: {  	s2 =	spop (v2sf);
	s0 =	smul.u32 $0x68DB8BAD, s0  }
0x29b: {  	(v2sf) =	vpush v6, $0x1;
	s3 =	smulhi.u32 $0x68DB8BAD, s2;
	s2 =	sshra.s32 s2, $0x1F  }
0x29c: {  	s4 =	spop (v2sf);
	s2 =	smul.u32 $0x68DB8BAD, s2  }
0x29d: {  	(v2sf) =	vpush v6, $0x2;
	s5 =	smulhi.u32 $0x68DB8BAD, s4;
	s4 =	sshra.s32 s4, $0x1F  }
0x29e: {  	s6 =	spop (v2sf);
	s4 =	smul.u32 $0x68DB8BAD, s4  }
0x29f: {  	(v2sf) =	vpush v6, $0x3;
	s8 =	smulhi.u32 $0x68DB8BAD, s6;
	s6 =	sshra.s32 s6, $0x1F  }
0x2a0: {  	(v2sf) =	vpush v6, $0x4;
	s9 =	spop (v2sf);
	s6 =	smul.u32 $0x68DB8BAD, s6  }
0x2a1: {  	(v2sf) =	vpush v6, $0x5;
	s10 =	smulhi.u32 $0x68DB8BAD, s9;
	s9 =	sshra.s32 s9, $0x1F  }
0x2a2: {  	(v2sf) =	vpush v6, $0x6;
	s11 =	spop (v2sf);
	s9 =	smul.u32 $0x68DB8BAD, s9  }
0x2a3: {  	s12 =	smulhi.u32 $0x68DB8BAD, s11;
	s11 =	sshra.s32 s11, $0x1F;
	(v2sf) =	vpush v6, $0x7  }
0x2a4: {  	s13 =	spop (v2sf);
	s11 =	smul.u32 $0x68DB8BAD, s11  }
0x2a5: {  	s16 =	smulhi.u32 $0x68DB8BAD, s13;
	s13 =	sshra.s32 s13, $0x1F  }
0x2a6: {  	s14 =	spop (v2sf);
	s17 =	smul.u32 $0x68DB8BAD, s13  }
0x2a7: {  	s19 =	smulhi.u32 $0x68DB8BAD, s14;
	s14 =	sshra.s32 s14, $0x1F  }
0x2a8: {  	s15 =	spop (v2sf);
	s13 =	sadd.s32 s6, s8;
	s22 =	smul.u32 $0x68DB8BAD, s14  }
0x2a9: {  	s23 =	smulhi.u32 $0x68DB8BAD, s15;
	s28 =	sshra.s32 s15, $0x1F;
	s14 =	sadd.s32 s0, s1  }
0x2aa: {  	s25 =	smul.u32 $0x68DB8BAD, s28;
	s8 =	sshrl.u32 s14, $0x1F;
	s20 =	spop (v2sf)  }
0x2ab: {  	s17 =	sadd.s32 s17, s16;
	s0 =	smulhi.u32 $0x68DB8BAD, s20;
	s15 =	sshra.s32 s20, $0x1F  }
0x2ac: {  	s18 =	spop (v2sf);
	s20 =	sadd.s32 s2, s3;
	s1 =	smul.u32 $0x68DB8BAD, s15  }
0x2ad: {  	s15 =	sadd.s32 s4, s5;
	s2 =	smulhi.u32 $0x68DB8BAD, s18;
	s5 =	sshra.s32 s18, $0x1F  }
0x2ae: {  	s21 =	spop (v2sf);
	s18 =	sadd.s32 s9, s10;
	s3 =	smul.u32 $0x68DB8BAD, s5  }
0x2af: {  	s24 =	spop (v2sf);
	s5 =	smulhi.u32 $0x68DB8BAD, s21;
	s10 =	sshra.s32 s21, $0x1F  }
0x2b0: {  	s21 =	sadd.s32 s11, s12;
	s28 =	spop (v2sf);
	s6 =	smul.u32 $0x68DB8BAD, s10  }
0x2b1: {  	[tilespmem:$0x2790] =	vst v4;
	s9 =	smulhi.u32 $0x68DB8BAD, s24;
	s12 =	sshra.s32 s24, $0x1F;
	s4 =	spop (v2sf)  }
0x2b2: {  	[tilespmem:$0x2890] =	vst v5;
	s14 =	sshra.s32 s14, $0xC;
	s10 =	smul.u32 $0x68DB8BAD, s12;
	s24 =	spop (v2sf)  }
0x2b3: {  	[tilespmem:$0x2810] =	vst v4;
	s12 =	sadd.s32 s25, s23;
	s25 =	smulhi.u32 $0x68DB8BAD, s24;
	s11 =	sshra.s32 s24, $0x1F  }
0x2b4: {  	[tilespmem:$0x2910] =	vst v5;
	s16 =	sadd.s32 s22, s19;
	s22 =	sshrl.u32 s20, $0x1F;
	s23 =	smul.u32 $0x68DB8BAD, s11  }
0x2b5: {  	[tilespmem:$0x27A0] =	vst v4;
	v8 =	vmov s22;
	s0 =	sadd.s32 s1, s0;
	s22 =	sshrl.u32 s21, $0x1F;
	s2 =	sadd.s32 s3, s2  }
0x2b6: {  	[tilespmem:$0x28A0] =	vst v5;
	s3 =	sshrl.u32 s13, $0x1F;
	s1 =	smulhi.u32 $0x68DB8BAD, s28;
	s19 =	sadd.s32 s23, s25  }
0x2b7: {  	[tilespmem:$0x2820] =	vst v4;
	v10 =	vmov s22;
	s22 =	sshrl.u32 s17, $0x1F;
	s5 =	sadd.s32 s6, s5;
	s25 =	sshra.s32 s19, $0x1F  }
0x2b8: {  	[tilespmem:$0x2920] =	vst v5;
	s6 =	sadd.s32 s10, s9;
	s24 =	sshra.s32 s28, $0x1F;
	s28 =	sshra.s32 s12, $0xC;
	v7 =	vmov s25  }
0x2b9: {  	[tilespmem:$0x27B0] =	vst v4;
	s9 =	smul.u32 $0x68DB8BAD, s24;
	s24 =	sshrl.u32 s12, $0x1F;
	s12 =	sshra.s32 s12, $0x1F;
	v7 =	vsel vm3, s28, v7  }
0x2ba: {  	[tilespmem:$0x28B0] =	vst v5;
	v8 =	vsel vm0, s8, v8;
	s10 =	smulhi.u32 $0x68DB8BAD, s4;
	s11 =	sshrl.u32 s15, $0x1F;
	s28 =	sshra.s32 s0, $0xC;
	v7 =	vsel vm9, s12, v7  }
0x2bb: {  	[tilespmem:$0x2830] =	vst v4;
	s4 =	sshra.s32 s4, $0x1F;
	v9 =	vmov s24;
	v8 =	vsel vm1, s11, v8;
	s25 =	sshrl.u32 s0, $0x1F;
	s0 =	sshra.s32 s0, $0x1F;
	v7 =	vsel vm0, s28, v7  }
0x2bc: {  	[tilespmem:$0x2930] =	vst v5;
	s4 =	smul.u32 $0x68DB8BAD, s4;
	s23 =	sshrl.u32 s18, $0x1F;
	v9 =	vnsel vm3, $0x0, v9;
	v8 =	vsel vm2, s3, v8;
	s12 =	sshra.s32 s2, $0xC;
	v7 =	vsel vm11, s0, v7  }
0x2bd: {  	[tilespmem:$0x27C0] =	vst v4;
	s11 =	sshrl.u32 s2, $0x1F;
	s24 =	sshrl.u32 s5, $0x1F;
	v10 =	vsel vm0, s23, v10;
	v9 =	vsel vm0, s25, v9;
	s2 =	sshra.s32 s2, $0x1F;
	v7 =	vsel vm1, s12, v7  }
0x2be: {  	[tilespmem:$0x28C0] =	vst v5;
	s1 =	sadd.s32 s9, s1;
	v10 =	vsel vm1, s22, v10;
	v9 =	vsel vm1, s11, v9;
	s11 =	sshra.s32 s20, $0xC;
	s28 =	sshra.s32 s5, $0xC;
	v7 =	vsel vm12, s2, v7  }
0x2bf: {  	[tilespmem:$0x2840] =	vst v4;
	s9 =	sshra.s32 s5, $0x1F;
	s25 =	sshrl.u32 s6, $0x1F;
	s20 =	sshra.s32 s21, $0xC;
	v9 =	vsel vm2, s24, v9;
	v11 =	vmov s11;
	v7 =	vsel vm2, s28, v7  }
0x2c0: {  	[tilespmem:$0x2940] =	vst v5;
	s8 =	sshrl.u32 s1, $0x1F;
	s23 =	sshra.s32 s18, $0xC;
	v12 =	vmov s20;
	v9 =	vsel vm4, s25, v9;
	s12 =	sshra.s32 s6, $0xC;
	v7 =	vsel vm13, s9, v7  }
0x2c1: {  	[tilespmem:$0x27D0] =	vst v4;
	s21 =	sshra.s32 s6, $0x1F;
	s0 =	sadd.s32 s4, s10;
	s4 =	sshrl.u32 s16, $0x1F;
	v11 =	vsel vm0, s14, v11;
	v12 =	vsel vm0, s23, v12;
	v7 =	vsel vm4, s12, v7  }
0x2c2: {  	[tilespmem:$0x28D0] =	vst v5;
	s22 =	sshra.s32 s15, $0xC;
	s24 =	sshra.s32 s1, $0xC;
	v10 =	vsel vm2, s4, v10;
	v9 =	vsel vm5, s8, v9;
	s10 =	sshrl.u32 s0, $0x1F;
	v7 =	vsel vm14, s21, v7  }
0x2c3: {  	[tilespmem:$0x2850] =	vst v4;
	s1 =	sshra.s32 s1, $0x1F;
	s25 =	sshra.s32 s13, $0xC;
	v11 =	vsel vm1, s22, v11;
	v9 =	vsel vm6, s10, v9;
	s28 =	sshra.s32 s17, $0xC;
	v7 =	vsel vm5, s24, v7  }
0x2c4: {  	[tilespmem:$0x2950] =	vst v5;
	s3 =	sshra.s32 s16, $0xC;
	s4 =	sshra.s32 s0, $0xC;
	v11 =	vsel vm2, s25, v11;
	v12 =	vsel vm1, s28, v12;
	v7 =	vsel vm15, s1, v7  }
0x2c5: {  	[tilespmem:$0x27E0] =	vst v4;
	s5 =	sshrl.u32 s19, $0x1F;
	s0 =	sshra.s32 s0, $0x1F;
	v8 =	vcombine.low v10, v8;
	v12 =	vsel vm2, s3, v12;
	v7 =	vsel vm6, s4, v7  }
0x2c6: {  	[tilespmem:$0x28E0] =	vst v5;
	s6 =	sshra.s32 s19, $0xC;
	v9 =	vsel vm7, s5, v9;
	v61 =	vcombine.low v12, v11;
	v7 =	vsel vm10, s0, v7  }
0x2c7: {  	v62 =	vld [tilespmem:$0x2707];
	[tilespmem:$0x2860] =	vst v4;
	v8 =	vperm.xlane v8, v2;
	v9 =	vperm.xlane v9, v3;
	v7 =	vsel vm7, s6, v7  }
0x2c8: {  	[tilespmem:$0x2960] =	vst v5;
	v10 =	vperm.xlane v61, v2;
	v7 =	vperm.xlane v7, v3  }
0x2c9: {  	[tilespmem:$0x27F0] =	vst v4  }
0x2ca: {  	[tilespmem:$0x28F0] =	vst v5;
	v8 =	vsel vm8, v9, v8;
	v7 =	vsel vm8, v7, v10  }
0x2cb: {  	[tilespmem:$0x2870] =	vst v4;
	v7 =	vadd.s32 v8, v7  }
0x2cc: {  	[tilespmem:$0x2970] =	vst v5;
	vm9 =	veq.s32 v6, v62;
	v8 =	vmul.u32 $0xFFFFD8F0, v7  }
0x2cd: {  	v63 =	vsel vm9, $0x2718, v7;
	[tilespmem:$0x2900] =	vst v7  }
0x2ce: {  	[tilespmem:$0x2780] =	vst v63;
	v6 =	vadd.s32 v6, v8  }
0x2cf: {  	v8 =	vsel vm9, $0x2718, v6;
	[tilespmem:$0x2880] =	vst v6  }
0x2d0: {  	s8 =	simm.s32 $0x80;
	s10 =	simm.s32 $0xA980;
	s9 =	simm.s32 $0x2780;
	[tilespmem:$0x2800] =	vst v8  }
0x2d1: {  	[spmem:s31] =	stream.indirect.scatter.add.f32 [tilespmem:s10], [sflag:$0x2], $0x1, s9, s8, $0xb8;
	[tilespmem:$0x1EF00] =	vst v63  }
0x2d2: {  	_ =	swait.ge [sflag:s26], $0x80  }
0x2d3: {  	[sflag:s26] =	ssyncset.done $0x0  }
0x2d4: {  	s11 =	simm.s32 $0x2800;
	[sflag:s26] =	ssyncadd.s32 $0xFFFFFF80  }
0x2d5: {  	[spmem:s31] =	stream.indirect.scatter.add.f32 [tilespmem:s10], [sflag:$0x2], $0x1, s11, s8, $0xb8;
	[tilespmem:$0x1EF00] =	vst v63  }
0x2d6: {  	_ =	swait.ge [sflag:s26], $0x80  }
0x2d7: {  	[sflag:s26] =	ssyncset.done $0x0  }
0x2d8: {  	s13 =	simm.s32 $0x1;
	s12 =	simm.s32 $0x2880;
	[sflag:s26] =	ssyncadd.s32 $0xFFFFFF80  }
0x2d9: {  	[tilespmem:s7], [sflag:$0x1] =	stream.indirect.gather [hbm4b:s29+s8], $0x80, s12, s8, $0xb8;
	[tilespmem:$0x1EF00] =	vst v63  }
0x2da: {  	_ =	swait.ge [sflag:s13], $0x4000  }
0x2db: {  	[sflag:s13] =	ssyncset.done $0x0  }
0x2dc: {  	[sflag:s13] =	ssyncadd.s32 $0xFFFFC000  }
0x2dd: {  	[spmem:s30] =	stream.indirect.scatter.add.f32 [tilespmem:s7], [sflag:$0x2], $0x80, s9, s8, $0xb8;
	[tilespmem:$0x1EF00] =	vst v63  }
0x2de: {  	_ =	swait.ge [sflag:s26], $0x4000  }
0x2df: {  	[sflag:s26] =	ssyncset.done $0x0  }
0x2e0: {  	s15 =	simm.s32 $0x2900;
	s14 =	simm.s32 $0x6980;
	[sflag:s26] =	ssyncadd.s32 $0xFFFFC000  }
0x2e1: {  	[tilespmem:s14], [sflag:$0x1] =	stream.indirect.gather [hbm4b:s29+s8], $0x80, s15, s8, $0xb8;
	[tilespmem:$0x1EF00] =	vst v63  }
0x2e2: {  	_ =	swait.ge [sflag:s13], $0x4000  }
0x2e3: {  	[sflag:s13] =	ssyncset.done $0x0  }
0x2e4: {  	[sflag:s13] =	ssyncadd.s32 $0xFFFFC000  }
0x2e5: {  	[spmem:s30] =	stream.indirect.scatter.add.f32 [tilespmem:s14], [sflag:$0x2], $0x80, s11, s8, $0xb8;
	[tilespmem:$0x1EF00] =	vst v63  }
0x2e6: {  	_ =	swait.ge [sflag:s26], $0x4000  }
0x2e7: {  	[sflag:s26] =	ssyncset.done $0x0  }
0x2e8: {  	[sflag:s26] =	ssyncadd.s32 $0xFFFFC000  }
0x2e9: {  	[bflag:$0x0] =	sbarrier.arrive $0xFFFF  }
0x2ea: {  	s16 =	rddreg [dreg:$0xc]  }
0x2eb: {  	[tilespmem:s7], [sflag:$0x2] =	stream.linear.gather [spmem:s16], $0x4000, $0x38;
	[tilespmem:$0x1EF00] =	vst v63  }
0x2ec: {  	_ =	swait.ge [sflag:s26], $0x4000  }
0x2ed: {  	[sflag:s26] =	ssyncset.done $0x0  }
0x2ee: {  	s4 =	simm.s32 $0x0;
	s17 =	rddreg [dreg:$0xe];
	[sflag:s26] =	ssyncadd.s32 $0xFFFFC000  }
0x2ef: {  	[hbm4b:s17+s4] =	stream.linear.scatter [tilespmem:s7], [sflag:$0x2], $0x4000, $0x38;
	[tilespmem:$0x1EF00] =	vst v63  }
0x2f0: {  	_ =	swait.ge [sflag:s26], $0x4000  }
0x2f1: {  	[sflag:s26] =	ssyncset.done $0x0  }
0x2f2: {  	s18 =	rddreg [dreg:$0xf];
	[sflag:s26] =	ssyncadd.s32 $0xFFFFC000  }
0x2f3: {  	[tilespmem:s7], [sflag:$0x2] =	stream.linear.gather [spmem:s18], $0x4000, $0x38;
	[tilespmem:$0x1EF00] =	vst v63  }
0x2f4: {  	_ =	swait.ge [sflag:s26], $0x4000  }
0x2f5: {  	[sflag:s26] =	ssyncset.done $0x0  }
0x2f6: {  	s19 =	rddreg [dreg:$0x10];
	[sflag:s26] =	ssyncadd.s32 $0xFFFFC000  }
0x2f7: {  	[hbm4b:s19+s4] =	stream.linear.scatter [tilespmem:s7], [sflag:$0x2], $0x4000, $0x38;
	[tilespmem:$0x1EF00] =	vst v63  }
0x2f8: {  	_ =	swait.ge [sflag:s26], $0x4000  }
0x2f9: {  	[sflag:s26] =	ssyncset.done $0x0  }
0x2fa: {  	s20 =	rddreg [dreg:$0x11];
	[sflag:s26] =	ssyncadd.s32 $0xFFFFC000  }
0x2fb: {  	[tilespmem:s7], [sflag:$0x2] =	stream.linear.gather [spmem:s20], $0x4000, $0x38;
	[tilespmem:$0x1EF00] =	vst v63  }
0x2fc: {  	_ =	swait.ge [sflag:s26], $0x4000  }
0x2fd: {  	[sflag:s26] =	ssyncset.done $0x0  }
0x2fe: {  	s21 =	rddreg [dreg:$0x12];
	[sflag:s26] =	ssyncadd.s32 $0xFFFFC000  }
0x2ff: {  	[hbm4b:s21+s4] =	stream.linear.scatter [tilespmem:s7], [sflag:$0x2], $0x4000, $0x38;
	[tilespmem:$0x1EF00] =	vst v63  }
0x300: {  	_ =	swait.ge [sflag:s26], $0x4000  }
0x301: {  	[sflag:s26] =	ssyncset.done $0x0  }
0x302: {  	s22 =	rddreg [dreg:$0x13];
	[sflag:s26] =	ssyncadd.s32 $0xFFFFC000  }
0x303: {  	[tilespmem:s7], [sflag:$0x2] =	stream.linear.gather [spmem:s22], $0x4000, $0x38;
	[tilespmem:$0x1EF00] =	vst v63  }
0x304: {  	_ =	swait.ge [sflag:s26], $0x4000  }
0x305: {  	[sflag:s26] =	ssyncset.done $0x0  }
0x306: {  	s23 =	rddreg [dreg:$0x14];
	[sflag:s26] =	ssyncadd.s32 $0xFFFFC000  }
0x307: {  	[hbm4b:s23+s4] =	stream.linear.scatter [tilespmem:s7], [sflag:$0x2], $0x4000, $0x38;
	[tilespmem:$0x1EF00] =	vst v63  }
0x308: {  	_ =	swait.ge [sflag:s26], $0x4000  }
0x309: {  	[sflag:s26] =	ssyncset.done $0x0  }
0x30a: {  	s24 =	rddreg [dreg:$0x15];
	[sflag:s26] =	ssyncadd.s32 $0xFFFFC000  }
0x30b: {  	[tilespmem:s7], [sflag:$0x2] =	stream.linear.gather [spmem:s24], $0x4000, $0x38;
	[tilespmem:$0x1EF00] =	vst v63  }
0x30c: {  	_ =	swait.ge [sflag:s26], $0x4000  }
0x30d: {  	[sflag:s26] =	ssyncset.done $0x0  }
0x30e: {  	s25 =	rddreg [dreg:$0x16];
	[sflag:s26] =	ssyncadd.s32 $0xFFFFC000  }
0x30f: {  	[hbm4b:s25+s4] =	stream.linear.scatter [tilespmem:s7], [sflag:$0x2], $0x4000, $0x38;
	[tilespmem:$0x1EF00] =	vst v63  }
0x310: {  	_ =	swait.ge [sflag:s26], $0x4000  }
0x311: {  	[sflag:s26] =	ssyncset.done $0x0  }
0x312: {  	s2 =	simm.s32 $0xAA00;
	s1 =	rddreg [dreg:$0xb];
	[sflag:s26] =	ssyncadd.s32 $0xFFFFC000  }
0x313: {  	[tilespmem:s2], [sflag:$0x2] =	stream.linear.gather [spmem:s1], $0x280, $0x38;
	[tilespmem:$0x1EF00] =	vst v63  }
0x314: {  	_ =	swait.ge [sflag:s26], $0x280  }
0x315: {  	[sflag:s26] =	ssyncset.done $0x0  }
0x316: {  	s28 =	rddreg [dreg:$0x17];
	[sflag:s26] =	ssyncadd.s32 $0xFFFFFD80  }
0x317: {  	[hbm4b:s28+s4] =	stream.linear.scatter [tilespmem:s2], [sflag:$0x2], $0x280, $0x38;
	[tilespmem:$0x1EF00] =	vst v63  }
0x318: {  	_ =	swait.ge [sflag:s26], $0x280  }
0x319: {  	s29 =	rddreg [dreg:$0x19]  }
0x31a: {  	s30 =	rddreg [dreg:$0x18];
	s3 =	sadd.s32 $0x1, s29  }
0x31b: {  	p0 =	sne.s32 s3, s30  }
.Ltmp2:
0x31c: {  	_ = 	snop;
	(pc) =	sbr.rel @p0 .LBB2_1-.Ltmp2, $3  }
0x31d: {  	_ =	sdelay $0x1  }
0x31e: {  	[sflag:s26] =	ssyncset.done $0x0  }
0x31f: {  	[sflag:s26] =	ssyncadd.s32 $0xFFFFFD80  }
0x320: {  	_ =	sfence.sel $0x180000  }
0x321: {  	[bflag:$0x0] =	sbarrier.arrive $0xFFFF  }
0x322: {  	_ =	strace $0x90000047  }
0x323: {  	s0 =	stileid.u32;
	[bflag:$0x2] =	sbarrier.arrive $0xFFFF  }
0x324: {  	p0 =	sne.s32 s0, $0x0;
	s0 =	rddreg [dreg:$0x5]  }
0x325: {  	s0 =	sadd.s32 @!p0 $0x100000, s0  }
0x326: {  	[sflag:s0] =	ssyncadd.tile.s32 @!p0 $0x1;
	_ =	shalt  }
.Lfunc_end2:
_tile_overlayer_lowered:
.L_overlay_start_2:
0x327: {  	(tag) =	ssettag $0x2  }
0x328: {  	s0 =	rddreg [dreg:$0x0];
	s2 =	stileid.u32  }
0x329: {  	s1 =	rddreg [dreg:$0x1];
	p0 =	sne.s32 s2, $0x0  }
0x32a: {  	s3 =	rddreg [dreg:$0x2];
	[bflag:$0x3] =	sbarrier.arrive $0xFFFF;
	s2 =	simm.s32 @!p0 $0x1C02  }
0x32b: {  	[timem:s3], [sflag:s2] =	dma.local @!p0 [hbm:s0], s1  }
0x32c: {  	s0 =	simm.s32 @!p0 $0x2  }
0x32d: {  	_ =	swait.ge @!p0 [sflag:s0], s1  }
0x32e: {  	s1 =	ssub.s32 @!p0 $0x0, s1;
	[sflag:s0] =	ssyncset.done @!p0 $0x0  }
0x32f: {  	[sflag:s0] =	ssyncadd.s32 @!p0 s1  }
0x330: {  	[bflag:$0x3] =	sbarrier.arrive $0xFFFF  }
0x331: {  	_ =	shalt  }

</sc_bundles>
